<compile_context>
chip_gen: v7x
topology: tpu7x:2x2x1
jax: 0.10.2.dev20260603
libtpu: 0.0.44.dev20260713+nightly
codegen_flags: <defaults>
</compile_context>

<pallas_src>
import functools

import jax
import jax.numpy as jnp
from jax import lax
from jax.experimental import pallas as pl
from jax.experimental.pallas import tpu as pltpu
from jax.experimental.pallas import tpu_sc as plsc

_N = 10000
_NPAD = 10240
_E = 320000
_HID = 128
_D0 = 144
_NG = 16
_NCLS = 8
_NC = 2
_NS = 16
_NW = _NC * _NS
_RPO = _NPAD // _NW
_CH = 128
_CPT = 88
_G = _NW * _CPT

_F32 = jnp.float32


def _dot(a, b):
    return lax.dot_general(a, b, (((1,), (0,)), ((), ())),
                           preferred_element_type=_F32,
                           precision=lax.Precision.DEFAULT)


def _elu(x):
    return jnp.where(x > 0, x, 0.1 * (jnp.exp(jnp.minimum(x, 0.0)) - 1.0))


def _bf(a):
    while a.shape[0] > 1:
        k = a.shape[0] // 2
        a = a[:k] + a[k:]
    return a


def _sc_segsum(x, e4, zrows):
    d = x.shape[1]
    mesh = plsc.VectorSubcoreMesh(core_axis_name="c", subcore_axis_name="s")

    @functools.partial(
        pl.kernel,
        out_type=jax.ShapeDtypeStruct((_NPAD, d), _F32),
        mesh=mesh,
        compiler_params=pltpu.CompilerParams(
            use_tc_tiling_on_sc=(d % 128 == 0)),
        scratch_types=[
            pltpu.VMEM((4, 2, _CH), jnp.int32),
            pltpu.VMEM((4, _CH, d), _F32),
            pltpu.VMEM_SHARED((_NPAD // 2, d), _F32),
            pltpu.SemaphoreType.DMA,
        ],
    )
    def k(x_hbm, e_hbm, z_hbm, out_hbm, idx_v, rows_v, acc_sh, sem):
        c = lax.axis_index("c")
        s = lax.axis_index("s")
        w = s * 2 + c
        row0 = s * _RPO
        pltpu.sync_copy(z_hbm, acc_sh.at[pl.ds(row0, _RPO)])
        plsc.subcore_barrier()

        for p in range(3):
            pltpu.sync_copy(e_hbm.at[w, p], idx_v.at[p])
            pltpu.async_copy(x_hbm.at[idx_v.at[p, 0]], rows_v.at[p], sem)

        def body(j, carry):
            b = lax.rem(j, 4)
            nb = lax.rem(j + 3, 4)

            @pl.when(j + 3 < _CPT)
            def _():
                pltpu.sync_copy(e_hbm.at[w, j + 3], idx_v.at[nb])
                pltpu.async_copy(x_hbm.at[idx_v.at[nb, 0]], rows_v.at[nb],
                                 sem)

            pltpu.make_async_copy(x_hbm.at[idx_v.at[b, 0]], rows_v.at[b],
                                  sem).wait()
            pltpu.sync_copy(rows_v.at[b], acc_sh.at[idx_v.at[b, 1]],
                            add=True)
            return carry

        lax.fori_loop(0, _CPT, body, 0)
        plsc.subcore_barrier()
        pltpu.sync_copy(acc_sh.at[pl.ds(row0, _RPO)],
                        out_hbm.at[pl.ds(w * _RPO, _RPO)])

    return k(x, e4, zrows)


def _stats(h_ref):
    def half(lo):
        def step(i, acc):
            return acc + h_ref[pl.ds(lo + i * 8, 8), :]
        return lax.fori_loop(0, 625, step, jnp.zeros((8, _HID), _F32))

    mu = (_bf(half(0)) + _bf(half(5000))) * (1.0 / _N)

    def halfv(lo):
        def step(i, acc):
            dv = h_ref[pl.ds(lo + i * 8, 8), :] - mu
            return acc + dv * dv
        return lax.fori_loop(0, 625, step, jnp.zeros((8, _HID), _F32))

    var = (_bf(halfv(0)) + _bf(halfv(5000))) * (1.0 / _N)
    return mu, var


def _tc_layer(x, agg, w1, b1, gamma, beta, w2, b2):
    def body(x_ref, a_ref, w1_ref, b1_ref, g_ref, be_ref, w2_ref, b2_ref,
             o_ref, h_s):
        hin = x_ref[...] + a_ref[...]
        h_s[...] = _dot(hin, w1_ref[...]) + b1_ref[...]
        mu, var = _stats(h_s)
        hn = (h_s[...] - mu) / jnp.sqrt(var + 1e-5) * g_ref[...] + be_ref[...]
        hn = jnp.maximum(hn, 0.0)
        h2 = _dot(hn, w2_ref[...]) + b2_ref[...]
        rows = lax.broadcasted_iota(jnp.int32, (_NPAD, 1), 0)
        o_ref[...] = jnp.where(rows < _N, h2, 0.0)

    return pl.pallas_call(
        body,
        out_shape=jax.ShapeDtypeStruct((_NPAD, _HID), _F32),
        scratch_shapes=[pltpu.VMEM((_NPAD, _HID), _F32)],
    )(x, agg, w1, b1, gamma, beta, w2, b2)


def _tc_final(x, batch_pad, g0, cw1a, cw1b, cw1c, cb1, cgamma, cbeta,
              cw2, cb2):
    def body(x_ref, batch_ref, g0_ref, w1a_ref, w1b_ref, w1c_ref, cb1_ref,
             cg_ref, cbe_ref, cw2_ref, cb2_ref, o_ref):
        xf = x_ref[...]
        b = batch_ref[...]
        gids = lax.broadcasted_iota(jnp.int32, (_NPAD, _NG), 1)
        oh = (b == gids).astype(_F32)
        cnt = jnp.sum(oh, axis=0, keepdims=True)
        sums = lax.dot_general(oh, xf, (((0,), (0,)), ((), ())),
                               preferred_element_type=_F32,
                               precision=lax.Precision.HIGHEST)
        mp = sums / jnp.maximum(cnt, 1.0).reshape(_NG, 1)
        mx_list = []
        for g in range(_NG):
            sel = jnp.where(b == g, xf, -jnp.inf)
            mx_list.append(jnp.max(sel, axis=0, keepdims=True))
        mx = jnp.concatenate(mx_list, axis=0)

        z = (_dot(mp, w1a_ref[...]) + _dot(mx, w1b_ref[...])
             + _dot(g0_ref[...], w1c_ref[...]) + cb1_ref[...])
        z = _elu(z)
        zmu = _bf(z) * (1.0 / _NG)
        zd = z - zmu
        zvar = _bf(zd * zd) * (1.0 / _NG)
        zn = zd / jnp.sqrt(zvar + 1e-5) * cg_ref[...] + cbe_ref[...]
        logits = _dot(zn, cw2_ref[...]) + cb2_ref[...]
        lmax = jnp.max(logits, axis=1, keepdims=True)
        e = jnp.exp(logits - lmax)
        o_ref[...] = e / jnp.sum(e, axis=1, keepdims=True)

    return pl.pallas_call(
        body,
        out_shape=jax.ShapeDtypeStruct((_NG, _NCLS), _F32),
    )(x, batch_pad, g0, cw1a, cw1b, cw1c, cb1, cgamma, cbeta, cw2, cb2)


def kernel(h0, coord0, g0, edge_index, batch,
           gin0_W1, gin0_b1, gin0_gamma, gin0_beta, gin0_W2, gin0_b2,
           gin1_W1, gin1_b1, gin1_gamma, gin1_beta, gin1_W2, gin1_b2,
           gin2_W1, gin2_b1, gin2_gamma, gin2_beta, gin2_W2, gin2_b2,
           cls_W1, cls_b1, cls_gamma, cls_beta, cls_W2, cls_b2):
    x0 = jnp.concatenate([h0, coord0], axis=1)
    d0 = x0.shape[1]
    x0p = jnp.zeros((_NPAD, _D0), _F32).at[:_N, :d0].set(x0)
    w10 = jnp.zeros((_D0, _HID), _F32).at[:d0].set(gin0_W1)

    src = edge_index[0]
    dst = edge_index[1]
    owner = dst // _RPO
    dst_local = (owner // 2) * _RPO + (dst - owner * _RPO)

    oh = (owner[:, None] == jnp.arange(_NW)[None, :]).astype(jnp.int32)
    rank = jnp.take_along_axis(jnp.cumsum(oh, axis=0), owner[:, None],
                               axis=1)[:, 0] - 1
    pos = owner * (_CPT * _CH) + rank
    src_s = src

    slot_owner = jnp.repeat(jnp.arange(_NW), _CPT)
    pad_dst = jnp.repeat((slot_owner // 2) * _RPO, _CH)
    pad_src = (_N + jnp.arange(_G * _CH) % (_NPAD - _N)).astype(jnp.int32)
    flat_src = pad_src.at[pos].set(src_s)
    flat_dst = pad_dst.astype(jnp.int32).at[pos].set(dst_local)
    e4 = jnp.stack([flat_src.reshape(_NW, _CPT, _CH),
                    flat_dst.reshape(_NW, _CPT, _CH)], axis=2)

    zrows0 = jnp.zeros((_RPO, _D0), _F32)
    zrows = jnp.zeros((_RPO, _HID), _F32)
    batch_pad = jnp.full((_NPAD, 1), _NG, jnp.int32).at[:_N, 0].set(batch)

    def row(v):
        return v.reshape(1, -1)

    gins = [
        (w10, gin0_b1, gin0_gamma, gin0_beta, gin0_W2, gin0_b2),
        (gin1_W1, gin1_b1, gin1_gamma, gin1_beta, gin1_W2, gin1_b2),
        (gin2_W1, gin2_b1, gin2_gamma, gin2_beta, gin2_W2, gin2_b2),
    ]

    x = x0p
    for i in range(3):
        w1, b1, gamma, beta, w2, b2 = gins[i]
        agg = _sc_segsum(x, e4, zrows0 if i == 0 else zrows)
        h2 = _tc_layer(x, agg, w1, row(b1), row(gamma), row(beta), w2,
                       row(b2))
        x = jax.nn.elu(h2, alpha=0.1)

    out = _tc_final(
        x, batch_pad, g0,
        cls_W1[:_HID], cls_W1[_HID:2 * _HID], cls_W1[2 * _HID:],
        row(cls_b1), row(cls_gamma), row(cls_beta), cls_W2, row(cls_b2))
    return out

# --- scband reference (transcript-rebuilt; emitter-appended) ---
"""Pipeline reference for scband-gin-gnn-58737972740393 (READ-ONLY COPY).

The authoritative reference and input builder live on the scoring server;
editing this copy changes nothing except your own understanding.
"""

import jax, jax.numpy as jnp
import numpy as np

N = 10000
E = 320000
D_NODE = 128
N_GRAPHS = 16
D_GRAPH = 16
HID = 128
N_CLASSES = 8
N_LAYERS = 3

FLOATS = ["h0", "coord0", "g0"] + [f"gin{i}_{p}" for i in range(N_LAYERS) for p in ["W1", "b1", "gamma", "beta", "W2", "b2"]] + ["cls_" + p for p in ["W1", "b1", "gamma", "beta", "W2", "b2"]]


def setup_inputs(seed: int = 0):
    key = jax.random.key(seed)
    def k(i):
        return jax.random.fold_in(key, i)
    inp = {}
    inp["h0"] = jax.random.normal(k(0), (N, D_NODE), dtype=jnp.float32)
    inp["coord0"] = jax.random.normal(k(1), (N, 3), dtype=jnp.float32)
    inp["g0"] = jax.random.normal(k(2), (N_GRAPHS, D_GRAPH), dtype=jnp.float32)
    inp["edge_index"] = jax.random.randint(k(3), (2, E), 0, N, dtype=jnp.int32)
    inp["batch"] = jnp.sort(jax.random.randint(k(4), (N,), 0, N_GRAPHS, dtype=jnp.int32))
    dims_in = [D_NODE + 3] + [HID] * (N_LAYERS - 1)
    ki = 10
    for i in range(N_LAYERS):
        fan = dims_in[i]
        inp[f"gin{i}_W1"] = jax.random.normal(k(ki), (fan, HID), dtype=jnp.float32) / np.sqrt(fan); ki += 1
        inp[f"gin{i}_b1"] = jnp.zeros((HID,), jnp.float32)
        inp[f"gin{i}_gamma"] = jnp.ones((HID,), jnp.float32)
        inp[f"gin{i}_beta"] = jnp.zeros((HID,), jnp.float32)
        inp[f"gin{i}_W2"] = jax.random.normal(k(ki), (HID, HID), dtype=jnp.float32) / np.sqrt(HID); ki += 1
        inp[f"gin{i}_b2"] = jnp.zeros((HID,), jnp.float32)
    cin = 2 * HID + D_GRAPH
    inp["cls_W1"] = jax.random.normal(k(30), (cin, HID), dtype=jnp.float32) / np.sqrt(cin)
    inp["cls_b1"] = jnp.zeros((HID,), jnp.float32)
    inp["cls_gamma"] = jnp.ones((HID,), jnp.float32)
    inp["cls_beta"] = jnp.zeros((HID,), jnp.float32)
    inp["cls_W2"] = jax.random.normal(k(31), (HID, N_CLASSES), dtype=jnp.float32) / np.sqrt(HID)
    inp["cls_b2"] = jnp.zeros((N_CLASSES,), jnp.float32)
    return inp


def _forward(p, edge_index, batch):
    # GIN_GNN.forward: concat coords, run 1+num_gin GINActivatedModule layers,
    # mean+max graph pooling, concat graph features, MLP classifier with softmax.
    x = jnp.concatenate([p["h0"], p["coord0"]], axis=1)
    src = edge_index[0]
    dst = edge_index[1]
    for i in range(N_LAYERS):
        # GINConv with eps=0: MLP(x + sum_{j->i} x_j)
        agg = jax.ops.segment_sum(x[src], dst, num_segments=x.shape[0])
        h = x + agg
        h = h @ p[f"gin{i}_W1"] + p[f"gin{i}_b1"]
        mu = h.mean(axis=0)
        var = h.var(axis=0)
        h = (h - mu) / jnp.sqrt(var + 1e-5) * p[f"gin{i}_gamma"] + p[f"gin{i}_beta"]
        h = jax.nn.relu(h)
        h = h @ p[f"gin{i}_W2"] + p[f"gin{i}_b2"]
        x = jax.nn.elu(h, alpha=0.1)
    # GraphPooler: global mean pool + global max pool
    cnt = jax.ops.segment_sum(jnp.ones((x.shape[0],), jnp.float32), batch, num_segments=N_GRAPHS)
    mean_pool = jax.ops.segment_sum(x, batch, num_segments=N_GRAPHS) / jnp.maximum(cnt, 1.0)[:, None]
    max_pool = jax.ops.segment_max(x, batch, num_segments=N_GRAPHS)
    z = jnp.concatenate([mean_pool, max_pool, p["g0"]], axis=1)
    # Classifier: Linear -> ELU(0.1) -> BatchNorm1d -> Linear -> Softmax
    z = z @ p["cls_W1"] + p["cls_b1"]
    z = jax.nn.elu(z, alpha=0.1)
    mu = z.mean(axis=0)
    var = z.var(axis=0)
    z = (z - mu) / jnp.sqrt(var + 1e-5) * p["cls_gamma"] + p["cls_beta"]
    z = z @ p["cls_W2"] + p["cls_b2"]
    return jax.nn.softmax(z, axis=1)


def reference(h0, coord0, g0, edge_index, batch,
              gin0_W1, gin0_b1, gin0_gamma, gin0_beta, gin0_W2, gin0_b2,
              gin1_W1, gin1_b1, gin1_gamma, gin1_beta, gin1_W2, gin1_b2,
              gin2_W1, gin2_b1, gin2_gamma, gin2_beta, gin2_W2, gin2_b2,
              cls_W1, cls_b1, cls_gamma, cls_beta, cls_W2, cls_b2):
    p = {
        "h0": h0, "coord0": coord0, "g0": g0,
        "gin0_W1": gin0_W1, "gin0_b1": gin0_b1, "gin0_gamma": gin0_gamma,
        "gin0_beta": gin0_beta, "gin0_W2": gin0_W2, "gin0_b2": gin0_b2,
        "gin1_W1": gin1_W1, "gin1_b1": gin1_b1, "gin1_gamma": gin1_gamma,
        "gin1_beta": gin1_beta, "gin1_W2": gin1_W2, "gin1_b2": gin1_b2,
        "gin2_W1": gin2_W1, "gin2_b1": gin2_b1, "gin2_gamma": gin2_gamma,
        "gin2_beta": gin2_beta, "gin2_W2": gin2_W2, "gin2_b2": gin2_b2,
        "cls_W1": cls_W1, "cls_b1": cls_b1, "cls_gamma": cls_gamma,
        "cls_beta": cls_beta, "cls_W2": cls_W2, "cls_b2": cls_b2,
    }
    return _forward(p, edge_index, batch)

if __name__ == "__main__":
    import jax
    _d = setup_inputs()
    print(jax.jit(kernel)(*tuple(_d.values())))

</pallas_src>

<mosaic_0001>
#map = affine_map<(d0, d1) -> (0, 0)>
#map1 = affine_map<(d0, d1) -> (0, 0, 0, 0)>
module attributes {stable_mosaic.version = 14 : i64} {
  func.func @k(%arg0: i32, %arg1: i32, %arg2: memref<10240x144xf32, #tpu.memory_space<hbm>>, %arg3: memref<32x88x2x128xi32, #tpu.memory_space<hbm>>, %arg4: memref<320x144xf32, #tpu.memory_space<hbm>>, %arg5: memref<10240x144xf32, #tpu.memory_space<hbm>>, %arg6: memref<4x2x128xi32, #tpu.memory_space<vmem>>, %arg7: memref<4x128x144xf32, #tpu.memory_space<vmem>>, %arg8: memref<5120x144xf32, #tpu.memory_space<vmem_shared>>, %arg9: memref<!tpu.dma_semaphore, #tpu.memory_space<semaphore_mem>>) attributes {dimension_semantics = [#tpu.dimension_semantics<core_parallel>, #tpu.dimension_semantics<subcore_parallel>], iteration_bounds = array<i64: 2, 16>, scalar_prefetch = 0 : i64, scratch_operands = 4 : i64, tpu.core_type = #tpu.core_type<sc_vector_subcore>, window_params = [{transform_indices = #map}, {transform_indices = #map1}, {transform_indices = #map}, {transform_indices = #map}]} {
    %mul3A = arith.constant 2 : i32
    %mul3A_0 = arith.muli %arg1, %mul3A : i32
    %add3A = arith.addi %mul3A_0, %arg0 : i32
    %mul3A_1 = arith.constant 320 : i32
    %mul3A_2 = arith.muli %arg1, %mul3A_1 : i32
    "tpu.region"() ({
      %run_scoped3A_54 = tpu.sem_alloc : memref<!tpu.dma_semaphore, #tpu.memory_space<semaphore_mem>>
      %dma_start3A_55 = arith.constant 0 : i32
      %dma_start3A_56 = tpu.memref_slice %arg8[%mul3A_2, %dma_start3A_55] : memref<5120x144xf32, #tpu.memory_space<vmem_shared>> -> memref<320x144xf32, #tpu.memory_space<vmem_shared>>
      tpu.enqueue_dma source(%arg4 : memref<320x144xf32, #tpu.memory_space<hbm>>) target(%dma_start3A_56 : memref<320x144xf32, #tpu.memory_space<vmem_shared>>) target_semaphore(%run_scoped3A_54 : memref<!tpu.dma_semaphore, #tpu.memory_space<semaphore_mem>>)
      %dma_wait3A = arith.constant 0 : i32
      %dma_wait3A_57 = tpu.memref_slice %arg8[%mul3A_2, %dma_wait3A] : memref<5120x144xf32, #tpu.memory_space<vmem_shared>> -> memref<320x144xf32, #tpu.memory_space<vmem_shared>>
      tpu.wait_dma2 semaphore(%run_scoped3A_54 : memref<!tpu.dma_semaphore, #tpu.memory_space<semaphore_mem>>) src(%arg4 : memref<320x144xf32, #tpu.memory_space<hbm>>) dst(%dma_wait3A_57 : memref<320x144xf32, #tpu.memory_space<vmem_shared>>)
      tpu.yield
    }) : () -> ()
    %barrier3A = arith.constant 0 : index
    tpu.barrier barrier_id(%barrier3A)
    %run_scoped3A = arith.constant 0 : i32
    %run_scoped3A_3 = arith.constant 0 : i32
    "tpu.region"() ({
      %run_scoped3A_54 = tpu.sem_alloc : memref<!tpu.dma_semaphore, #tpu.memory_space<semaphore_mem>>
      %dma_start3A_55 = arith.constant 0 : i32
      %dma_start3A_56 = arith.constant 0 : i32
      %dma_start3A_57 = tpu.memref_slice %arg6[%run_scoped3A_3, %dma_start3A_55, %dma_start3A_56] : memref<4x2x128xi32, #tpu.memory_space<vmem>> -> memref<1x2x128xi32, #tpu.memory_space<vmem>>
      %dma_start3A_58 = tpu.memref_squeeze %dma_start3A_57 : memref<1x2x128xi32, #tpu.memory_space<vmem>> -> memref<2x128xi32, #tpu.memory_space<vmem>>
      %dma_start3A_59 = arith.constant 0 : i32
      %dma_start3A_60 = arith.constant 0 : i32
      %dma_start3A_61 = tpu.memref_slice %arg3[%add3A, %run_scoped3A, %dma_start3A_59, %dma_start3A_60] : memref<32x88x2x128xi32, #tpu.memory_space<hbm>> -> memref<1x1x2x128xi32, #tpu.memory_space<hbm>>
      %dma_start3A_62 = tpu.memref_squeeze %dma_start3A_61 : memref<1x1x2x128xi32, #tpu.memory_space<hbm>> -> memref<2x128xi32, #tpu.memory_space<hbm>>
      %dma_start3A_63 = arith.constant 0 : i32
      %dma_start3A_64 = arith.constant 0 : i32
      %dma_start3A_65 = tpu.memref_slice %arg6[%run_scoped3A_3, %dma_start3A_63, %dma_start3A_64] : memref<4x2x128xi32, #tpu.memory_space<vmem>> -> memref<1x2x128xi32, #tpu.memory_space<vmem>>
      %dma_start3A_66 = tpu.memref_squeeze %dma_start3A_65 : memref<1x2x128xi32, #tpu.memory_space<vmem>> -> memref<2x128xi32, #tpu.memory_space<vmem>>
      %dma_start3A_67 = arith.constant 0 : i32
      %dma_start3A_68 = arith.constant 0 : i32
      %dma_start3A_69 = tpu.memref_slice %arg3[%add3A, %run_scoped3A, %dma_start3A_67, %dma_start3A_68] : memref<32x88x2x128xi32, #tpu.memory_space<hbm>> -> memref<1x1x2x128xi32, #tpu.memory_space<hbm>>
      %dma_start3A_70 = tpu.memref_squeeze %dma_start3A_69 : memref<1x1x2x128xi32, #tpu.memory_space<hbm>> -> memref<2x128xi32, #tpu.memory_space<hbm>>
      tpu.enqueue_dma source(%dma_start3A_70 : memref<2x128xi32, #tpu.memory_space<hbm>>) target(%dma_start3A_66 : memref<2x128xi32, #tpu.memory_space<vmem>>) target_semaphore(%run_scoped3A_54 : memref<!tpu.dma_semaphore, #tpu.memory_space<semaphore_mem>>)
      %dma_wait3A = arith.constant 0 : i32
      %dma_wait3A_71 = arith.constant 0 : i32
      %dma_wait3A_72 = tpu.memref_slice %arg6[%run_scoped3A_3, %dma_wait3A, %dma_wait3A_71] : memref<4x2x128xi32, #tpu.memory_space<vmem>> -> memref<1x2x128xi32, #tpu.memory_space<vmem>>
      %dma_wait3A_73 = tpu.memref_squeeze %dma_wait3A_72 : memref<1x2x128xi32, #tpu.memory_space<vmem>> -> memref<2x128xi32, #tpu.memory_space<vmem>>
      %dma_wait3A_74 = arith.constant 0 : i32
      %dma_wait3A_75 = arith.constant 0 : i32
      %dma_wait3A_76 = tpu.memref_slice %arg3[%add3A, %run_scoped3A, %dma_wait3A_74, %dma_wait3A_75] : memref<32x88x2x128xi32, #tpu.memory_space<hbm>> -> memref<1x1x2x128xi32, #tpu.memory_space<hbm>>
      %dma_wait3A_77 = tpu.memref_squeeze %dma_wait3A_76 : memref<1x1x2x128xi32, #tpu.memory_space<hbm>> -> memref<2x128xi32, #tpu.memory_space<hbm>>
      %dma_wait3A_78 = arith.constant 0 : i32
      %dma_wait3A_79 = arith.constant 0 : i32
      %dma_wait3A_80 = tpu.memref_slice %arg6[%run_scoped3A_3, %dma_wait3A_78, %dma_wait3A_79] : memref<4x2x128xi32, #tpu.memory_space<vmem>> -> memref<1x2x128xi32, #tpu.memory_space<vmem>>
      %dma_wait3A_81 = tpu.memref_squeeze %dma_wait3A_80 : memref<1x2x128xi32, #tpu.memory_space<vmem>> -> memref<2x128xi32, #tpu.memory_space<vmem>>
      %dma_wait3A_82 = arith.constant 0 : i32
      %dma_wait3A_83 = arith.constant 0 : i32
      %dma_wait3A_84 = tpu.memref_slice %arg3[%add3A, %run_scoped3A, %dma_wait3A_82, %dma_wait3A_83] : memref<32x88x2x128xi32, #tpu.memory_space<hbm>> -> memref<1x1x2x128xi32, #tpu.memory_space<hbm>>
      %dma_wait3A_85 = tpu.memref_squeeze %dma_wait3A_84 : memref<1x1x2x128xi32, #tpu.memory_space<hbm>> -> memref<2x128xi32, #tpu.memory_space<hbm>>
      tpu.wait_dma2 semaphore(%run_scoped3A_54 : memref<!tpu.dma_semaphore, #tpu.memory_space<semaphore_mem>>) src(%dma_wait3A_85 : memref<2x128xi32, #tpu.memory_space<hbm>>) dst(%dma_wait3A_81 : memref<2x128xi32, #tpu.memory_space<vmem>>)
      tpu.yield
    }) : () -> ()
    %dma_start3A = arith.constant 0 : i32
    %dma_start3A_4 = arith.constant 0 : i32
    %dma_start3A_5 = arith.constant 0 : i32
    %dma_start3A_6 = arith.constant 0 : i32
    %dma_start3A_7 = arith.constant 0 : i32
    %dma_start3A_8 = tpu.memref_slice %arg7[%dma_start3A_5, %dma_start3A_6, %dma_start3A_7] : memref<4x128x144xf32, #tpu.memory_space<vmem>> -> memref<1x128x144xf32, #tpu.memory_space<vmem>>
    %dma_start3A_9 = tpu.memref_squeeze %dma_start3A_8 : memref<1x128x144xf32, #tpu.memory_space<vmem>> -> memref<128x144xf32, #tpu.memory_space<vmem>>
    %dma_start3A_10 = arith.constant 0 : i32
    %dma_start3A_11 = tpu.memref_slice %arg6[%dma_start3A, %dma_start3A_4, %dma_start3A_10] : memref<4x2x128xi32, #tpu.memory_space<vmem>> -> memref<1x1x128xi32, #tpu.memory_space<vmem>>
    %dma_start3A_12 = tpu.memref_squeeze %dma_start3A_11 : memref<1x1x128xi32, #tpu.memory_space<vmem>> -> memref<128xi32, #tpu.memory_space<vmem>>
    %dma_start3A_13 = arith.constant 0 : i32
    %dma_start3A_14 = arith.constant 0 : i32
    %dma_start3A_15 = tpu.memref_slice %arg2[%dma_start3A_13, %dma_start3A_14] : memref<10240x144xf32, #tpu.memory_space<hbm>> -> memref<10240x144xf32, #tpu.memory_space<hbm>>
    tpu.enqueue_indirect_dma source(%dma_start3A_15 : memref<10240x144xf32, #tpu.memory_space<hbm>>) target(%dma_start3A_9 : memref<128x144xf32, #tpu.memory_space<vmem>>) offsets(%dma_start3A_12 : memref<128xi32, #tpu.memory_space<vmem>>) semaphore(%arg9 : memref<!tpu.dma_semaphore, #tpu.memory_space<semaphore_mem>>)
    %run_scoped3A_16 = arith.constant 1 : i32
    %run_scoped3A_17 = arith.constant 1 : i32
    "tpu.region"() ({
      %run_scoped3A_54 = tpu.sem_alloc : memref<!tpu.dma_semaphore, #tpu.memory_space<semaphore_mem>>
      %dma_start3A_55 = arith.constant 0 : i32
      %dma_start3A_56 = arith.constant 0 : i32
      %dma_start3A_57 = tpu.memref_slice %arg6[%run_scoped3A_17, %dma_start3A_55, %dma_start3A_56] : memref<4x2x128xi32, #tpu.memory_space<vmem>> -> memref<1x2x128xi32, #tpu.memory_space<vmem>>
      %dma_start3A_58 = tpu.memref_squeeze %dma_start3A_57 : memref<1x2x128xi32, #tpu.memory_space<vmem>> -> memref<2x128xi32, #tpu.memory_space<vmem>>
      %dma_start3A_59 = arith.constant 0 : i32
      %dma_start3A_60 = arith.constant 0 : i32
      %dma_start3A_61 = tpu.memref_slice %arg3[%add3A, %run_scoped3A_16, %dma_start3A_59, %dma_start3A_60] : memref<32x88x2x128xi32, #tpu.memory_space<hbm>> -> memref<1x1x2x128xi32, #tpu.memory_space<hbm>>
      %dma_start3A_62 = tpu.memref_squeeze %dma_start3A_61 : memref<1x1x2x128xi32, #tpu.memory_space<hbm>> -> memref<2x128xi32, #tpu.memory_space<hbm>>
      %dma_start3A_63 = arith.constant 0 : i32
      %dma_start3A_64 = arith.constant 0 : i32
      %dma_start3A_65 = tpu.memref_slice %arg6[%run_scoped3A_17, %dma_start3A_63, %dma_start3A_64] : memref<4x2x128xi32, #tpu.memory_space<vmem>> -> memref<1x2x128xi32, #tpu.memory_space<vmem>>
      %dma_start3A_66 = tpu.memref_squeeze %dma_start3A_65 : memref<1x2x128xi32, #tpu.memory_space<vmem>> -> memref<2x128xi32, #tpu.memory_space<vmem>>
      %dma_start3A_67 = arith.constant 0 : i32
      %dma_start3A_68 = arith.constant 0 : i32
      %dma_start3A_69 = tpu.memref_slice %arg3[%add3A, %run_scoped3A_16, %dma_start3A_67, %dma_start3A_68] : memref<32x88x2x128xi32, #tpu.memory_space<hbm>> -> memref<1x1x2x128xi32, #tpu.memory_space<hbm>>
      %dma_start3A_70 = tpu.memref_squeeze %dma_start3A_69 : memref<1x1x2x128xi32, #tpu.memory_space<hbm>> -> memref<2x128xi32, #tpu.memory_space<hbm>>
      tpu.enqueue_dma source(%dma_start3A_70 : memref<2x128xi32, #tpu.memory_space<hbm>>) target(%dma_start3A_66 : memref<2x128xi32, #tpu.memory_space<vmem>>) target_semaphore(%run_scoped3A_54 : memref<!tpu.dma_semaphore, #tpu.memory_space<semaphore_mem>>)
      %dma_wait3A = arith.constant 0 : i32
      %dma_wait3A_71 = arith.constant 0 : i32
      %dma_wait3A_72 = tpu.memref_slice %arg6[%run_scoped3A_17, %dma_wait3A, %dma_wait3A_71] : memref<4x2x128xi32, #tpu.memory_space<vmem>> -> memref<1x2x128xi32, #tpu.memory_space<vmem>>
      %dma_wait3A_73 = tpu.memref_squeeze %dma_wait3A_72 : memref<1x2x128xi32, #tpu.memory_space<vmem>> -> memref<2x128xi32, #tpu.memory_space<vmem>>
      %dma_wait3A_74 = arith.constant 0 : i32
      %dma_wait3A_75 = arith.constant 0 : i32
      %dma_wait3A_76 = tpu.memref_slice %arg3[%add3A, %run_scoped3A_16, %dma_wait3A_74, %dma_wait3A_75] : memref<32x88x2x128xi32, #tpu.memory_space<hbm>> -> memref<1x1x2x128xi32, #tpu.memory_space<hbm>>
      %dma_wait3A_77 = tpu.memref_squeeze %dma_wait3A_76 : memref<1x1x2x128xi32, #tpu.memory_space<hbm>> -> memref<2x128xi32, #tpu.memory_space<hbm>>
      %dma_wait3A_78 = arith.constant 0 : i32
      %dma_wait3A_79 = arith.constant 0 : i32
      %dma_wait3A_80 = tpu.memref_slice %arg6[%run_scoped3A_17, %dma_wait3A_78, %dma_wait3A_79] : memref<4x2x128xi32, #tpu.memory_space<vmem>> -> memref<1x2x128xi32, #tpu.memory_space<vmem>>
      %dma_wait3A_81 = tpu.memref_squeeze %dma_wait3A_80 : memref<1x2x128xi32, #tpu.memory_space<vmem>> -> memref<2x128xi32, #tpu.memory_space<vmem>>
      %dma_wait3A_82 = arith.constant 0 : i32
      %dma_wait3A_83 = arith.constant 0 : i32
      %dma_wait3A_84 = tpu.memref_slice %arg3[%add3A, %run_scoped3A_16, %dma_wait3A_82, %dma_wait3A_83] : memref<32x88x2x128xi32, #tpu.memory_space<hbm>> -> memref<1x1x2x128xi32, #tpu.memory_space<hbm>>
      %dma_wait3A_85 = tpu.memref_squeeze %dma_wait3A_84 : memref<1x1x2x128xi32, #tpu.memory_space<hbm>> -> memref<2x128xi32, #tpu.memory_space<hbm>>
      tpu.wait_dma2 semaphore(%run_scoped3A_54 : memref<!tpu.dma_semaphore, #tpu.memory_space<semaphore_mem>>) src(%dma_wait3A_85 : memref<2x128xi32, #tpu.memory_space<hbm>>) dst(%dma_wait3A_81 : memref<2x128xi32, #tpu.memory_space<vmem>>)
      tpu.yield
    }) : () -> ()
    %dma_start3A_18 = arith.constant 1 : i32
    %dma_start3A_19 = arith.constant 0 : i32
    %dma_start3A_20 = arith.constant 1 : i32
    %dma_start3A_21 = arith.constant 0 : i32
    %dma_start3A_22 = arith.constant 0 : i32
    %dma_start3A_23 = tpu.memref_slice %arg7[%dma_start3A_20, %dma_start3A_21, %dma_start3A_22] : memref<4x128x144xf32, #tpu.memory_space<vmem>> -> memref<1x128x144xf32, #tpu.memory_space<vmem>>
    %dma_start3A_24 = tpu.memref_squeeze %dma_start3A_23 : memref<1x128x144xf32, #tpu.memory_space<vmem>> -> memref<128x144xf32, #tpu.memory_space<vmem>>
    %dma_start3A_25 = arith.constant 0 : i32
    %dma_start3A_26 = tpu.memref_slice %arg6[%dma_start3A_18, %dma_start3A_19, %dma_start3A_25] : memref<4x2x128xi32, #tpu.memory_space<vmem>> -> memref<1x1x128xi32, #tpu.memory_space<vmem>>
    %dma_start3A_27 = tpu.memref_squeeze %dma_start3A_26 : memref<1x1x128xi32, #tpu.memory_space<vmem>> -> memref<128xi32, #tpu.memory_space<vmem>>
    %dma_start3A_28 = arith.constant 0 : i32
    %dma_start3A_29 = arith.constant 0 : i32
    %dma_start3A_30 = tpu.memref_slice %arg2[%dma_start3A_28, %dma_start3A_29] : memref<10240x144xf32, #tpu.memory_space<hbm>> -> memref<10240x144xf32, #tpu.memory_space<hbm>>
    tpu.enqueue_indirect_dma source(%dma_start3A_30 : memref<10240x144xf32, #tpu.memory_space<hbm>>) target(%dma_start3A_24 : memref<128x144xf32, #tpu.memory_space<vmem>>) offsets(%dma_start3A_27 : memref<128xi32, #tpu.memory_space<vmem>>) semaphore(%arg9 : memref<!tpu.dma_semaphore, #tpu.memory_space<semaphore_mem>>)
    %run_scoped3A_31 = arith.constant 2 : i32
    %run_scoped3A_32 = arith.constant 2 : i32
    "tpu.region"() ({
      %run_scoped3A_54 = tpu.sem_alloc : memref<!tpu.dma_semaphore, #tpu.memory_space<semaphore_mem>>
      %dma_start3A_55 = arith.constant 0 : i32
      %dma_start3A_56 = arith.constant 0 : i32
      %dma_start3A_57 = tpu.memref_slice %arg6[%run_scoped3A_32, %dma_start3A_55, %dma_start3A_56] : memref<4x2x128xi32, #tpu.memory_space<vmem>> -> memref<1x2x128xi32, #tpu.memory_space<vmem>>
      %dma_start3A_58 = tpu.memref_squeeze %dma_start3A_57 : memref<1x2x128xi32, #tpu.memory_space<vmem>> -> memref<2x128xi32, #tpu.memory_space<vmem>>
      %dma_start3A_59 = arith.constant 0 : i32
      %dma_start3A_60 = arith.constant 0 : i32
      %dma_start3A_61 = tpu.memref_slice %arg3[%add3A, %run_scoped3A_31, %dma_start3A_59, %dma_start3A_60] : memref<32x88x2x128xi32, #tpu.memory_space<hbm>> -> memref<1x1x2x128xi32, #tpu.memory_space<hbm>>
      %dma_start3A_62 = tpu.memref_squeeze %dma_start3A_61 : memref<1x1x2x128xi32, #tpu.memory_space<hbm>> -> memref<2x128xi32, #tpu.memory_space<hbm>>
      %dma_start3A_63 = arith.constant 0 : i32
      %dma_start3A_64 = arith.constant 0 : i32
      %dma_start3A_65 = tpu.memref_slice %arg6[%run_scoped3A_32, %dma_start3A_63, %dma_start3A_64] : memref<4x2x128xi32, #tpu.memory_space<vmem>> -> memref<1x2x128xi32, #tpu.memory_space<vmem>>
      %dma_start3A_66 = tpu.memref_squeeze %dma_start3A_65 : memref<1x2x128xi32, #tpu.memory_space<vmem>> -> memref<2x128xi32, #tpu.memory_space<vmem>>
      %dma_start3A_67 = arith.constant 0 : i32
      %dma_start3A_68 = arith.constant 0 : i32
      %dma_start3A_69 = tpu.memref_slice %arg3[%add3A, %run_scoped3A_31, %dma_start3A_67, %dma_start3A_68] : memref<32x88x2x128xi32, #tpu.memory_space<hbm>> -> memref<1x1x2x128xi32, #tpu.memory_space<hbm>>
      %dma_start3A_70 = tpu.memref_squeeze %dma_start3A_69 : memref<1x1x2x128xi32, #tpu.memory_space<hbm>> -> memref<2x128xi32, #tpu.memory_space<hbm>>
      tpu.enqueue_dma source(%dma_start3A_70 : memref<2x128xi32, #tpu.memory_space<hbm>>) target(%dma_start3A_66 : memref<2x128xi32, #tpu.memory_space<vmem>>) target_semaphore(%run_scoped3A_54 : memref<!tpu.dma_semaphore, #tpu.memory_space<semaphore_mem>>)
      %dma_wait3A = arith.constant 0 : i32
      %dma_wait3A_71 = arith.constant 0 : i32
      %dma_wait3A_72 = tpu.memref_slice %arg6[%run_scoped3A_32, %dma_wait3A, %dma_wait3A_71] : memref<4x2x128xi32, #tpu.memory_space<vmem>> -> memref<1x2x128xi32, #tpu.memory_space<vmem>>
      %dma_wait3A_73 = tpu.memref_squeeze %dma_wait3A_72 : memref<1x2x128xi32, #tpu.memory_space<vmem>> -> memref<2x128xi32, #tpu.memory_space<vmem>>
      %dma_wait3A_74 = arith.constant 0 : i32
      %dma_wait3A_75 = arith.constant 0 : i32
      %dma_wait3A_76 = tpu.memref_slice %arg3[%add3A, %run_scoped3A_31, %dma_wait3A_74, %dma_wait3A_75] : memref<32x88x2x128xi32, #tpu.memory_space<hbm>> -> memref<1x1x2x128xi32, #tpu.memory_space<hbm>>
      %dma_wait3A_77 = tpu.memref_squeeze %dma_wait3A_76 : memref<1x1x2x128xi32, #tpu.memory_space<hbm>> -> memref<2x128xi32, #tpu.memory_space<hbm>>
      %dma_wait3A_78 = arith.constant 0 : i32
      %dma_wait3A_79 = arith.constant 0 : i32
      %dma_wait3A_80 = tpu.memref_slice %arg6[%run_scoped3A_32, %dma_wait3A_78, %dma_wait3A_79] : memref<4x2x128xi32, #tpu.memory_space<vmem>> -> memref<1x2x128xi32, #tpu.memory_space<vmem>>
      %dma_wait3A_81 = tpu.memref_squeeze %dma_wait3A_80 : memref<1x2x128xi32, #tpu.memory_space<vmem>> -> memref<2x128xi32, #tpu.memory_space<vmem>>
      %dma_wait3A_82 = arith.constant 0 : i32
      %dma_wait3A_83 = arith.constant 0 : i32
      %dma_wait3A_84 = tpu.memref_slice %arg3[%add3A, %run_scoped3A_31, %dma_wait3A_82, %dma_wait3A_83] : memref<32x88x2x128xi32, #tpu.memory_space<hbm>> -> memref<1x1x2x128xi32, #tpu.memory_space<hbm>>
      %dma_wait3A_85 = tpu.memref_squeeze %dma_wait3A_84 : memref<1x1x2x128xi32, #tpu.memory_space<hbm>> -> memref<2x128xi32, #tpu.memory_space<hbm>>
      tpu.wait_dma2 semaphore(%run_scoped3A_54 : memref<!tpu.dma_semaphore, #tpu.memory_space<semaphore_mem>>) src(%dma_wait3A_85 : memref<2x128xi32, #tpu.memory_space<hbm>>) dst(%dma_wait3A_81 : memref<2x128xi32, #tpu.memory_space<vmem>>)
      tpu.yield
    }) : () -> ()
    %dma_start3A_33 = arith.constant 2 : i32
    %dma_start3A_34 = arith.constant 0 : i32
    %dma_start3A_35 = arith.constant 2 : i32
    %dma_start3A_36 = arith.constant 0 : i32
    %dma_start3A_37 = arith.constant 0 : i32
    %dma_start3A_38 = tpu.memref_slice %arg7[%dma_start3A_35, %dma_start3A_36, %dma_start3A_37] : memref<4x128x144xf32, #tpu.memory_space<vmem>> -> memref<1x128x144xf32, #tpu.memory_space<vmem>>
    %dma_start3A_39 = tpu.memref_squeeze %dma_start3A_38 : memref<1x128x144xf32, #tpu.memory_space<vmem>> -> memref<128x144xf32, #tpu.memory_space<vmem>>
    %dma_start3A_40 = arith.constant 0 : i32
    %dma_start3A_41 = tpu.memref_slice %arg6[%dma_start3A_33, %dma_start3A_34, %dma_start3A_40] : memref<4x2x128xi32, #tpu.memory_space<vmem>> -> memref<1x1x128xi32, #tpu.memory_space<vmem>>
    %dma_start3A_42 = tpu.memref_squeeze %dma_start3A_41 : memref<1x1x128xi32, #tpu.memory_space<vmem>> -> memref<128xi32, #tpu.memory_space<vmem>>
    %dma_start3A_43 = arith.constant 0 : i32
    %dma_start3A_44 = arith.constant 0 : i32
    %dma_start3A_45 = tpu.memref_slice %arg2[%dma_start3A_43, %dma_start3A_44] : memref<10240x144xf32, #tpu.memory_space<hbm>> -> memref<10240x144xf32, #tpu.memory_space<hbm>>
    tpu.enqueue_indirect_dma source(%dma_start3A_45 : memref<10240x144xf32, #tpu.memory_space<hbm>>) target(%dma_start3A_39 : memref<128x144xf32, #tpu.memory_space<vmem>>) offsets(%dma_start3A_42 : memref<128xi32, #tpu.memory_space<vmem>>) semaphore(%arg9 : memref<!tpu.dma_semaphore, #tpu.memory_space<semaphore_mem>>)
    %scan3A = arith.constant 0 : i32
    %scan3A_46 = arith.constant 0 : i32
    %scan3A_47 = arith.constant 88 : i32
    %scan3A_48 = arith.addi %scan3A_46, %scan3A_47 : i32
    %scan3A_49 = arith.constant 1 : i32
    scf.for %scan3A_54 = %scan3A_46 to %scan3A_48 step %scan3A_49  : i32 {
      %rem3A = arith.constant 4 : i32
      %rem3A_55 = arith.remsi %scan3A_54, %rem3A : i32
      %add3A_56 = arith.constant 3 : i32
      %add3A_57 = arith.addi %scan3A_54, %add3A_56 : i32
      %rem3A_58 = arith.constant 4 : i32
      %rem3A_59 = arith.remsi %add3A_57, %rem3A_58 : i32
      %add3A_60 = arith.constant 3 : i32
      %add3A_61 = arith.addi %scan3A_54, %add3A_60 : i32
      %lt3A = arith.constant 88 : i32
      %lt3A_62 = arith.cmpi slt, %add3A_61, %lt3A : i32
      %convert_element_type3A = arith.extui %lt3A_62 : i1 to i32
      %cond3A = arith.constant 0 : i32
      %cond3A_63 = arith.cmpi ne, %convert_element_type3A, %cond3A : i32
      scf.if %cond3A_63 {
        %add3A_75 = arith.constant 3 : i32
        %add3A_76 = arith.addi %scan3A_54, %add3A_75 : i32
        "tpu.region"() ({
          %run_scoped3A_88 = tpu.sem_alloc : memref<!tpu.dma_semaphore, #tpu.memory_space<semaphore_mem>>
          %dma_start3A_89 = arith.constant 0 : i32
          %dma_start3A_90 = arith.constant 0 : i32
          %dma_start3A_91 = tpu.memref_slice %arg6[%rem3A_59, %dma_start3A_89, %dma_start3A_90] : memref<4x2x128xi32, #tpu.memory_space<vmem>> -> memref<1x2x128xi32, #tpu.memory_space<vmem>>
          %dma_start3A_92 = tpu.memref_squeeze %dma_start3A_91 : memref<1x2x128xi32, #tpu.memory_space<vmem>> -> memref<2x128xi32, #tpu.memory_space<vmem>>
          %dma_start3A_93 = arith.constant 0 : i32
          %dma_start3A_94 = arith.constant 0 : i32
          %dma_start3A_95 = tpu.memref_slice %arg3[%add3A, %add3A_76, %dma_start3A_93, %dma_start3A_94] : memref<32x88x2x128xi32, #tpu.memory_space<hbm>> -> memref<1x1x2x128xi32, #tpu.memory_space<hbm>>
          %dma_start3A_96 = tpu.memref_squeeze %dma_start3A_95 : memref<1x1x2x128xi32, #tpu.memory_space<hbm>> -> memref<2x128xi32, #tpu.memory_space<hbm>>
          %dma_start3A_97 = arith.constant 0 : i32
          %dma_start3A_98 = arith.constant 0 : i32
          %dma_start3A_99 = tpu.memref_slice %arg6[%rem3A_59, %dma_start3A_97, %dma_start3A_98] : memref<4x2x128xi32, #tpu.memory_space<vmem>> -> memref<1x2x128xi32, #tpu.memory_space<vmem>>
          %dma_start3A_100 = tpu.memref_squeeze %dma_start3A_99 : memref<1x2x128xi32, #tpu.memory_space<vmem>> -> memref<2x128xi32, #tpu.memory_space<vmem>>
          %dma_start3A_101 = arith.constant 0 : i32
          %dma_start3A_102 = arith.constant 0 : i32
          %dma_start3A_103 = tpu.memref_slice %arg3[%add3A, %add3A_76, %dma_start3A_101, %dma_start3A_102] : memref<32x88x2x128xi32, #tpu.memory_space<hbm>> -> memref<1x1x2x128xi32, #tpu.memory_space<hbm>>
          %dma_start3A_104 = tpu.memref_squeeze %dma_start3A_103 : memref<1x1x2x128xi32, #tpu.memory_space<hbm>> -> memref<2x128xi32, #tpu.memory_space<hbm>>
          tpu.enqueue_dma source(%dma_start3A_104 : memref<2x128xi32, #tpu.memory_space<hbm>>) target(%dma_start3A_100 : memref<2x128xi32, #tpu.memory_space<vmem>>) target_semaphore(%run_scoped3A_88 : memref<!tpu.dma_semaphore, #tpu.memory_space<semaphore_mem>>)
          %dma_wait3A_105 = arith.constant 0 : i32
          %dma_wait3A_106 = arith.constant 0 : i32
          %dma_wait3A_107 = tpu.memref_slice %arg6[%rem3A_59, %dma_wait3A_105, %dma_wait3A_106] : memref<4x2x128xi32, #tpu.memory_space<vmem>> -> memref<1x2x128xi32, #tpu.memory_space<vmem>>
          %dma_wait3A_108 = tpu.memref_squeeze %dma_wait3A_107 : memref<1x2x128xi32, #tpu.memory_space<vmem>> -> memref<2x128xi32, #tpu.memory_space<vmem>>
          %dma_wait3A_109 = arith.constant 0 : i32
          %dma_wait3A_110 = arith.constant 0 : i32
          %dma_wait3A_111 = tpu.memref_slice %arg3[%add3A, %add3A_76, %dma_wait3A_109, %dma_wait3A_110] : memref<32x88x2x128xi32, #tpu.memory_space<hbm>> -> memref<1x1x2x128xi32, #tpu.memory_space<hbm>>
          %dma_wait3A_112 = tpu.memref_squeeze %dma_wait3A_111 : memref<1x1x2x128xi32, #tpu.memory_space<hbm>> -> memref<2x128xi32, #tpu.memory_space<hbm>>
          %dma_wait3A_113 = arith.constant 0 : i32
          %dma_wait3A_114 = arith.constant 0 : i32
          %dma_wait3A_115 = tpu.memref_slice %arg6[%rem3A_59, %dma_wait3A_113, %dma_wait3A_114] : memref<4x2x128xi32, #tpu.memory_space<vmem>> -> memref<1x2x128xi32, #tpu.memory_space<vmem>>
          %dma_wait3A_116 = tpu.memref_squeeze %dma_wait3A_115 : memref<1x2x128xi32, #tpu.memory_space<vmem>> -> memref<2x128xi32, #tpu.memory_space<vmem>>
          %dma_wait3A_117 = arith.constant 0 : i32
          %dma_wait3A_118 = arith.constant 0 : i32
          %dma_wait3A_119 = tpu.memref_slice %arg3[%add3A, %add3A_76, %dma_wait3A_117, %dma_wait3A_118] : memref<32x88x2x128xi32, #tpu.memory_space<hbm>> -> memref<1x1x2x128xi32, #tpu.memory_space<hbm>>
          %dma_wait3A_120 = tpu.memref_squeeze %dma_wait3A_119 : memref<1x1x2x128xi32, #tpu.memory_space<hbm>> -> memref<2x128xi32, #tpu.memory_space<hbm>>
          tpu.wait_dma2 semaphore(%run_scoped3A_88 : memref<!tpu.dma_semaphore, #tpu.memory_space<semaphore_mem>>) src(%dma_wait3A_120 : memref<2x128xi32, #tpu.memory_space<hbm>>) dst(%dma_wait3A_116 : memref<2x128xi32, #tpu.memory_space<vmem>>)
          tpu.yield
        }) : () -> ()
        %dma_start3A_77 = arith.constant 0 : i32
        %dma_start3A_78 = arith.constant 0 : i32
        %dma_start3A_79 = arith.constant 0 : i32
        %dma_start3A_80 = tpu.memref_slice %arg7[%rem3A_59, %dma_start3A_78, %dma_start3A_79] : memref<4x128x144xf32, #tpu.memory_space<vmem>> -> memref<1x128x144xf32, #tpu.memory_space<vmem>>
        %dma_start3A_81 = tpu.memref_squeeze %dma_start3A_80 : memref<1x128x144xf32, #tpu.memory_space<vmem>> -> memref<128x144xf32, #tpu.memory_space<vmem>>
        %dma_start3A_82 = arith.constant 0 : i32
        %dma_start3A_83 = tpu.memref_slice %arg6[%rem3A_59, %dma_start3A_77, %dma_start3A_82] : memref<4x2x128xi32, #tpu.memory_space<vmem>> -> memref<1x1x128xi32, #tpu.memory_space<vmem>>
        %dma_start3A_84 = tpu.memref_squeeze %dma_start3A_83 : memref<1x1x128xi32, #tpu.memory_space<vmem>> -> memref<128xi32, #tpu.memory_space<vmem>>
        %dma_start3A_85 = arith.constant 0 : i32
        %dma_start3A_86 = arith.constant 0 : i32
        %dma_start3A_87 = tpu.memref_slice %arg2[%dma_start3A_85, %dma_start3A_86] : memref<10240x144xf32, #tpu.memory_space<hbm>> -> memref<10240x144xf32, #tpu.memory_space<hbm>>
        tpu.enqueue_indirect_dma source(%dma_start3A_87 : memref<10240x144xf32, #tpu.memory_space<hbm>>) target(%dma_start3A_81 : memref<128x144xf32, #tpu.memory_space<vmem>>) offsets(%dma_start3A_84 : memref<128xi32, #tpu.memory_space<vmem>>) semaphore(%arg9 : memref<!tpu.dma_semaphore, #tpu.memory_space<semaphore_mem>>)
      } else {
      }
      %dma_wait3A = arith.constant 0 : i32
      %dma_wait3A_64 = arith.constant 0 : i32
      %dma_wait3A_65 = arith.constant 0 : i32
      %dma_wait3A_66 = tpu.memref_slice %arg7[%rem3A_55, %dma_wait3A_64, %dma_wait3A_65] : memref<4x128x144xf32, #tpu.memory_space<vmem>> -> memref<1x128x144xf32, #tpu.memory_space<vmem>>
      %dma_wait3A_67 = tpu.memref_squeeze %dma_wait3A_66 : memref<1x128x144xf32, #tpu.memory_space<vmem>> -> memref<128x144xf32, #tpu.memory_space<vmem>>
      %dma_wait3A_68 = arith.constant 0 : i32
      %dma_wait3A_69 = tpu.memref_slice %arg6[%rem3A_55, %dma_wait3A, %dma_wait3A_68] : memref<4x2x128xi32, #tpu.memory_space<vmem>> -> memref<1x1x128xi32, #tpu.memory_space<vmem>>
      %dma_wait3A_70 = tpu.memref_squeeze %dma_wait3A_69 : memref<1x1x128xi32, #tpu.memory_space<vmem>> -> memref<128xi32, #tpu.memory_space<vmem>>
      %dma_wait3A_71 = arith.constant 0 : i32
      %dma_wait3A_72 = arith.constant 0 : i32
      %dma_wait3A_73 = tpu.memref_slice %arg2[%dma_wait3A_71, %dma_wait3A_72] : memref<10240x144xf32, #tpu.memory_space<hbm>> -> memref<10240x144xf32, #tpu.memory_space<hbm>>
      tpu.wait_indirect_dma semaphore(%arg9 : memref<!tpu.dma_semaphore, #tpu.memory_space<semaphore_mem>>) src(%dma_wait3A_73 : memref<10240x144xf32, #tpu.memory_space<hbm>>) dst(%dma_wait3A_67 : memref<128x144xf32, #tpu.memory_space<vmem>>)
      %run_scoped3A_74 = arith.constant 1 : i32
      "tpu.region"() ({
        %run_scoped3A_75 = tpu.sem_alloc : memref<!tpu.dma_semaphore, #tpu.memory_space<semaphore_mem>>
        %dma_start3A_76 = arith.constant 0 : i32
        %dma_start3A_77 = arith.constant 0 : i32
        %dma_start3A_78 = tpu.memref_slice %arg7[%rem3A_55, %dma_start3A_76, %dma_start3A_77] : memref<4x128x144xf32, #tpu.memory_space<vmem>> -> memref<1x128x144xf32, #tpu.memory_space<vmem>>
        %dma_start3A_79 = tpu.memref_squeeze %dma_start3A_78 : memref<1x128x144xf32, #tpu.memory_space<vmem>> -> memref<128x144xf32, #tpu.memory_space<vmem>>
        %dma_start3A_80 = arith.constant 0 : i32
        %dma_start3A_81 = tpu.memref_slice %arg6[%rem3A_55, %run_scoped3A_74, %dma_start3A_80] : memref<4x2x128xi32, #tpu.memory_space<vmem>> -> memref<1x1x128xi32, #tpu.memory_space<vmem>>
        %dma_start3A_82 = tpu.memref_squeeze %dma_start3A_81 : memref<1x1x128xi32, #tpu.memory_space<vmem>> -> memref<128xi32, #tpu.memory_space<vmem>>
        %dma_start3A_83 = arith.constant 0 : i32
        %dma_start3A_84 = arith.constant 0 : i32
        %dma_start3A_85 = tpu.memref_slice %arg8[%dma_start3A_83, %dma_start3A_84] : memref<5120x144xf32, #tpu.memory_space<vmem_shared>> -> memref<5120x144xf32, #tpu.memory_space<vmem_shared>>
        tpu.enqueue_indirect_dma source(%dma_start3A_79 : memref<128x144xf32, #tpu.memory_space<vmem>>) target(%dma_start3A_85 : memref<5120x144xf32, #tpu.memory_space<vmem_shared>>) offsets(%dma_start3A_82 : memref<128xi32, #tpu.memory_space<vmem>>) semaphore(%run_scoped3A_75 : memref<!tpu.dma_semaphore, #tpu.memory_space<semaphore_mem>>) {add = true}
        %dma_wait3A_86 = arith.constant 0 : i32
        %dma_wait3A_87 = arith.constant 0 : i32
        %dma_wait3A_88 = tpu.memref_slice %arg7[%rem3A_55, %dma_wait3A_86, %dma_wait3A_87] : memref<4x128x144xf32, #tpu.memory_space<vmem>> -> memref<1x128x144xf32, #tpu.memory_space<vmem>>
        %dma_wait3A_89 = tpu.memref_squeeze %dma_wait3A_88 : memref<1x128x144xf32, #tpu.memory_space<vmem>> -> memref<128x144xf32, #tpu.memory_space<vmem>>
        %dma_wait3A_90 = arith.constant 0 : i32
        %dma_wait3A_91 = tpu.memref_slice %arg6[%rem3A_55, %run_scoped3A_74, %dma_wait3A_90] : memref<4x2x128xi32, #tpu.memory_space<vmem>> -> memref<1x1x128xi32, #tpu.memory_space<vmem>>
        %dma_wait3A_92 = tpu.memref_squeeze %dma_wait3A_91 : memref<1x1x128xi32, #tpu.memory_space<vmem>> -> memref<128xi32, #tpu.memory_space<vmem>>
        %dma_wait3A_93 = arith.constant 0 : i32
        %dma_wait3A_94 = arith.constant 0 : i32
        %dma_wait3A_95 = tpu.memref_slice %arg8[%dma_wait3A_93, %dma_wait3A_94] : memref<5120x144xf32, #tpu.memory_space<vmem_shared>> -> memref<5120x144xf32, #tpu.memory_space<vmem_shared>>
        tpu.wait_indirect_dma semaphore(%run_scoped3A_75 : memref<!tpu.dma_semaphore, #tpu.memory_space<semaphore_mem>>) src(%dma_wait3A_89 : memref<128x144xf32, #tpu.memory_space<vmem>>) dst(%dma_wait3A_95 : memref<5120x144xf32, #tpu.memory_space<vmem_shared>>)
        tpu.yield
      }) : () -> ()
    }
    %scan3A_50 = arith.constant 88 : i32
    %barrier3A_51 = arith.constant 0 : index
    tpu.barrier barrier_id(%barrier3A_51)
    %mul3A_52 = arith.constant 320 : i32
    %mul3A_53 = arith.muli %add3A, %mul3A_52 : i32
    "tpu.region"() ({
      %run_scoped3A_54 = tpu.sem_alloc : memref<!tpu.dma_semaphore, #tpu.memory_space<semaphore_mem>>
      %dma_start3A_55 = arith.constant 0 : i32
      %dma_start3A_56 = tpu.memref_slice %arg5[%mul3A_53, %dma_start3A_55] : memref<10240x144xf32, #tpu.memory_space<hbm>> -> memref<320x144xf32, #tpu.memory_space<hbm>>
      %dma_start3A_57 = arith.constant 0 : i32
      %dma_start3A_58 = tpu.memref_slice %arg8[%mul3A_2, %dma_start3A_57] : memref<5120x144xf32, #tpu.memory_space<vmem_shared>> -> memref<320x144xf32, #tpu.memory_space<vmem_shared>>
      tpu.enqueue_dma source(%dma_start3A_58 : memref<320x144xf32, #tpu.memory_space<vmem_shared>>) target(%dma_start3A_56 : memref<320x144xf32, #tpu.memory_space<hbm>>) target_semaphore(%run_scoped3A_54 : memref<!tpu.dma_semaphore, #tpu.memory_space<semaphore_mem>>)
      %dma_wait3A = arith.constant 0 : i32
      %dma_wait3A_59 = tpu.memref_slice %arg5[%mul3A_53, %dma_wait3A] : memref<10240x144xf32, #tpu.memory_space<hbm>> -> memref<320x144xf32, #tpu.memory_space<hbm>>
      %dma_wait3A_60 = arith.constant 0 : i32
      %dma_wait3A_61 = tpu.memref_slice %arg8[%mul3A_2, %dma_wait3A_60] : memref<5120x144xf32, #tpu.memory_space<vmem_shared>> -> memref<320x144xf32, #tpu.memory_space<vmem_shared>>
      tpu.wait_dma2 semaphore(%run_scoped3A_54 : memref<!tpu.dma_semaphore, #tpu.memory_space<semaphore_mem>>) src(%dma_wait3A_61 : memref<320x144xf32, #tpu.memory_space<vmem_shared>>) dst(%dma_wait3A_59 : memref<320x144xf32, #tpu.memory_space<hbm>>)
      tpu.yield
    }) : () -> ()
    return
  }
}

#map = affine_map<(d0, d1) -> (0, 0)>
#map1 = affine_map<(d0, d1) -> (0, 0, 0, 0)>
module attributes {stable_mosaic.version = 14 : i64} {
  func.func @k(%arg0: i32, %arg1: i32, %arg2: memref<10240x128xf32, #tpu.memory_space<hbm>>, %arg3: memref<32x88x2x128xi32, #tpu.memory_space<hbm>>, %arg4: memref<320x128xf32, #tpu.memory_space<hbm>>, %arg5: memref<10240x128xf32, #tpu.memory_space<hbm>>, %arg6: memref<4x2x128xi32, #tpu.memory_space<vmem>>, %arg7: memref<4x128x128xf32, #tpu.memory_space<vmem>>, %arg8: memref<5120x128xf32, #tpu.memory_space<vmem_shared>>, %arg9: memref<!tpu.dma_semaphore, #tpu.memory_space<semaphore_mem>>) attributes {dimension_semantics = [#tpu.dimension_semantics<core_parallel>, #tpu.dimension_semantics<subcore_parallel>], iteration_bounds = array<i64: 2, 16>, scalar_prefetch = 0 : i64, scratch_operands = 4 : i64, tpu.core_type = #tpu.core_type<sc_vector_subcore>, window_params = [{transform_indices = #map}, {transform_indices = #map1}, {transform_indices = #map}, {transform_indices = #map}]} {
    %mul3A = arith.constant 2 : i32
    %mul3A_0 = arith.muli %arg1, %mul3A : i32
    %add3A = arith.addi %mul3A_0, %arg0 : i32
    %mul3A_1 = arith.constant 320 : i32
    %mul3A_2 = arith.muli %arg1, %mul3A_1 : i32
    "tpu.region"() ({
      %run_scoped3A_54 = tpu.sem_alloc : memref<!tpu.dma_semaphore, #tpu.memory_space<semaphore_mem>>
      %dma_start3A_55 = arith.constant 0 : i32
      %dma_start3A_56 = tpu.memref_slice %arg8[%mul3A_2, %dma_start3A_55] : memref<5120x128xf32, #tpu.memory_space<vmem_shared>> -> memref<320x128xf32, #tpu.memory_space<vmem_shared>>
      tpu.enqueue_dma source(%arg4 : memref<320x128xf32, #tpu.memory_space<hbm>>) target(%dma_start3A_56 : memref<320x128xf32, #tpu.memory_space<vmem_shared>>) target_semaphore(%run_scoped3A_54 : memref<!tpu.dma_semaphore, #tpu.memory_space<semaphore_mem>>)
      %dma_wait3A = arith.constant 0 : i32
      %dma_wait3A_57 = tpu.memref_slice %arg8[%mul3A_2, %dma_wait3A] : memref<5120x128xf32, #tpu.memory_space<vmem_shared>> -> memref<320x128xf32, #tpu.memory_space<vmem_shared>>
      tpu.wait_dma2 semaphore(%run_scoped3A_54 : memref<!tpu.dma_semaphore, #tpu.memory_space<semaphore_mem>>) src(%arg4 : memref<320x128xf32, #tpu.memory_space<hbm>>) dst(%dma_wait3A_57 : memref<320x128xf32, #tpu.memory_space<vmem_shared>>)
      tpu.yield
    }) : () -> ()
    %barrier3A = arith.constant 0 : index
    tpu.barrier barrier_id(%barrier3A)
    %run_scoped3A = arith.constant 0 : i32
    %run_scoped3A_3 = arith.constant 0 : i32
    "tpu.region"() ({
      %run_scoped3A_54 = tpu.sem_alloc : memref<!tpu.dma_semaphore, #tpu.memory_space<semaphore_mem>>
      %dma_start3A_55 = arith.constant 0 : i32
      %dma_start3A_56 = arith.constant 0 : i32
      %dma_start3A_57 = tpu.memref_slice %arg6[%run_scoped3A_3, %dma_start3A_55, %dma_start3A_56] : memref<4x2x128xi32, #tpu.memory_space<vmem>> -> memref<1x2x128xi32, #tpu.memory_space<vmem>>
      %dma_start3A_58 = tpu.memref_squeeze %dma_start3A_57 : memref<1x2x128xi32, #tpu.memory_space<vmem>> -> memref<2x128xi32, #tpu.memory_space<vmem>>
      %dma_start3A_59 = arith.constant 0 : i32
      %dma_start3A_60 = arith.constant 0 : i32
      %dma_start3A_61 = tpu.memref_slice %arg3[%add3A, %run_scoped3A, %dma_start3A_59, %dma_start3A_60] : memref<32x88x2x128xi32, #tpu.memory_space<hbm>> -> memref<1x1x2x128xi32, #tpu.memory_space<hbm>>
      %dma_start3A_62 = tpu.memref_squeeze %dma_start3A_61 : memref<1x1x2x128xi32, #tpu.memory_space<hbm>> -> memref<2x128xi32, #tpu.memory_space<hbm>>
      %dma_start3A_63 = arith.constant 0 : i32
      %dma_start3A_64 = arith.constant 0 : i32
      %dma_start3A_65 = tpu.memref_slice %arg6[%run_scoped3A_3, %dma_start3A_63, %dma_start3A_64] : memref<4x2x128xi32, #tpu.memory_space<vmem>> -> memref<1x2x128xi32, #tpu.memory_space<vmem>>
      %dma_start3A_66 = tpu.memref_squeeze %dma_start3A_65 : memref<1x2x128xi32, #tpu.memory_space<vmem>> -> memref<2x128xi32, #tpu.memory_space<vmem>>
      %dma_start3A_67 = arith.constant 0 : i32
      %dma_start3A_68 = arith.constant 0 : i32
      %dma_start3A_69 = tpu.memref_slice %arg3[%add3A, %run_scoped3A, %dma_start3A_67, %dma_start3A_68] : memref<32x88x2x128xi32, #tpu.memory_space<hbm>> -> memref<1x1x2x128xi32, #tpu.memory_space<hbm>>
      %dma_start3A_70 = tpu.memref_squeeze %dma_start3A_69 : memref<1x1x2x128xi32, #tpu.memory_space<hbm>> -> memref<2x128xi32, #tpu.memory_space<hbm>>
      tpu.enqueue_dma source(%dma_start3A_70 : memref<2x128xi32, #tpu.memory_space<hbm>>) target(%dma_start3A_66 : memref<2x128xi32, #tpu.memory_space<vmem>>) target_semaphore(%run_scoped3A_54 : memref<!tpu.dma_semaphore, #tpu.memory_space<semaphore_mem>>)
      %dma_wait3A = arith.constant 0 : i32
      %dma_wait3A_71 = arith.constant 0 : i32
      %dma_wait3A_72 = tpu.memref_slice %arg6[%run_scoped3A_3, %dma_wait3A, %dma_wait3A_71] : memref<4x2x128xi32, #tpu.memory_space<vmem>> -> memref<1x2x128xi32, #tpu.memory_space<vmem>>
      %dma_wait3A_73 = tpu.memref_squeeze %dma_wait3A_72 : memref<1x2x128xi32, #tpu.memory_space<vmem>> -> memref<2x128xi32, #tpu.memory_space<vmem>>
      %dma_wait3A_74 = arith.constant 0 : i32
      %dma_wait3A_75 = arith.constant 0 : i32
      %dma_wait3A_76 = tpu.memref_slice %arg3[%add3A, %run_scoped3A, %dma_wait3A_74, %dma_wait3A_75] : memref<32x88x2x128xi32, #tpu.memory_space<hbm>> -> memref<1x1x2x128xi32, #tpu.memory_space<hbm>>
      %dma_wait3A_77 = tpu.memref_squeeze %dma_wait3A_76 : memref<1x1x2x128xi32, #tpu.memory_space<hbm>> -> memref<2x128xi32, #tpu.memory_space<hbm>>
      %dma_wait3A_78 = arith.constant 0 : i32
      %dma_wait3A_79 = arith.constant 0 : i32
      %dma_wait3A_80 = tpu.memref_slice %arg6[%run_scoped3A_3, %dma_wait3A_78, %dma_wait3A_79] : memref<4x2x128xi32, #tpu.memory_space<vmem>> -> memref<1x2x128xi32, #tpu.memory_space<vmem>>
      %dma_wait3A_81 = tpu.memref_squeeze %dma_wait3A_80 : memref<1x2x128xi32, #tpu.memory_space<vmem>> -> memref<2x128xi32, #tpu.memory_space<vmem>>
      %dma_wait3A_82 = arith.constant 0 : i32
      %dma_wait3A_83 = arith.constant 0 : i32
      %dma_wait3A_84 = tpu.memref_slice %arg3[%add3A, %run_scoped3A, %dma_wait3A_82, %dma_wait3A_83] : memref<32x88x2x128xi32, #tpu.memory_space<hbm>> -> memref<1x1x2x128xi32, #tpu.memory_space<hbm>>
      %dma_wait3A_85 = tpu.memref_squeeze %dma_wait3A_84 : memref<1x1x2x128xi32, #tpu.memory_space<hbm>> -> memref<2x128xi32, #tpu.memory_space<hbm>>
      tpu.wait_dma2 semaphore(%run_scoped3A_54 : memref<!tpu.dma_semaphore, #tpu.memory_space<semaphore_mem>>) src(%dma_wait3A_85 : memref<2x128xi32, #tpu.memory_space<hbm>>) dst(%dma_wait3A_81 : memref<2x128xi32, #tpu.memory_space<vmem>>)
      tpu.yield
    }) : () -> ()
    %dma_start3A = arith.constant 0 : i32
    %dma_start3A_4 = arith.constant 0 : i32
    %dma_start3A_5 = arith.constant 0 : i32
    %dma_start3A_6 = arith.constant 0 : i32
    %dma_start3A_7 = arith.constant 0 : i32
    %dma_start3A_8 = tpu.memref_slice %arg7[%dma_start3A_5, %dma_start3A_6, %dma_start3A_7] : memref<4x128x128xf32, #tpu.memory_space<vmem>> -> memref<1x128x128xf32, #tpu.memory_space<vmem>>
    %dma_start3A_9 = tpu.memref_squeeze %dma_start3A_8 : memref<1x128x128xf32, #tpu.memory_space<vmem>> -> memref<128x128xf32, #tpu.memory_space<vmem>>
    %dma_start3A_10 = arith.constant 0 : i32
    %dma_start3A_11 = tpu.memref_slice %arg6[%dma_start3A, %dma_start3A_4, %dma_start3A_10] : memref<4x2x128xi32, #tpu.memory_space<vmem>> -> memref<1x1x128xi32, #tpu.memory_space<vmem>>
    %dma_start3A_12 = tpu.memref_squeeze %dma_start3A_11 : memref<1x1x128xi32, #tpu.memory_space<vmem>> -> memref<128xi32, #tpu.memory_space<vmem>>
    %dma_start3A_13 = arith.constant 0 : i32
    %dma_start3A_14 = arith.constant 0 : i32
    %dma_start3A_15 = tpu.memref_slice %arg2[%dma_start3A_13, %dma_start3A_14] : memref<10240x128xf32, #tpu.memory_space<hbm>> -> memref<10240x128xf32, #tpu.memory_space<hbm>>
    tpu.enqueue_indirect_dma source(%dma_start3A_15 : memref<10240x128xf32, #tpu.memory_space<hbm>>) target(%dma_start3A_9 : memref<128x128xf32, #tpu.memory_space<vmem>>) offsets(%dma_start3A_12 : memref<128xi32, #tpu.memory_space<vmem>>) semaphore(%arg9 : memref<!tpu.dma_semaphore, #tpu.memory_space<semaphore_mem>>)
    %run_scoped3A_16 = arith.constant 1 : i32
    %run_scoped3A_17 = arith.constant 1 : i32
    "tpu.region"() ({
      %run_scoped3A_54 = tpu.sem_alloc : memref<!tpu.dma_semaphore, #tpu.memory_space<semaphore_mem>>
      %dma_start3A_55 = arith.constant 0 : i32
      %dma_start3A_56 = arith.constant 0 : i32
      %dma_start3A_57 = tpu.memref_slice %arg6[%run_scoped3A_17, %dma_start3A_55, %dma_start3A_56] : memref<4x2x128xi32, #tpu.memory_space<vmem>> -> memref<1x2x128xi32, #tpu.memory_space<vmem>>
      %dma_start3A_58 = tpu.memref_squeeze %dma_start3A_57 : memref<1x2x128xi32, #tpu.memory_space<vmem>> -> memref<2x128xi32, #tpu.memory_space<vmem>>
      %dma_start3A_59 = arith.constant 0 : i32
      %dma_start3A_60 = arith.constant 0 : i32
      %dma_start3A_61 = tpu.memref_slice %arg3[%add3A, %run_scoped3A_16, %dma_start3A_59, %dma_start3A_60] : memref<32x88x2x128xi32, #tpu.memory_space<hbm>> -> memref<1x1x2x128xi32, #tpu.memory_space<hbm>>
      %dma_start3A_62 = tpu.memref_squeeze %dma_start3A_61 : memref<1x1x2x128xi32, #tpu.memory_space<hbm>> -> memref<2x128xi32, #tpu.memory_space<hbm>>
      %dma_start3A_63 = arith.constant 0 : i32
      %dma_start3A_64 = arith.constant 0 : i32
      %dma_start3A_65 = tpu.memref_slice %arg6[%run_scoped3A_17, %dma_start3A_63, %dma_start3A_64] : memref<4x2x128xi32, #tpu.memory_space<vmem>> -> memref<1x2x128xi32, #tpu.memory_space<vmem>>
      %dma_start3A_66 = tpu.memref_squeeze %dma_start3A_65 : memref<1x2x128xi32, #tpu.memory_space<vmem>> -> memref<2x128xi32, #tpu.memory_space<vmem>>
      %dma_start3A_67 = arith.constant 0 : i32
      %dma_start3A_68 = arith.constant 0 : i32
      %dma_start3A_69 = tpu.memref_slice %arg3[%add3A, %run_scoped3A_16, %dma_start3A_67, %dma_start3A_68] : memref<32x88x2x128xi32, #tpu.memory_space<hbm>> -> memref<1x1x2x128xi32, #tpu.memory_space<hbm>>
      %dma_start3A_70 = tpu.memref_squeeze %dma_start3A_69 : memref<1x1x2x128xi32, #tpu.memory_space<hbm>> -> memref<2x128xi32, #tpu.memory_space<hbm>>
      tpu.enqueue_dma source(%dma_start3A_70 : memref<2x128xi32, #tpu.memory_space<hbm>>) target(%dma_start3A_66 : memref<2x128xi32, #tpu.memory_space<vmem>>) target_semaphore(%run_scoped3A_54 : memref<!tpu.dma_semaphore, #tpu.memory_space<semaphore_mem>>)
      %dma_wait3A = arith.constant 0 : i32
      %dma_wait3A_71 = arith.constant 0 : i32
      %dma_wait3A_72 = tpu.memref_slice %arg6[%run_scoped3A_17, %dma_wait3A, %dma_wait3A_71] : memref<4x2x128xi32, #tpu.memory_space<vmem>> -> memref<1x2x128xi32, #tpu.memory_space<vmem>>
      %dma_wait3A_73 = tpu.memref_squeeze %dma_wait3A_72 : memref<1x2x128xi32, #tpu.memory_space<vmem>> -> memref<2x128xi32, #tpu.memory_space<vmem>>
      %dma_wait3A_74 = arith.constant 0 : i32
      %dma_wait3A_75 = arith.constant 0 : i32
      %dma_wait3A_76 = tpu.memref_slice %arg3[%add3A, %run_scoped3A_16, %dma_wait3A_74, %dma_wait3A_75] : memref<32x88x2x128xi32, #tpu.memory_space<hbm>> -> memref<1x1x2x128xi32, #tpu.memory_space<hbm>>
      %dma_wait3A_77 = tpu.memref_squeeze %dma_wait3A_76 : memref<1x1x2x128xi32, #tpu.memory_space<hbm>> -> memref<2x128xi32, #tpu.memory_space<hbm>>
      %dma_wait3A_78 = arith.constant 0 : i32
      %dma_wait3A_79 = arith.constant 0 : i32
      %dma_wait3A_80 = tpu.memref_slice %arg6[%run_scoped3A_17, %dma_wait3A_78, %dma_wait3A_79] : memref<4x2x128xi32, #tpu.memory_space<vmem>> -> memref<1x2x128xi32, #tpu.memory_space<vmem>>
      %dma_wait3A_81 = tpu.memref_squeeze %dma_wait3A_80 : memref<1x2x128xi32, #tpu.memory_space<vmem>> -> memref<2x128xi32, #tpu.memory_space<vmem>>
      %dma_wait3A_82 = arith.constant 0 : i32
      %dma_wait3A_83 = arith.constant 0 : i32
      %dma_wait3A_84 = tpu.memref_slice %arg3[%add3A, %run_scoped3A_16, %dma_wait3A_82, %dma_wait3A_83] : memref<32x88x2x128xi32, #tpu.memory_space<hbm>> -> memref<1x1x2x128xi32, #tpu.memory_space<hbm>>
      %dma_wait3A_85 = tpu.memref_squeeze %dma_wait3A_84 : memref<1x1x2x128xi32, #tpu.memory_space<hbm>> -> memref<2x128xi32, #tpu.memory_space<hbm>>
      tpu.wait_dma2 semaphore(%run_scoped3A_54 : memref<!tpu.dma_semaphore, #tpu.memory_space<semaphore_mem>>) src(%dma_wait3A_85 : memref<2x128xi32, #tpu.memory_space<hbm>>) dst(%dma_wait3A_81 : memref<2x128xi32, #tpu.memory_space<vmem>>)
      tpu.yield
    }) : () -> ()
    %dma_start3A_18 = arith.constant 1 : i32
    %dma_start3A_19 = arith.constant 0 : i32
    %dma_start3A_20 = arith.constant 1 : i32
    %dma_start3A_21 = arith.constant 0 : i32
    %dma_start3A_22 = arith.constant 0 : i32
    %dma_start3A_23 = tpu.memref_slice %arg7[%dma_start3A_20, %dma_start3A_21, %dma_start3A_22] : memref<4x128x128xf32, #tpu.memory_space<vmem>> -> memref<1x128x128xf32, #tpu.memory_space<vmem>>
    %dma_start3A_24 = tpu.memref_squeeze %dma_start3A_23 : memref<1x128x128xf32, #tpu.memory_space<vmem>> -> memref<128x128xf32, #tpu.memory_space<vmem>>
    %dma_start3A_25 = arith.constant 0 : i32
    %dma_start3A_26 = tpu.memref_slice %arg6[%dma_start3A_18, %dma_start3A_19, %dma_start3A_25] : memref<4x2x128xi32, #tpu.memory_space<vmem>> -> memref<1x1x128xi32, #tpu.memory_space<vmem>>
    %dma_start3A_27 = tpu.memref_squeeze %dma_start3A_26 : memref<1x1x128xi32, #tpu.memory_space<vmem>> -> memref<128xi32, #tpu.memory_space<vmem>>
    %dma_start3A_28 = arith.constant 0 : i32
    %dma_start3A_29 = arith.constant 0 : i32
    %dma_start3A_30 = tpu.memref_slice %arg2[%dma_start3A_28, %dma_start3A_29] : memref<10240x128xf32, #tpu.memory_space<hbm>> -> memref<10240x128xf32, #tpu.memory_space<hbm>>
    tpu.enqueue_indirect_dma source(%dma_start3A_30 : memref<10240x128xf32, #tpu.memory_space<hbm>>) target(%dma_start3A_24 : memref<128x128xf32, #tpu.memory_space<vmem>>) offsets(%dma_start3A_27 : memref<128xi32, #tpu.memory_space<vmem>>) semaphore(%arg9 : memref<!tpu.dma_semaphore, #tpu.memory_space<semaphore_mem>>)
    %run_scoped3A_31 = arith.constant 2 : i32
    %run_scoped3A_32 = arith.constant 2 : i32
    "tpu.region"() ({
      %run_scoped3A_54 = tpu.sem_alloc : memref<!tpu.dma_semaphore, #tpu.memory_space<semaphore_mem>>
      %dma_start3A_55 = arith.constant 0 : i32
      %dma_start3A_56 = arith.constant 0 : i32
      %dma_start3A_57 = tpu.memref_slice %arg6[%run_scoped3A_32, %dma_start3A_55, %dma_start3A_56] : memref<4x2x128xi32, #tpu.memory_space<vmem>> -> memref<1x2x128xi32, #tpu.memory_space<vmem>>
      %dma_start3A_58 = tpu.memref_squeeze %dma_start3A_57 : memref<1x2x128xi32, #tpu.memory_space<vmem>> -> memref<2x128xi32, #tpu.memory_space<vmem>>
      %dma_start3A_59 = arith.constant 0 : i32
      %dma_start3A_60 = arith.constant 0 : i32
      %dma_start3A_61 = tpu.memref_slice %arg3[%add3A, %run_scoped3A_31, %dma_start3A_59, %dma_start3A_60] : memref<32x88x2x128xi32, #tpu.memory_space<hbm>> -> memref<1x1x2x128xi32, #tpu.memory_space<hbm>>
      %dma_start3A_62 = tpu.memref_squeeze %dma_start3A_61 : memref<1x1x2x128xi32, #tpu.memory_space<hbm>> -> memref<2x128xi32, #tpu.memory_space<hbm>>
      %dma_start3A_63 = arith.constant 0 : i32
      %dma_start3A_64 = arith.constant 0 : i32
      %dma_start3A_65 = tpu.memref_slice %arg6[%run_scoped3A_32, %dma_start3A_63, %dma_start3A_64] : memref<4x2x128xi32, #tpu.memory_space<vmem>> -> memref<1x2x128xi32, #tpu.memory_space<vmem>>
      %dma_start3A_66 = tpu.memref_squeeze %dma_start3A_65 : memref<1x2x128xi32, #tpu.memory_space<vmem>> -> memref<2x128xi32, #tpu.memory_space<vmem>>
      %dma_start3A_67 = arith.constant 0 : i32
      %dma_start3A_68 = arith.constant 0 : i32
      %dma_start3A_69 = tpu.memref_slice %arg3[%add3A, %run_scoped3A_31, %dma_start3A_67, %dma_start3A_68] : memref<32x88x2x128xi32, #tpu.memory_space<hbm>> -> memref<1x1x2x128xi32, #tpu.memory_space<hbm>>
      %dma_start3A_70 = tpu.memref_squeeze %dma_start3A_69 : memref<1x1x2x128xi32, #tpu.memory_space<hbm>> -> memref<2x128xi32, #tpu.memory_space<hbm>>
      tpu.enqueue_dma source(%dma_start3A_70 : memref<2x128xi32, #tpu.memory_space<hbm>>) target(%dma_start3A_66 : memref<2x128xi32, #tpu.memory_space<vmem>>) target_semaphore(%run_scoped3A_54 : memref<!tpu.dma_semaphore, #tpu.memory_space<semaphore_mem>>)
      %dma_wait3A = arith.constant 0 : i32
      %dma_wait3A_71 = arith.constant 0 : i32
      %dma_wait3A_72 = tpu.memref_slice %arg6[%run_scoped3A_32, %dma_wait3A, %dma_wait3A_71] : memref<4x2x128xi32, #tpu.memory_space<vmem>> -> memref<1x2x128xi32, #tpu.memory_space<vmem>>
      %dma_wait3A_73 = tpu.memref_squeeze %dma_wait3A_72 : memref<1x2x128xi32, #tpu.memory_space<vmem>> -> memref<2x128xi32, #tpu.memory_space<vmem>>
      %dma_wait3A_74 = arith.constant 0 : i32
      %dma_wait3A_75 = arith.constant 0 : i32
      %dma_wait3A_76 = tpu.memref_slice %arg3[%add3A, %run_scoped3A_31, %dma_wait3A_74, %dma_wait3A_75] : memref<32x88x2x128xi32, #tpu.memory_space<hbm>> -> memref<1x1x2x128xi32, #tpu.memory_space<hbm>>
      %dma_wait3A_77 = tpu.memref_squeeze %dma_wait3A_76 : memref<1x1x2x128xi32, #tpu.memory_space<hbm>> -> memref<2x128xi32, #tpu.memory_space<hbm>>
      %dma_wait3A_78 = arith.constant 0 : i32
      %dma_wait3A_79 = arith.constant 0 : i32
      %dma_wait3A_80 = tpu.memref_slice %arg6[%run_scoped3A_32, %dma_wait3A_78, %dma_wait3A_79] : memref<4x2x128xi32, #tpu.memory_space<vmem>> -> memref<1x2x128xi32, #tpu.memory_space<vmem>>
      %dma_wait3A_81 = tpu.memref_squeeze %dma_wait3A_80 : memref<1x2x128xi32, #tpu.memory_space<vmem>> -> memref<2x128xi32, #tpu.memory_space<vmem>>
      %dma_wait3A_82 = arith.constant 0 : i32
      %dma_wait3A_83 = arith.constant 0 : i32
      %dma_wait3A_84 = tpu.memref_slice %arg3[%add3A, %run_scoped3A_31, %dma_wait3A_82, %dma_wait3A_83] : memref<32x88x2x128xi32, #tpu.memory_space<hbm>> -> memref<1x1x2x128xi32, #tpu.memory_space<hbm>>
      %dma_wait3A_85 = tpu.memref_squeeze %dma_wait3A_84 : memref<1x1x2x128xi32, #tpu.memory_space<hbm>> -> memref<2x128xi32, #tpu.memory_space<hbm>>
      tpu.wait_dma2 semaphore(%run_scoped3A_54 : memref<!tpu.dma_semaphore, #tpu.memory_space<semaphore_mem>>) src(%dma_wait3A_85 : memref<2x128xi32, #tpu.memory_space<hbm>>) dst(%dma_wait3A_81 : memref<2x128xi32, #tpu.memory_space<vmem>>)
      tpu.yield
    }) : () -> ()
    %dma_start3A_33 = arith.constant 2 : i32
    %dma_start3A_34 = arith.constant 0 : i32
    %dma_start3A_35 = arith.constant 2 : i32
    %dma_start3A_36 = arith.constant 0 : i32
    %dma_start3A_37 = arith.constant 0 : i32
    %dma_start3A_38 = tpu.memref_slice %arg7[%dma_start3A_35, %dma_start3A_36, %dma_start3A_37] : memref<4x128x128xf32, #tpu.memory_space<vmem>> -> memref<1x128x128xf32, #tpu.memory_space<vmem>>
    %dma_start3A_39 = tpu.memref_squeeze %dma_start3A_38 : memref<1x128x128xf32, #tpu.memory_space<vmem>> -> memref<128x128xf32, #tpu.memory_space<vmem>>
    %dma_start3A_40 = arith.constant 0 : i32
    %dma_start3A_41 = tpu.memref_slice %arg6[%dma_start3A_33, %dma_start3A_34, %dma_start3A_40] : memref<4x2x128xi32, #tpu.memory_space<vmem>> -> memref<1x1x128xi32, #tpu.memory_space<vmem>>
    %dma_start3A_42 = tpu.memref_squeeze %dma_start3A_41 : memref<1x1x128xi32, #tpu.memory_space<vmem>> -> memref<128xi32, #tpu.memory_space<vmem>>
    %dma_start3A_43 = arith.constant 0 : i32
    %dma_start3A_44 = arith.constant 0 : i32
    %dma_start3A_45 = tpu.memref_slice %arg2[%dma_start3A_43, %dma_start3A_44] : memref<10240x128xf32, #tpu.memory_space<hbm>> -> memref<10240x128xf32, #tpu.memory_space<hbm>>
    tpu.enqueue_indirect_dma source(%dma_start3A_45 : memref<10240x128xf32, #tpu.memory_space<hbm>>) target(%dma_start3A_39 : memref<128x128xf32, #tpu.memory_space<vmem>>) offsets(%dma_start3A_42 : memref<128xi32, #tpu.memory_space<vmem>>) semaphore(%arg9 : memref<!tpu.dma_semaphore, #tpu.memory_space<semaphore_mem>>)
    %scan3A = arith.constant 0 : i32
    %scan3A_46 = arith.constant 0 : i32
    %scan3A_47 = arith.constant 88 : i32
    %scan3A_48 = arith.addi %scan3A_46, %scan3A_47 : i32
    %scan3A_49 = arith.constant 1 : i32
    scf.for %scan3A_54 = %scan3A_46 to %scan3A_48 step %scan3A_49  : i32 {
      %rem3A = arith.constant 4 : i32
      %rem3A_55 = arith.remsi %scan3A_54, %rem3A : i32
      %add3A_56 = arith.constant 3 : i32
      %add3A_57 = arith.addi %scan3A_54, %add3A_56 : i32
      %rem3A_58 = arith.constant 4 : i32
      %rem3A_59 = arith.remsi %add3A_57, %rem3A_58 : i32
      %add3A_60 = arith.constant 3 : i32
      %add3A_61 = arith.addi %scan3A_54, %add3A_60 : i32
      %lt3A = arith.constant 88 : i32
      %lt3A_62 = arith.cmpi slt, %add3A_61, %lt3A : i32
      %convert_element_type3A = arith.extui %lt3A_62 : i1 to i32
      %cond3A = arith.constant 0 : i32
      %cond3A_63 = arith.cmpi ne, %convert_element_type3A, %cond3A : i32
      scf.if %cond3A_63 {
        %add3A_75 = arith.constant 3 : i32
        %add3A_76 = arith.addi %scan3A_54, %add3A_75 : i32
        "tpu.region"() ({
          %run_scoped3A_88 = tpu.sem_alloc : memref<!tpu.dma_semaphore, #tpu.memory_space<semaphore_mem>>
          %dma_start3A_89 = arith.constant 0 : i32
          %dma_start3A_90 = arith.constant 0 : i32
          %dma_start3A_91 = tpu.memref_slice %arg6[%rem3A_59, %dma_start3A_89, %dma_start3A_90] : memref<4x2x128xi32, #tpu.memory_space<vmem>> -> memref<1x2x128xi32, #tpu.memory_space<vmem>>
          %dma_start3A_92 = tpu.memref_squeeze %dma_start3A_91 : memref<1x2x128xi32, #tpu.memory_space<vmem>> -> memref<2x128xi32, #tpu.memory_space<vmem>>
          %dma_start3A_93 = arith.constant 0 : i32
          %dma_start3A_94 = arith.constant 0 : i32
          %dma_start3A_95 = tpu.memref_slice %arg3[%add3A, %add3A_76, %dma_start3A_93, %dma_start3A_94] : memref<32x88x2x128xi32, #tpu.memory_space<hbm>> -> memref<1x1x2x128xi32, #tpu.memory_space<hbm>>
          %dma_start3A_96 = tpu.memref_squeeze %dma_start3A_95 : memref<1x1x2x128xi32, #tpu.memory_space<hbm>> -> memref<2x128xi32, #tpu.memory_space<hbm>>
          %dma_start3A_97 = arith.constant 0 : i32
          %dma_start3A_98 = arith.constant 0 : i32
          %dma_start3A_99 = tpu.memref_slice %arg6[%rem3A_59, %dma_start3A_97, %dma_start3A_98] : memref<4x2x128xi32, #tpu.memory_space<vmem>> -> memref<1x2x128xi32, #tpu.memory_space<vmem>>
          %dma_start3A_100 = tpu.memref_squeeze %dma_start3A_99 : memref<1x2x128xi32, #tpu.memory_space<vmem>> -> memref<2x128xi32, #tpu.memory_space<vmem>>
          %dma_start3A_101 = arith.constant 0 : i32
          %dma_start3A_102 = arith.constant 0 : i32
          %dma_start3A_103 = tpu.memref_slice %arg3[%add3A, %add3A_76, %dma_start3A_101, %dma_start3A_102] : memref<32x88x2x128xi32, #tpu.memory_space<hbm>> -> memref<1x1x2x128xi32, #tpu.memory_space<hbm>>
          %dma_start3A_104 = tpu.memref_squeeze %dma_start3A_103 : memref<1x1x2x128xi32, #tpu.memory_space<hbm>> -> memref<2x128xi32, #tpu.memory_space<hbm>>
          tpu.enqueue_dma source(%dma_start3A_104 : memref<2x128xi32, #tpu.memory_space<hbm>>) target(%dma_start3A_100 : memref<2x128xi32, #tpu.memory_space<vmem>>) target_semaphore(%run_scoped3A_88 : memref<!tpu.dma_semaphore, #tpu.memory_space<semaphore_mem>>)
          %dma_wait3A_105 = arith.constant 0 : i32
          %dma_wait3A_106 = arith.constant 0 : i32
          %dma_wait3A_107 = tpu.memref_slice %arg6[%rem3A_59, %dma_wait3A_105, %dma_wait3A_106] : memref<4x2x128xi32, #tpu.memory_space<vmem>> -> memref<1x2x128xi32, #tpu.memory_space<vmem>>
          %dma_wait3A_108 = tpu.memref_squeeze %dma_wait3A_107 : memref<1x2x128xi32, #tpu.memory_space<vmem>> -> memref<2x128xi32, #tpu.memory_space<vmem>>
          %dma_wait3A_109 = arith.constant 0 : i32
          %dma_wait3A_110 = arith.constant 0 : i32
          %dma_wait3A_111 = tpu.memref_slice %arg3[%add3A, %add3A_76, %dma_wait3A_109, %dma_wait3A_110] : memref<32x88x2x128xi32, #tpu.memory_space<hbm>> -> memref<1x1x2x128xi32, #tpu.memory_space<hbm>>
          %dma_wait3A_112 = tpu.memref_squeeze %dma_wait3A_111 : memref<1x1x2x128xi32, #tpu.memory_space<hbm>> -> memref<2x128xi32, #tpu.memory_space<hbm>>
          %dma_wait3A_113 = arith.constant 0 : i32
          %dma_wait3A_114 = arith.constant 0 : i32
          %dma_wait3A_115 = tpu.memref_slice %arg6[%rem3A_59, %dma_wait3A_113, %dma_wait3A_114] : memref<4x2x128xi32, #tpu.memory_space<vmem>> -> memref<1x2x128xi32, #tpu.memory_space<vmem>>
          %dma_wait3A_116 = tpu.memref_squeeze %dma_wait3A_115 : memref<1x2x128xi32, #tpu.memory_space<vmem>> -> memref<2x128xi32, #tpu.memory_space<vmem>>
          %dma_wait3A_117 = arith.constant 0 : i32
          %dma_wait3A_118 = arith.constant 0 : i32
          %dma_wait3A_119 = tpu.memref_slice %arg3[%add3A, %add3A_76, %dma_wait3A_117, %dma_wait3A_118] : memref<32x88x2x128xi32, #tpu.memory_space<hbm>> -> memref<1x1x2x128xi32, #tpu.memory_space<hbm>>
          %dma_wait3A_120 = tpu.memref_squeeze %dma_wait3A_119 : memref<1x1x2x128xi32, #tpu.memory_space<hbm>> -> memref<2x128xi32, #tpu.memory_space<hbm>>
          tpu.wait_dma2 semaphore(%run_scoped3A_88 : memref<!tpu.dma_semaphore, #tpu.memory_space<semaphore_mem>>) src(%dma_wait3A_120 : memref<2x128xi32, #tpu.memory_space<hbm>>) dst(%dma_wait3A_116 : memref<2x128xi32, #tpu.memory_space<vmem>>)
          tpu.yield
        }) : () -> ()
        %dma_start3A_77 = arith.constant 0 : i32
        %dma_start3A_78 = arith.constant 0 : i32
        %dma_start3A_79 = arith.constant 0 : i32
        %dma_start3A_80 = tpu.memref_slice %arg7[%rem3A_59, %dma_start3A_78, %dma_start3A_79] : memref<4x128x128xf32, #tpu.memory_space<vmem>> -> memref<1x128x128xf32, #tpu.memory_space<vmem>>
        %dma_start3A_81 = tpu.memref_squeeze %dma_start3A_80 : memref<1x128x128xf32, #tpu.memory_space<vmem>> -> memref<128x128xf32, #tpu.memory_space<vmem>>
        %dma_start3A_82 = arith.constant 0 : i32
        %dma_start3A_83 = tpu.memref_slice %arg6[%rem3A_59, %dma_start3A_77, %dma_start3A_82] : memref<4x2x128xi32, #tpu.memory_space<vmem>> -> memref<1x1x128xi32, #tpu.memory_space<vmem>>
        %dma_start3A_84 = tpu.memref_squeeze %dma_start3A_83 : memref<1x1x128xi32, #tpu.memory_space<vmem>> -> memref<128xi32, #tpu.memory_space<vmem>>
        %dma_start3A_85 = arith.constant 0 : i32
        %dma_start3A_86 = arith.constant 0 : i32
        %dma_start3A_87 = tpu.memref_slice %arg2[%dma_start3A_85, %dma_start3A_86] : memref<10240x128xf32, #tpu.memory_space<hbm>> -> memref<10240x128xf32, #tpu.memory_space<hbm>>
        tpu.enqueue_indirect_dma source(%dma_start3A_87 : memref<10240x128xf32, #tpu.memory_space<hbm>>) target(%dma_start3A_81 : memref<128x128xf32, #tpu.memory_space<vmem>>) offsets(%dma_start3A_84 : memref<128xi32, #tpu.memory_space<vmem>>) semaphore(%arg9 : memref<!tpu.dma_semaphore, #tpu.memory_space<semaphore_mem>>)
      } else {
      }
      %dma_wait3A = arith.constant 0 : i32
      %dma_wait3A_64 = arith.constant 0 : i32
      %dma_wait3A_65 = arith.constant 0 : i32
      %dma_wait3A_66 = tpu.memref_slice %arg7[%rem3A_55, %dma_wait3A_64, %dma_wait3A_65] : memref<4x128x128xf32, #tpu.memory_space<vmem>> -> memref<1x128x128xf32, #tpu.memory_space<vmem>>
      %dma_wait3A_67 = tpu.memref_squeeze %dma_wait3A_66 : memref<1x128x128xf32, #tpu.memory_space<vmem>> -> memref<128x128xf32, #tpu.memory_space<vmem>>
      %dma_wait3A_68 = arith.constant 0 : i32
      %dma_wait3A_69 = tpu.memref_slice %arg6[%rem3A_55, %dma_wait3A, %dma_wait3A_68] : memref<4x2x128xi32, #tpu.memory_space<vmem>> -> memref<1x1x128xi32, #tpu.memory_space<vmem>>
      %dma_wait3A_70 = tpu.memref_squeeze %dma_wait3A_69 : memref<1x1x128xi32, #tpu.memory_space<vmem>> -> memref<128xi32, #tpu.memory_space<vmem>>
      %dma_wait3A_71 = arith.constant 0 : i32
      %dma_wait3A_72 = arith.constant 0 : i32
      %dma_wait3A_73 = tpu.memref_slice %arg2[%dma_wait3A_71, %dma_wait3A_72] : memref<10240x128xf32, #tpu.memory_space<hbm>> -> memref<10240x128xf32, #tpu.memory_space<hbm>>
      tpu.wait_indirect_dma semaphore(%arg9 : memref<!tpu.dma_semaphore, #tpu.memory_space<semaphore_mem>>) src(%dma_wait3A_73 : memref<10240x128xf32, #tpu.memory_space<hbm>>) dst(%dma_wait3A_67 : memref<128x128xf32, #tpu.memory_space<vmem>>)
      %run_scoped3A_74 = arith.constant 1 : i32
      "tpu.region"() ({
        %run_scoped3A_75 = tpu.sem_alloc : memref<!tpu.dma_semaphore, #tpu.memory_space<semaphore_mem>>
        %dma_start3A_76 = arith.constant 0 : i32
        %dma_start3A_77 = arith.constant 0 : i32
        %dma_start3A_78 = tpu.memref_slice %arg7[%rem3A_55, %dma_start3A_76, %dma_start3A_77] : memref<4x128x128xf32, #tpu.memory_space<vmem>> -> memref<1x128x128xf32, #tpu.memory_space<vmem>>
        %dma_start3A_79 = tpu.memref_squeeze %dma_start3A_78 : memref<1x128x128xf32, #tpu.memory_space<vmem>> -> memref<128x128xf32, #tpu.memory_space<vmem>>
        %dma_start3A_80 = arith.constant 0 : i32
        %dma_start3A_81 = tpu.memref_slice %arg6[%rem3A_55, %run_scoped3A_74, %dma_start3A_80] : memref<4x2x128xi32, #tpu.memory_space<vmem>> -> memref<1x1x128xi32, #tpu.memory_space<vmem>>
        %dma_start3A_82 = tpu.memref_squeeze %dma_start3A_81 : memref<1x1x128xi32, #tpu.memory_space<vmem>> -> memref<128xi32, #tpu.memory_space<vmem>>
        %dma_start3A_83 = arith.constant 0 : i32
        %dma_start3A_84 = arith.constant 0 : i32
        %dma_start3A_85 = tpu.memref_slice %arg8[%dma_start3A_83, %dma_start3A_84] : memref<5120x128xf32, #tpu.memory_space<vmem_shared>> -> memref<5120x128xf32, #tpu.memory_space<vmem_shared>>
        tpu.enqueue_indirect_dma source(%dma_start3A_79 : memref<128x128xf32, #tpu.memory_space<vmem>>) target(%dma_start3A_85 : memref<5120x128xf32, #tpu.memory_space<vmem_shared>>) offsets(%dma_start3A_82 : memref<128xi32, #tpu.memory_space<vmem>>) semaphore(%run_scoped3A_75 : memref<!tpu.dma_semaphore, #tpu.memory_space<semaphore_mem>>) {add = true}
        %dma_wait3A_86 = arith.constant 0 : i32
        %dma_wait3A_87 = arith.constant 0 : i32
        %dma_wait3A_88 = tpu.memref_slice %arg7[%rem3A_55, %dma_wait3A_86, %dma_wait3A_87] : memref<4x128x128xf32, #tpu.memory_space<vmem>> -> memref<1x128x128xf32, #tpu.memory_space<vmem>>
        %dma_wait3A_89 = tpu.memref_squeeze %dma_wait3A_88 : memref<1x128x128xf32, #tpu.memory_space<vmem>> -> memref<128x128xf32, #tpu.memory_space<vmem>>
        %dma_wait3A_90 = arith.constant 0 : i32
        %dma_wait3A_91 = tpu.memref_slice %arg6[%rem3A_55, %run_scoped3A_74, %dma_wait3A_90] : memref<4x2x128xi32, #tpu.memory_space<vmem>> -> memref<1x1x128xi32, #tpu.memory_space<vmem>>
        %dma_wait3A_92 = tpu.memref_squeeze %dma_wait3A_91 : memref<1x1x128xi32, #tpu.memory_space<vmem>> -> memref<128xi32, #tpu.memory_space<vmem>>
        %dma_wait3A_93 = arith.constant 0 : i32
        %dma_wait3A_94 = arith.constant 0 : i32
        %dma_wait3A_95 = tpu.memref_slice %arg8[%dma_wait3A_93, %dma_wait3A_94] : memref<5120x128xf32, #tpu.memory_space<vmem_shared>> -> memref<5120x128xf32, #tpu.memory_space<vmem_shared>>
        tpu.wait_indirect_dma semaphore(%run_scoped3A_75 : memref<!tpu.dma_semaphore, #tpu.memory_space<semaphore_mem>>) src(%dma_wait3A_89 : memref<128x128xf32, #tpu.memory_space<vmem>>) dst(%dma_wait3A_95 : memref<5120x128xf32, #tpu.memory_space<vmem_shared>>)
        tpu.yield
      }) : () -> ()
    }
    %scan3A_50 = arith.constant 88 : i32
    %barrier3A_51 = arith.constant 0 : index
    tpu.barrier barrier_id(%barrier3A_51)
    %mul3A_52 = arith.constant 320 : i32
    %mul3A_53 = arith.muli %add3A, %mul3A_52 : i32
    "tpu.region"() ({
      %run_scoped3A_54 = tpu.sem_alloc : memref<!tpu.dma_semaphore, #tpu.memory_space<semaphore_mem>>
      %dma_start3A_55 = arith.constant 0 : i32
      %dma_start3A_56 = tpu.memref_slice %arg5[%mul3A_53, %dma_start3A_55] : memref<10240x128xf32, #tpu.memory_space<hbm>> -> memref<320x128xf32, #tpu.memory_space<hbm>>
      %dma_start3A_57 = arith.constant 0 : i32
      %dma_start3A_58 = tpu.memref_slice %arg8[%mul3A_2, %dma_start3A_57] : memref<5120x128xf32, #tpu.memory_space<vmem_shared>> -> memref<320x128xf32, #tpu.memory_space<vmem_shared>>
      tpu.enqueue_dma source(%dma_start3A_58 : memref<320x128xf32, #tpu.memory_space<vmem_shared>>) target(%dma_start3A_56 : memref<320x128xf32, #tpu.memory_space<hbm>>) target_semaphore(%run_scoped3A_54 : memref<!tpu.dma_semaphore, #tpu.memory_space<semaphore_mem>>)
      %dma_wait3A = arith.constant 0 : i32
      %dma_wait3A_59 = tpu.memref_slice %arg5[%mul3A_53, %dma_wait3A] : memref<10240x128xf32, #tpu.memory_space<hbm>> -> memref<320x128xf32, #tpu.memory_space<hbm>>
      %dma_wait3A_60 = arith.constant 0 : i32
      %dma_wait3A_61 = tpu.memref_slice %arg8[%mul3A_2, %dma_wait3A_60] : memref<5120x128xf32, #tpu.memory_space<vmem_shared>> -> memref<320x128xf32, #tpu.memory_space<vmem_shared>>
      tpu.wait_dma2 semaphore(%run_scoped3A_54 : memref<!tpu.dma_semaphore, #tpu.memory_space<semaphore_mem>>) src(%dma_wait3A_61 : memref<320x128xf32, #tpu.memory_space<vmem_shared>>) dst(%dma_wait3A_59 : memref<320x128xf32, #tpu.memory_space<hbm>>)
      tpu.yield
    }) : () -> ()
    return
  }
}

#map = affine_map<(d0, d1) -> (0, 0)>
#map1 = affine_map<(d0, d1) -> (0, 0, 0, 0)>
module attributes {stable_mosaic.version = 14 : i64} {
  func.func @k(%arg0: i32, %arg1: i32, %arg2: memref<10240x128xf32, #tpu.memory_space<hbm>>, %arg3: memref<32x88x2x128xi32, #tpu.memory_space<hbm>>, %arg4: memref<320x128xf32, #tpu.memory_space<hbm>>, %arg5: memref<10240x128xf32, #tpu.memory_space<hbm>>, %arg6: memref<4x2x128xi32, #tpu.memory_space<vmem>>, %arg7: memref<4x128x128xf32, #tpu.memory_space<vmem>>, %arg8: memref<5120x128xf32, #tpu.memory_space<vmem_shared>>, %arg9: memref<!tpu.dma_semaphore, #tpu.memory_space<semaphore_mem>>) attributes {dimension_semantics = [#tpu.dimension_semantics<core_parallel>, #tpu.dimension_semantics<subcore_parallel>], iteration_bounds = array<i64: 2, 16>, scalar_prefetch = 0 : i64, scratch_operands = 4 : i64, tpu.core_type = #tpu.core_type<sc_vector_subcore>, window_params = [{transform_indices = #map}, {transform_indices = #map1}, {transform_indices = #map}, {transform_indices = #map}]} {
    %mul3A = arith.constant 2 : i32
    %mul3A_0 = arith.muli %arg1, %mul3A : i32
    %add3A = arith.addi %mul3A_0, %arg0 : i32
    %mul3A_1 = arith.constant 320 : i32
    %mul3A_2 = arith.muli %arg1, %mul3A_1 : i32
    "tpu.region"() ({
      %run_scoped3A_54 = tpu.sem_alloc : memref<!tpu.dma_semaphore, #tpu.memory_space<semaphore_mem>>
      %dma_start3A_55 = arith.constant 0 : i32
      %dma_start3A_56 = tpu.memref_slice %arg8[%mul3A_2, %dma_start3A_55] : memref<5120x128xf32, #tpu.memory_space<vmem_shared>> -> memref<320x128xf32, #tpu.memory_space<vmem_shared>>
      tpu.enqueue_dma source(%arg4 : memref<320x128xf32, #tpu.memory_space<hbm>>) target(%dma_start3A_56 : memref<320x128xf32, #tpu.memory_space<vmem_shared>>) target_semaphore(%run_scoped3A_54 : memref<!tpu.dma_semaphore, #tpu.memory_space<semaphore_mem>>)
      %dma_wait3A = arith.constant 0 : i32
      %dma_wait3A_57 = tpu.memref_slice %arg8[%mul3A_2, %dma_wait3A] : memref<5120x128xf32, #tpu.memory_space<vmem_shared>> -> memref<320x128xf32, #tpu.memory_space<vmem_shared>>
      tpu.wait_dma2 semaphore(%run_scoped3A_54 : memref<!tpu.dma_semaphore, #tpu.memory_space<semaphore_mem>>) src(%arg4 : memref<320x128xf32, #tpu.memory_space<hbm>>) dst(%dma_wait3A_57 : memref<320x128xf32, #tpu.memory_space<vmem_shared>>)
      tpu.yield
    }) : () -> ()
    %barrier3A = arith.constant 0 : index
    tpu.barrier barrier_id(%barrier3A)
    %run_scoped3A = arith.constant 0 : i32
    %run_scoped3A_3 = arith.constant 0 : i32
    "tpu.region"() ({
      %run_scoped3A_54 = tpu.sem_alloc : memref<!tpu.dma_semaphore, #tpu.memory_space<semaphore_mem>>
      %dma_start3A_55 = arith.constant 0 : i32
      %dma_start3A_56 = arith.constant 0 : i32
      %dma_start3A_57 = tpu.memref_slice %arg6[%run_scoped3A_3, %dma_start3A_55, %dma_start3A_56] : memref<4x2x128xi32, #tpu.memory_space<vmem>> -> memref<1x2x128xi32, #tpu.memory_space<vmem>>
      %dma_start3A_58 = tpu.memref_squeeze %dma_start3A_57 : memref<1x2x128xi32, #tpu.memory_space<vmem>> -> memref<2x128xi32, #tpu.memory_space<vmem>>
      %dma_start3A_59 = arith.constant 0 : i32
      %dma_start3A_60 = arith.constant 0 : i32
      %dma_start3A_61 = tpu.memref_slice %arg3[%add3A, %run_scoped3A, %dma_start3A_59, %dma_start3A_60] : memref<32x88x2x128xi32, #tpu.memory_space<hbm>> -> memref<1x1x2x128xi32, #tpu.memory_space<hbm>>
      %dma_start3A_62 = tpu.memref_squeeze %dma_start3A_61 : memref<1x1x2x128xi32, #tpu.memory_space<hbm>> -> memref<2x128xi32, #tpu.memory_space<hbm>>
      %dma_start3A_63 = arith.constant 0 : i32
      %dma_start3A_64 = arith.constant 0 : i32
      %dma_start3A_65 = tpu.memref_slice %arg6[%run_scoped3A_3, %dma_start3A_63, %dma_start3A_64] : memref<4x2x128xi32, #tpu.memory_space<vmem>> -> memref<1x2x128xi32, #tpu.memory_space<vmem>>
      %dma_start3A_66 = tpu.memref_squeeze %dma_start3A_65 : memref<1x2x128xi32, #tpu.memory_space<vmem>> -> memref<2x128xi32, #tpu.memory_space<vmem>>
      %dma_start3A_67 = arith.constant 0 : i32
      %dma_start3A_68 = arith.constant 0 : i32
      %dma_start3A_69 = tpu.memref_slice %arg3[%add3A, %run_scoped3A, %dma_start3A_67, %dma_start3A_68] : memref<32x88x2x128xi32, #tpu.memory_space<hbm>> -> memref<1x1x2x128xi32, #tpu.memory_space<hbm>>
      %dma_start3A_70 = tpu.memref_squeeze %dma_start3A_69 : memref<1x1x2x128xi32, #tpu.memory_space<hbm>> -> memref<2x128xi32, #tpu.memory_space<hbm>>
      tpu.enqueue_dma source(%dma_start3A_70 : memref<2x128xi32, #tpu.memory_space<hbm>>) target(%dma_start3A_66 : memref<2x128xi32, #tpu.memory_space<vmem>>) target_semaphore(%run_scoped3A_54 : memref<!tpu.dma_semaphore, #tpu.memory_space<semaphore_mem>>)
      %dma_wait3A = arith.constant 0 : i32
      %dma_wait3A_71 = arith.constant 0 : i32
      %dma_wait3A_72 = tpu.memref_slice %arg6[%run_scoped3A_3, %dma_wait3A, %dma_wait3A_71] : memref<4x2x128xi32, #tpu.memory_space<vmem>> -> memref<1x2x128xi32, #tpu.memory_space<vmem>>
      %dma_wait3A_73 = tpu.memref_squeeze %dma_wait3A_72 : memref<1x2x128xi32, #tpu.memory_space<vmem>> -> memref<2x128xi32, #tpu.memory_space<vmem>>
      %dma_wait3A_74 = arith.constant 0 : i32
      %dma_wait3A_75 = arith.constant 0 : i32
      %dma_wait3A_76 = tpu.memref_slice %arg3[%add3A, %run_scoped3A, %dma_wait3A_74, %dma_wait3A_75] : memref<32x88x2x128xi32, #tpu.memory_space<hbm>> -> memref<1x1x2x128xi32, #tpu.memory_space<hbm>>
      %dma_wait3A_77 = tpu.memref_squeeze %dma_wait3A_76 : memref<1x1x2x128xi32, #tpu.memory_space<hbm>> -> memref<2x128xi32, #tpu.memory_space<hbm>>
      %dma_wait3A_78 = arith.constant 0 : i32
      %dma_wait3A_79 = arith.constant 0 : i32
      %dma_wait3A_80 = tpu.memref_slice %arg6[%run_scoped3A_3, %dma_wait3A_78, %dma_wait3A_79] : memref<4x2x128xi32, #tpu.memory_space<vmem>> -> memref<1x2x128xi32, #tpu.memory_space<vmem>>
      %dma_wait3A_81 = tpu.memref_squeeze %dma_wait3A_80 : memref<1x2x128xi32, #tpu.memory_space<vmem>> -> memref<2x128xi32, #tpu.memory_space<vmem>>
      %dma_wait3A_82 = arith.constant 0 : i32
      %dma_wait3A_83 = arith.constant 0 : i32
      %dma_wait3A_84 = tpu.memref_slice %arg3[%add3A, %run_scoped3A, %dma_wait3A_82, %dma_wait3A_83] : memref<32x88x2x128xi32, #tpu.memory_space<hbm>> -> memref<1x1x2x128xi32, #tpu.memory_space<hbm>>
      %dma_wait3A_85 = tpu.memref_squeeze %dma_wait3A_84 : memref<1x1x2x128xi32, #tpu.memory_space<hbm>> -> memref<2x128xi32, #tpu.memory_space<hbm>>
      tpu.wait_dma2 semaphore(%run_scoped3A_54 : memref<!tpu.dma_semaphore, #tpu.memory_space<semaphore_mem>>) src(%dma_wait3A_85 : memref<2x128xi32, #tpu.memory_space<hbm>>) dst(%dma_wait3A_81 : memref<2x128xi32, #tpu.memory_space<vmem>>)
      tpu.yield
    }) : () -> ()
    %dma_start3A = arith.constant 0 : i32
    %dma_start3A_4 = arith.constant 0 : i32
    %dma_start3A_5 = arith.constant 0 : i32
    %dma_start3A_6 = arith.constant 0 : i32
    %dma_start3A_7 = arith.constant 0 : i32
    %dma_start3A_8 = tpu.memref_slice %arg7[%dma_start3A_5, %dma_start3A_6, %dma_start3A_7] : memref<4x128x128xf32, #tpu.memory_space<vmem>> -> memref<1x128x128xf32, #tpu.memory_space<vmem>>
    %dma_start3A_9 = tpu.memref_squeeze %dma_start3A_8 : memref<1x128x128xf32, #tpu.memory_space<vmem>> -> memref<128x128xf32, #tpu.memory_space<vmem>>
    %dma_start3A_10 = arith.constant 0 : i32
    %dma_start3A_11 = tpu.memref_slice %arg6[%dma_start3A, %dma_start3A_4, %dma_start3A_10] : memref<4x2x128xi32, #tpu.memory_space<vmem>> -> memref<1x1x128xi32, #tpu.memory_space<vmem>>
    %dma_start3A_12 = tpu.memref_squeeze %dma_start3A_11 : memref<1x1x128xi32, #tpu.memory_space<vmem>> -> memref<128xi32, #tpu.memory_space<vmem>>
    %dma_start3A_13 = arith.constant 0 : i32
    %dma_start3A_14 = arith.constant 0 : i32
    %dma_start3A_15 = tpu.memref_slice %arg2[%dma_start3A_13, %dma_start3A_14] : memref<10240x128xf32, #tpu.memory_space<hbm>> -> memref<10240x128xf32, #tpu.memory_space<hbm>>
    tpu.enqueue_indirect_dma source(%dma_start3A_15 : memref<10240x128xf32, #tpu.memory_space<hbm>>) target(%dma_start3A_9 : memref<128x128xf32, #tpu.memory_space<vmem>>) offsets(%dma_start3A_12 : memref<128xi32, #tpu.memory_space<vmem>>) semaphore(%arg9 : memref<!tpu.dma_semaphore, #tpu.memory_space<semaphore_mem>>)
    %run_scoped3A_16 = arith.constant 1 : i32
    %run_scoped3A_17 = arith.constant 1 : i32
    "tpu.region"() ({
      %run_scoped3A_54 = tpu.sem_alloc : memref<!tpu.dma_semaphore, #tpu.memory_space<semaphore_mem>>
      %dma_start3A_55 = arith.constant 0 : i32
      %dma_start3A_56 = arith.constant 0 : i32
      %dma_start3A_57 = tpu.memref_slice %arg6[%run_scoped3A_17, %dma_start3A_55, %dma_start3A_56] : memref<4x2x128xi32, #tpu.memory_space<vmem>> -> memref<1x2x128xi32, #tpu.memory_space<vmem>>
      %dma_start3A_58 = tpu.memref_squeeze %dma_start3A_57 : memref<1x2x128xi32, #tpu.memory_space<vmem>> -> memref<2x128xi32, #tpu.memory_space<vmem>>
      %dma_start3A_59 = arith.constant 0 : i32
      %dma_start3A_60 = arith.constant 0 : i32
      %dma_start3A_61 = tpu.memref_slice %arg3[%add3A, %run_scoped3A_16, %dma_start3A_59, %dma_start3A_60] : memref<32x88x2x128xi32, #tpu.memory_space<hbm>> -> memref<1x1x2x128xi32, #tpu.memory_space<hbm>>
      %dma_start3A_62 = tpu.memref_squeeze %dma_start3A_61 : memref<1x1x2x128xi32, #tpu.memory_space<hbm>> -> memref<2x128xi32, #tpu.memory_space<hbm>>
      %dma_start3A_63 = arith.constant 0 : i32
      %dma_start3A_64 = arith.constant 0 : i32
      %dma_start3A_65 = tpu.memref_slice %arg6[%run_scoped3A_17, %dma_start3A_63, %dma_start3A_64] : memref<4x2x128xi32, #tpu.memory_space<vmem>> -> memref<1x2x128xi32, #tpu.memory_space<vmem>>
      %dma_start3A_66 = tpu.memref_squeeze %dma_start3A_65 : memref<1x2x128xi32, #tpu.memory_space<vmem>> -> memref<2x128xi32, #tpu.memory_space<vmem>>
      %dma_start3A_67 = arith.constant 0 : i32
      %dma_start3A_68 = arith.constant 0 : i32
      %dma_start3A_69 = tpu.memref_slice %arg3[%add3A, %run_scoped3A_16, %dma_start3A_67, %dma_start3A_68] : memref<32x88x2x128xi32, #tpu.memory_space<hbm>> -> memref<1x1x2x128xi32, #tpu.memory_space<hbm>>
      %dma_start3A_70 = tpu.memref_squeeze %dma_start3A_69 : memref<1x1x2x128xi32, #tpu.memory_space<hbm>> -> memref<2x128xi32, #tpu.memory_space<hbm>>
      tpu.enqueue_dma source(%dma_start3A_70 : memref<2x128xi32, #tpu.memory_space<hbm>>) target(%dma_start3A_66 : memref<2x128xi32, #tpu.memory_space<vmem>>) target_semaphore(%run_scoped3A_54 : memref<!tpu.dma_semaphore, #tpu.memory_space<semaphore_mem>>)
      %dma_wait3A = arith.constant 0 : i32
      %dma_wait3A_71 = arith.constant 0 : i32
      %dma_wait3A_72 = tpu.memref_slice %arg6[%run_scoped3A_17, %dma_wait3A, %dma_wait3A_71] : memref<4x2x128xi32, #tpu.memory_space<vmem>> -> memref<1x2x128xi32, #tpu.memory_space<vmem>>
      %dma_wait3A_73 = tpu.memref_squeeze %dma_wait3A_72 : memref<1x2x128xi32, #tpu.memory_space<vmem>> -> memref<2x128xi32, #tpu.memory_space<vmem>>
      %dma_wait3A_74 = arith.constant 0 : i32
      %dma_wait3A_75 = arith.constant 0 : i32
      %dma_wait3A_76 = tpu.memref_slice %arg3[%add3A, %run_scoped3A_16, %dma_wait3A_74, %dma_wait3A_75] : memref<32x88x2x128xi32, #tpu.memory_space<hbm>> -> memref<1x1x2x128xi32, #tpu.memory_space<hbm>>
      %dma_wait3A_77 = tpu.memref_squeeze %dma_wait3A_76 : memref<1x1x2x128xi32, #tpu.memory_space<hbm>> -> memref<2x128xi32, #tpu.memory_space<hbm>>
      %dma_wait3A_78 = arith.constant 0 : i32
      %dma_wait3A_79 = arith.constant 0 : i32
      %dma_wait3A_80 = tpu.memref_slice %arg6[%run_scoped3A_17, %dma_wait3A_78, %dma_wait3A_79] : memref<4x2x128xi32, #tpu.memory_space<vmem>> -> memref<1x2x128xi32, #tpu.memory_space<vmem>>
      %dma_wait3A_81 = tpu.memref_squeeze %dma_wait3A_80 : memref<1x2x128xi32, #tpu.memory_space<vmem>> -> memref<2x128xi32, #tpu.memory_space<vmem>>
      %dma_wait3A_82 = arith.constant 0 : i32
      %dma_wait3A_83 = arith.constant 0 : i32
      %dma_wait3A_84 = tpu.memref_slice %arg3[%add3A, %run_scoped3A_16, %dma_wait3A_82, %dma_wait3A_83] : memref<32x88x2x128xi32, #tpu.memory_space<hbm>> -> memref<1x1x2x128xi32, #tpu.memory_space<hbm>>
      %dma_wait3A_85 = tpu.memref_squeeze %dma_wait3A_84 : memref<1x1x2x128xi32, #tpu.memory_space<hbm>> -> memref<2x128xi32, #tpu.memory_space<hbm>>
      tpu.wait_dma2 semaphore(%run_scoped3A_54 : memref<!tpu.dma_semaphore, #tpu.memory_space<semaphore_mem>>) src(%dma_wait3A_85 : memref<2x128xi32, #tpu.memory_space<hbm>>) dst(%dma_wait3A_81 : memref<2x128xi32, #tpu.memory_space<vmem>>)
      tpu.yield
    }) : () -> ()
    %dma_start3A_18 = arith.constant 1 : i32
    %dma_start3A_19 = arith.constant 0 : i32
    %dma_start3A_20 = arith.constant 1 : i32
    %dma_start3A_21 = arith.constant 0 : i32
    %dma_start3A_22 = arith.constant 0 : i32
    %dma_start3A_23 = tpu.memref_slice %arg7[%dma_start3A_20, %dma_start3A_21, %dma_start3A_22] : memref<4x128x128xf32, #tpu.memory_space<vmem>> -> memref<1x128x128xf32, #tpu.memory_space<vmem>>
    %dma_start3A_24 = tpu.memref_squeeze %dma_start3A_23 : memref<1x128x128xf32, #tpu.memory_space<vmem>> -> memref<128x128xf32, #tpu.memory_space<vmem>>
    %dma_start3A_25 = arith.constant 0 : i32
    %dma_start3A_26 = tpu.memref_slice %arg6[%dma_start3A_18, %dma_start3A_19, %dma_start3A_25] : memref<4x2x128xi32, #tpu.memory_space<vmem>> -> memref<1x1x128xi32, #tpu.memory_space<vmem>>
    %dma_start3A_27 = tpu.memref_squeeze %dma_start3A_26 : memref<1x1x128xi32, #tpu.memory_space<vmem>> -> memref<128xi32, #tpu.memory_space<vmem>>
    %dma_start3A_28 = arith.constant 0 : i32
    %dma_start3A_29 = arith.constant 0 : i32
    %dma_start3A_30 = tpu.memref_slice %arg2[%dma_start3A_28, %dma_start3A_29] : memref<10240x128xf32, #tpu.memory_space<hbm>> -> memref<10240x128xf32, #tpu.memory_space<hbm>>
    tpu.enqueue_indirect_dma source(%dma_start3A_30 : memref<10240x128xf32, #tpu.memory_space<hbm>>) target(%dma_start3A_24 : memref<128x128xf32, #tpu.memory_space<vmem>>) offsets(%dma_start3A_27 : memref<128xi32, #tpu.memory_space<vmem>>) semaphore(%arg9 : memref<!tpu.dma_semaphore, #tpu.memory_space<semaphore_mem>>)
    %run_scoped3A_31 = arith.constant 2 : i32
    %run_scoped3A_32 = arith.constant 2 : i32
    "tpu.region"() ({
      %run_scoped3A_54 = tpu.sem_alloc : memref<!tpu.dma_semaphore, #tpu.memory_space<semaphore_mem>>
      %dma_start3A_55 = arith.constant 0 : i32
      %dma_start3A_56 = arith.constant 0 : i32
      %dma_start3A_57 = tpu.memref_slice %arg6[%run_scoped3A_32, %dma_start3A_55, %dma_start3A_56] : memref<4x2x128xi32, #tpu.memory_space<vmem>> -> memref<1x2x128xi32, #tpu.memory_space<vmem>>
      %dma_start3A_58 = tpu.memref_squeeze %dma_start3A_57 : memref<1x2x128xi32, #tpu.memory_space<vmem>> -> memref<2x128xi32, #tpu.memory_space<vmem>>
      %dma_start3A_59 = arith.constant 0 : i32
      %dma_start3A_60 = arith.constant 0 : i32
      %dma_start3A_61 = tpu.memref_slice %arg3[%add3A, %run_scoped3A_31, %dma_start3A_59, %dma_start3A_60] : memref<32x88x2x128xi32, #tpu.memory_space<hbm>> -> memref<1x1x2x128xi32, #tpu.memory_space<hbm>>
      %dma_start3A_62 = tpu.memref_squeeze %dma_start3A_61 : memref<1x1x2x128xi32, #tpu.memory_space<hbm>> -> memref<2x128xi32, #tpu.memory_space<hbm>>
      %dma_start3A_63 = arith.constant 0 : i32
      %dma_start3A_64 = arith.constant 0 : i32
      %dma_start3A_65 = tpu.memref_slice %arg6[%run_scoped3A_32, %dma_start3A_63, %dma_start3A_64] : memref<4x2x128xi32, #tpu.memory_space<vmem>> -> memref<1x2x128xi32, #tpu.memory_space<vmem>>
      %dma_start3A_66 = tpu.memref_squeeze %dma_start3A_65 : memref<1x2x128xi32, #tpu.memory_space<vmem>> -> memref<2x128xi32, #tpu.memory_space<vmem>>
      %dma_start3A_67 = arith.constant 0 : i32
      %dma_start3A_68 = arith.constant 0 : i32
      %dma_start3A_69 = tpu.memref_slice %arg3[%add3A, %run_scoped3A_31, %dma_start3A_67, %dma_start3A_68] : memref<32x88x2x128xi32, #tpu.memory_space<hbm>> -> memref<1x1x2x128xi32, #tpu.memory_space<hbm>>
      %dma_start3A_70 = tpu.memref_squeeze %dma_start3A_69 : memref<1x1x2x128xi32, #tpu.memory_space<hbm>> -> memref<2x128xi32, #tpu.memory_space<hbm>>
      tpu.enqueue_dma source(%dma_start3A_70 : memref<2x128xi32, #tpu.memory_space<hbm>>) target(%dma_start3A_66 : memref<2x128xi32, #tpu.memory_space<vmem>>) target_semaphore(%run_scoped3A_54 : memref<!tpu.dma_semaphore, #tpu.memory_space<semaphore_mem>>)
      %dma_wait3A = arith.constant 0 : i32
      %dma_wait3A_71 = arith.constant 0 : i32
      %dma_wait3A_72 = tpu.memref_slice %arg6[%run_scoped3A_32, %dma_wait3A, %dma_wait3A_71] : memref<4x2x128xi32, #tpu.memory_space<vmem>> -> memref<1x2x128xi32, #tpu.memory_space<vmem>>
      %dma_wait3A_73 = tpu.memref_squeeze %dma_wait3A_72 : memref<1x2x128xi32, #tpu.memory_space<vmem>> -> memref<2x128xi32, #tpu.memory_space<vmem>>
      %dma_wait3A_74 = arith.constant 0 : i32
      %dma_wait3A_75 = arith.constant 0 : i32
      %dma_wait3A_76 = tpu.memref_slice %arg3[%add3A, %run_scoped3A_31, %dma_wait3A_74, %dma_wait3A_75] : memref<32x88x2x128xi32, #tpu.memory_space<hbm>> -> memref<1x1x2x128xi32, #tpu.memory_space<hbm>>
      %dma_wait3A_77 = tpu.memref_squeeze %dma_wait3A_76 : memref<1x1x2x128xi32, #tpu.memory_space<hbm>> -> memref<2x128xi32, #tpu.memory_space<hbm>>
      %dma_wait3A_78 = arith.constant 0 : i32
      %dma_wait3A_79 = arith.constant 0 : i32
      %dma_wait3A_80 = tpu.memref_slice %arg6[%run_scoped3A_32, %dma_wait3A_78, %dma_wait3A_79] : memref<4x2x128xi32, #tpu.memory_space<vmem>> -> memref<1x2x128xi32, #tpu.memory_space<vmem>>
      %dma_wait3A_81 = tpu.memref_squeeze %dma_wait3A_80 : memref<1x2x128xi32, #tpu.memory_space<vmem>> -> memref<2x128xi32, #tpu.memory_space<vmem>>
      %dma_wait3A_82 = arith.constant 0 : i32
      %dma_wait3A_83 = arith.constant 0 : i32
      %dma_wait3A_84 = tpu.memref_slice %arg3[%add3A, %run_scoped3A_31, %dma_wait3A_82, %dma_wait3A_83] : memref<32x88x2x128xi32, #tpu.memory_space<hbm>> -> memref<1x1x2x128xi32, #tpu.memory_space<hbm>>
      %dma_wait3A_85 = tpu.memref_squeeze %dma_wait3A_84 : memref<1x1x2x128xi32, #tpu.memory_space<hbm>> -> memref<2x128xi32, #tpu.memory_space<hbm>>
      tpu.wait_dma2 semaphore(%run_scoped3A_54 : memref<!tpu.dma_semaphore, #tpu.memory_space<semaphore_mem>>) src(%dma_wait3A_85 : memref<2x128xi32, #tpu.memory_space<hbm>>) dst(%dma_wait3A_81 : memref<2x128xi32, #tpu.memory_space<vmem>>)
      tpu.yield
    }) : () -> ()
    %dma_start3A_33 = arith.constant 2 : i32
    %dma_start3A_34 = arith.constant 0 : i32
    %dma_start3A_35 = arith.constant 2 : i32
    %dma_start3A_36 = arith.constant 0 : i32
    %dma_start3A_37 = arith.constant 0 : i32
    %dma_start3A_38 = tpu.memref_slice %arg7[%dma_start3A_35, %dma_start3A_36, %dma_start3A_37] : memref<4x128x128xf32, #tpu.memory_space<vmem>> -> memref<1x128x128xf32, #tpu.memory_space<vmem>>
    %dma_start3A_39 = tpu.memref_squeeze %dma_start3A_38 : memref<1x128x128xf32, #tpu.memory_space<vmem>> -> memref<128x128xf32, #tpu.memory_space<vmem>>
    %dma_start3A_40 = arith.constant 0 : i32
    %dma_start3A_41 = tpu.memref_slice %arg6[%dma_start3A_33, %dma_start3A_34, %dma_start3A_40] : memref<4x2x128xi32, #tpu.memory_space<vmem>> -> memref<1x1x128xi32, #tpu.memory_space<vmem>>
    %dma_start3A_42 = tpu.memref_squeeze %dma_start3A_41 : memref<1x1x128xi32, #tpu.memory_space<vmem>> -> memref<128xi32, #tpu.memory_space<vmem>>
    %dma_start3A_43 = arith.constant 0 : i32
    %dma_start3A_44 = arith.constant 0 : i32
    %dma_start3A_45 = tpu.memref_slice %arg2[%dma_start3A_43, %dma_start3A_44] : memref<10240x128xf32, #tpu.memory_space<hbm>> -> memref<10240x128xf32, #tpu.memory_space<hbm>>
    tpu.enqueue_indirect_dma source(%dma_start3A_45 : memref<10240x128xf32, #tpu.memory_space<hbm>>) target(%dma_start3A_39 : memref<128x128xf32, #tpu.memory_space<vmem>>) offsets(%dma_start3A_42 : memref<128xi32, #tpu.memory_space<vmem>>) semaphore(%arg9 : memref<!tpu.dma_semaphore, #tpu.memory_space<semaphore_mem>>)
    %scan3A = arith.constant 0 : i32
    %scan3A_46 = arith.constant 0 : i32
    %scan3A_47 = arith.constant 88 : i32
    %scan3A_48 = arith.addi %scan3A_46, %scan3A_47 : i32
    %scan3A_49 = arith.constant 1 : i32
    scf.for %scan3A_54 = %scan3A_46 to %scan3A_48 step %scan3A_49  : i32 {
      %rem3A = arith.constant 4 : i32
      %rem3A_55 = arith.remsi %scan3A_54, %rem3A : i32
      %add3A_56 = arith.constant 3 : i32
      %add3A_57 = arith.addi %scan3A_54, %add3A_56 : i32
      %rem3A_58 = arith.constant 4 : i32
      %rem3A_59 = arith.remsi %add3A_57, %rem3A_58 : i32
      %add3A_60 = arith.constant 3 : i32
      %add3A_61 = arith.addi %scan3A_54, %add3A_60 : i32
      %lt3A = arith.constant 88 : i32
      %lt3A_62 = arith.cmpi slt, %add3A_61, %lt3A : i32
      %convert_element_type3A = arith.extui %lt3A_62 : i1 to i32
      %cond3A = arith.constant 0 : i32
      %cond3A_63 = arith.cmpi ne, %convert_element_type3A, %cond3A : i32
      scf.if %cond3A_63 {
        %add3A_75 = arith.constant 3 : i32
        %add3A_76 = arith.addi %scan3A_54, %add3A_75 : i32
        "tpu.region"() ({
          %run_scoped3A_88 = tpu.sem_alloc : memref<!tpu.dma_semaphore, #tpu.memory_space<semaphore_mem>>
          %dma_start3A_89 = arith.constant 0 : i32
          %dma_start3A_90 = arith.constant 0 : i32
          %dma_start3A_91 = tpu.memref_slice %arg6[%rem3A_59, %dma_start3A_89, %dma_start3A_90] : memref<4x2x128xi32, #tpu.memory_space<vmem>> -> memref<1x2x128xi32, #tpu.memory_space<vmem>>
          %dma_start3A_92 = tpu.memref_squeeze %dma_start3A_91 : memref<1x2x128xi32, #tpu.memory_space<vmem>> -> memref<2x128xi32, #tpu.memory_space<vmem>>
          %dma_start3A_93 = arith.constant 0 : i32
          %dma_start3A_94 = arith.constant 0 : i32
          %dma_start3A_95 = tpu.memref_slice %arg3[%add3A, %add3A_76, %dma_start3A_93, %dma_start3A_94] : memref<32x88x2x128xi32, #tpu.memory_space<hbm>> -> memref<1x1x2x128xi32, #tpu.memory_space<hbm>>
          %dma_start3A_96 = tpu.memref_squeeze %dma_start3A_95 : memref<1x1x2x128xi32, #tpu.memory_space<hbm>> -> memref<2x128xi32, #tpu.memory_space<hbm>>
          %dma_start3A_97 = arith.constant 0 : i32
          %dma_start3A_98 = arith.constant 0 : i32
          %dma_start3A_99 = tpu.memref_slice %arg6[%rem3A_59, %dma_start3A_97, %dma_start3A_98] : memref<4x2x128xi32, #tpu.memory_space<vmem>> -> memref<1x2x128xi32, #tpu.memory_space<vmem>>
          %dma_start3A_100 = tpu.memref_squeeze %dma_start3A_99 : memref<1x2x128xi32, #tpu.memory_space<vmem>> -> memref<2x128xi32, #tpu.memory_space<vmem>>
          %dma_start3A_101 = arith.constant 0 : i32
          %dma_start3A_102 = arith.constant 0 : i32
          %dma_start3A_103 = tpu.memref_slice %arg3[%add3A, %add3A_76, %dma_start3A_101, %dma_start3A_102] : memref<32x88x2x128xi32, #tpu.memory_space<hbm>> -> memref<1x1x2x128xi32, #tpu.memory_space<hbm>>
          %dma_start3A_104 = tpu.memref_squeeze %dma_start3A_103 : memref<1x1x2x128xi32, #tpu.memory_space<hbm>> -> memref<2x128xi32, #tpu.memory_space<hbm>>
          tpu.enqueue_dma source(%dma_start3A_104 : memref<2x128xi32, #tpu.memory_space<hbm>>) target(%dma_start3A_100 : memref<2x128xi32, #tpu.memory_space<vmem>>) target_semaphore(%run_scoped3A_88 : memref<!tpu.dma_semaphore, #tpu.memory_space<semaphore_mem>>)
          %dma_wait3A_105 = arith.constant 0 : i32
          %dma_wait3A_106 = arith.constant 0 : i32
          %dma_wait3A_107 = tpu.memref_slice %arg6[%rem3A_59, %dma_wait3A_105, %dma_wait3A_106] : memref<4x2x128xi32, #tpu.memory_space<vmem>> -> memref<1x2x128xi32, #tpu.memory_space<vmem>>
          %dma_wait3A_108 = tpu.memref_squeeze %dma_wait3A_107 : memref<1x2x128xi32, #tpu.memory_space<vmem>> -> memref<2x128xi32, #tpu.memory_space<vmem>>
          %dma_wait3A_109 = arith.constant 0 : i32
          %dma_wait3A_110 = arith.constant 0 : i32
          %dma_wait3A_111 = tpu.memref_slice %arg3[%add3A, %add3A_76, %dma_wait3A_109, %dma_wait3A_110] : memref<32x88x2x128xi32, #tpu.memory_space<hbm>> -> memref<1x1x2x128xi32, #tpu.memory_space<hbm>>
          %dma_wait3A_112 = tpu.memref_squeeze %dma_wait3A_111 : memref<1x1x2x128xi32, #tpu.memory_space<hbm>> -> memref<2x128xi32, #tpu.memory_space<hbm>>
          %dma_wait3A_113 = arith.constant 0 : i32
          %dma_wait3A_114 = arith.constant 0 : i32
          %dma_wait3A_115 = tpu.memref_slice %arg6[%rem3A_59, %dma_wait3A_113, %dma_wait3A_114] : memref<4x2x128xi32, #tpu.memory_space<vmem>> -> memref<1x2x128xi32, #tpu.memory_space<vmem>>
          %dma_wait3A_116 = tpu.memref_squeeze %dma_wait3A_115 : memref<1x2x128xi32, #tpu.memory_space<vmem>> -> memref<2x128xi32, #tpu.memory_space<vmem>>
          %dma_wait3A_117 = arith.constant 0 : i32
          %dma_wait3A_118 = arith.constant 0 : i32
          %dma_wait3A_119 = tpu.memref_slice %arg3[%add3A, %add3A_76, %dma_wait3A_117, %dma_wait3A_118] : memref<32x88x2x128xi32, #tpu.memory_space<hbm>> -> memref<1x1x2x128xi32, #tpu.memory_space<hbm>>
          %dma_wait3A_120 = tpu.memref_squeeze %dma_wait3A_119 : memref<1x1x2x128xi32, #tpu.memory_space<hbm>> -> memref<2x128xi32, #tpu.memory_space<hbm>>
          tpu.wait_dma2 semaphore(%run_scoped3A_88 : memref<!tpu.dma_semaphore, #tpu.memory_space<semaphore_mem>>) src(%dma_wait3A_120 : memref<2x128xi32, #tpu.memory_space<hbm>>) dst(%dma_wait3A_116 : memref<2x128xi32, #tpu.memory_space<vmem>>)
          tpu.yield
        }) : () -> ()
        %dma_start3A_77 = arith.constant 0 : i32
        %dma_start3A_78 = arith.constant 0 : i32
        %dma_start3A_79 = arith.constant 0 : i32
        %dma_start3A_80 = tpu.memref_slice %arg7[%rem3A_59, %dma_start3A_78, %dma_start3A_79] : memref<4x128x128xf32, #tpu.memory_space<vmem>> -> memref<1x128x128xf32, #tpu.memory_space<vmem>>
        %dma_start3A_81 = tpu.memref_squeeze %dma_start3A_80 : memref<1x128x128xf32, #tpu.memory_space<vmem>> -> memref<128x128xf32, #tpu.memory_space<vmem>>
        %dma_start3A_82 = arith.constant 0 : i32
        %dma_start3A_83 = tpu.memref_slice %arg6[%rem3A_59, %dma_start3A_77, %dma_start3A_82] : memref<4x2x128xi32, #tpu.memory_space<vmem>> -> memref<1x1x128xi32, #tpu.memory_space<vmem>>
        %dma_start3A_84 = tpu.memref_squeeze %dma_start3A_83 : memref<1x1x128xi32, #tpu.memory_space<vmem>> -> memref<128xi32, #tpu.memory_space<vmem>>
        %dma_start3A_85 = arith.constant 0 : i32
        %dma_start3A_86 = arith.constant 0 : i32
        %dma_start3A_87 = tpu.memref_slice %arg2[%dma_start3A_85, %dma_start3A_86] : memref<10240x128xf32, #tpu.memory_space<hbm>> -> memref<10240x128xf32, #tpu.memory_space<hbm>>
        tpu.enqueue_indirect_dma source(%dma_start3A_87 : memref<10240x128xf32, #tpu.memory_space<hbm>>) target(%dma_start3A_81 : memref<128x128xf32, #tpu.memory_space<vmem>>) offsets(%dma_start3A_84 : memref<128xi32, #tpu.memory_space<vmem>>) semaphore(%arg9 : memref<!tpu.dma_semaphore, #tpu.memory_space<semaphore_mem>>)
      } else {
      }
      %dma_wait3A = arith.constant 0 : i32
      %dma_wait3A_64 = arith.constant 0 : i32
      %dma_wait3A_65 = arith.constant 0 : i32
      %dma_wait3A_66 = tpu.memref_slice %arg7[%rem3A_55, %dma_wait3A_64, %dma_wait3A_65] : memref<4x128x128xf32, #tpu.memory_space<vmem>> -> memref<1x128x128xf32, #tpu.memory_space<vmem>>
      %dma_wait3A_67 = tpu.memref_squeeze %dma_wait3A_66 : memref<1x128x128xf32, #tpu.memory_space<vmem>> -> memref<128x128xf32, #tpu.memory_space<vmem>>
      %dma_wait3A_68 = arith.constant 0 : i32
      %dma_wait3A_69 = tpu.memref_slice %arg6[%rem3A_55, %dma_wait3A, %dma_wait3A_68] : memref<4x2x128xi32, #tpu.memory_space<vmem>> -> memref<1x1x128xi32, #tpu.memory_space<vmem>>
      %dma_wait3A_70 = tpu.memref_squeeze %dma_wait3A_69 : memref<1x1x128xi32, #tpu.memory_space<vmem>> -> memref<128xi32, #tpu.memory_space<vmem>>
      %dma_wait3A_71 = arith.constant 0 : i32
      %dma_wait3A_72 = arith.constant 0 : i32
      %dma_wait3A_73 = tpu.memref_slice %arg2[%dma_wait3A_71, %dma_wait3A_72] : memref<10240x128xf32, #tpu.memory_space<hbm>> -> memref<10240x128xf32, #tpu.memory_space<hbm>>
      tpu.wait_indirect_dma semaphore(%arg9 : memref<!tpu.dma_semaphore, #tpu.memory_space<semaphore_mem>>) src(%dma_wait3A_73 : memref<10240x128xf32, #tpu.memory_space<hbm>>) dst(%dma_wait3A_67 : memref<128x128xf32, #tpu.memory_space<vmem>>)
      %run_scoped3A_74 = arith.constant 1 : i32
      "tpu.region"() ({
        %run_scoped3A_75 = tpu.sem_alloc : memref<!tpu.dma_semaphore, #tpu.memory_space<semaphore_mem>>
        %dma_start3A_76 = arith.constant 0 : i32
        %dma_start3A_77 = arith.constant 0 : i32
        %dma_start3A_78 = tpu.memref_slice %arg7[%rem3A_55, %dma_start3A_76, %dma_start3A_77] : memref<4x128x128xf32, #tpu.memory_space<vmem>> -> memref<1x128x128xf32, #tpu.memory_space<vmem>>
        %dma_start3A_79 = tpu.memref_squeeze %dma_start3A_78 : memref<1x128x128xf32, #tpu.memory_space<vmem>> -> memref<128x128xf32, #tpu.memory_space<vmem>>
        %dma_start3A_80 = arith.constant 0 : i32
        %dma_start3A_81 = tpu.memref_slice %arg6[%rem3A_55, %run_scoped3A_74, %dma_start3A_80] : memref<4x2x128xi32, #tpu.memory_space<vmem>> -> memref<1x1x128xi32, #tpu.memory_space<vmem>>
        %dma_start3A_82 = tpu.memref_squeeze %dma_start3A_81 : memref<1x1x128xi32, #tpu.memory_space<vmem>> -> memref<128xi32, #tpu.memory_space<vmem>>
        %dma_start3A_83 = arith.constant 0 : i32
        %dma_start3A_84 = arith.constant 0 : i32
        %dma_start3A_85 = tpu.memref_slice %arg8[%dma_start3A_83, %dma_start3A_84] : memref<5120x128xf32, #tpu.memory_space<vmem_shared>> -> memref<5120x128xf32, #tpu.memory_space<vmem_shared>>
        tpu.enqueue_indirect_dma source(%dma_start3A_79 : memref<128x128xf32, #tpu.memory_space<vmem>>) target(%dma_start3A_85 : memref<5120x128xf32, #tpu.memory_space<vmem_shared>>) offsets(%dma_start3A_82 : memref<128xi32, #tpu.memory_space<vmem>>) semaphore(%run_scoped3A_75 : memref<!tpu.dma_semaphore, #tpu.memory_space<semaphore_mem>>) {add = true}
        %dma_wait3A_86 = arith.constant 0 : i32
        %dma_wait3A_87 = arith.constant 0 : i32
        %dma_wait3A_88 = tpu.memref_slice %arg7[%rem3A_55, %dma_wait3A_86, %dma_wait3A_87] : memref<4x128x128xf32, #tpu.memory_space<vmem>> -> memref<1x128x128xf32, #tpu.memory_space<vmem>>
        %dma_wait3A_89 = tpu.memref_squeeze %dma_wait3A_88 : memref<1x128x128xf32, #tpu.memory_space<vmem>> -> memref<128x128xf32, #tpu.memory_space<vmem>>
        %dma_wait3A_90 = arith.constant 0 : i32
        %dma_wait3A_91 = tpu.memref_slice %arg6[%rem3A_55, %run_scoped3A_74, %dma_wait3A_90] : memref<4x2x128xi32, #tpu.memory_space<vmem>> -> memref<1x1x128xi32, #tpu.memory_space<vmem>>
        %dma_wait3A_92 = tpu.memref_squeeze %dma_wait3A_91 : memref<1x1x128xi32, #tpu.memory_space<vmem>> -> memref<128xi32, #tpu.memory_space<vmem>>
        %dma_wait3A_93 = arith.constant 0 : i32
        %dma_wait3A_94 = arith.constant 0 : i32
        %dma_wait3A_95 = tpu.memref_slice %arg8[%dma_wait3A_93, %dma_wait3A_94] : memref<5120x128xf32, #tpu.memory_space<vmem_shared>> -> memref<5120x128xf32, #tpu.memory_space<vmem_shared>>
        tpu.wait_indirect_dma semaphore(%run_scoped3A_75 : memref<!tpu.dma_semaphore, #tpu.memory_space<semaphore_mem>>) src(%dma_wait3A_89 : memref<128x128xf32, #tpu.memory_space<vmem>>) dst(%dma_wait3A_95 : memref<5120x128xf32, #tpu.memory_space<vmem_shared>>)
        tpu.yield
      }) : () -> ()
    }
    %scan3A_50 = arith.constant 88 : i32
    %barrier3A_51 = arith.constant 0 : index
    tpu.barrier barrier_id(%barrier3A_51)
    %mul3A_52 = arith.constant 320 : i32
    %mul3A_53 = arith.muli %add3A, %mul3A_52 : i32
    "tpu.region"() ({
      %run_scoped3A_54 = tpu.sem_alloc : memref<!tpu.dma_semaphore, #tpu.memory_space<semaphore_mem>>
      %dma_start3A_55 = arith.constant 0 : i32
      %dma_start3A_56 = tpu.memref_slice %arg5[%mul3A_53, %dma_start3A_55] : memref<10240x128xf32, #tpu.memory_space<hbm>> -> memref<320x128xf32, #tpu.memory_space<hbm>>
      %dma_start3A_57 = arith.constant 0 : i32
      %dma_start3A_58 = tpu.memref_slice %arg8[%mul3A_2, %dma_start3A_57] : memref<5120x128xf32, #tpu.memory_space<vmem_shared>> -> memref<320x128xf32, #tpu.memory_space<vmem_shared>>
      tpu.enqueue_dma source(%dma_start3A_58 : memref<320x128xf32, #tpu.memory_space<vmem_shared>>) target(%dma_start3A_56 : memref<320x128xf32, #tpu.memory_space<hbm>>) target_semaphore(%run_scoped3A_54 : memref<!tpu.dma_semaphore, #tpu.memory_space<semaphore_mem>>)
      %dma_wait3A = arith.constant 0 : i32
      %dma_wait3A_59 = tpu.memref_slice %arg5[%mul3A_53, %dma_wait3A] : memref<10240x128xf32, #tpu.memory_space<hbm>> -> memref<320x128xf32, #tpu.memory_space<hbm>>
      %dma_wait3A_60 = arith.constant 0 : i32
      %dma_wait3A_61 = tpu.memref_slice %arg8[%mul3A_2, %dma_wait3A_60] : memref<5120x128xf32, #tpu.memory_space<vmem_shared>> -> memref<320x128xf32, #tpu.memory_space<vmem_shared>>
      tpu.wait_dma2 semaphore(%run_scoped3A_54 : memref<!tpu.dma_semaphore, #tpu.memory_space<semaphore_mem>>) src(%dma_wait3A_61 : memref<320x128xf32, #tpu.memory_space<vmem_shared>>) dst(%dma_wait3A_59 : memref<320x128xf32, #tpu.memory_space<hbm>>)
      tpu.yield
    }) : () -> ()
    return
  }
}

module attributes {stable_mosaic.version = 14 : i64} {
  func.func @body(%arg0: memref<10240x144xf32, #tpu.memory_space<vmem>>, %arg1: memref<10240x144xf32, #tpu.memory_space<vmem>>, %arg2: memref<144x128xf32, #tpu.memory_space<vmem>>, %arg3: memref<1x128xf32, #tpu.memory_space<vmem>>, %arg4: memref<1x128xf32, #tpu.memory_space<vmem>>, %arg5: memref<1x128xf32, #tpu.memory_space<vmem>>, %arg6: memref<128x128xf32, #tpu.memory_space<vmem>>, %arg7: memref<1x128xf32, #tpu.memory_space<vmem>>, %arg8: memref<10240x128xf32, #tpu.memory_space<vmem>>, %arg9: memref<10240x128xf32, #tpu.memory_space<vmem>>) attributes {dimension_semantics = [], scalar_prefetch = 0 : i64, scratch_operands = 1 : i64, tpu.core_type = #tpu.core_type<tc>} {
    %get3A = arith.constant 0 : index
    %get3A_0 = arith.constant 0 : index
    %get3A_1 = vector.load %arg0[%get3A, %get3A_0] : memref<10240x144xf32, #tpu.memory_space<vmem>>, vector<10240x144xf32>
    %get3A_2 = arith.constant 0 : index
    %get3A_3 = arith.constant 0 : index
    %get3A_4 = vector.load %arg1[%get3A_2, %get3A_3] : memref<10240x144xf32, #tpu.memory_space<vmem>>, vector<10240x144xf32>
    %add3A = arith.addf %get3A_1, %get3A_4 : vector<10240x144xf32>
    %get3A_5 = arith.constant 0 : index
    %get3A_6 = arith.constant 0 : index
    %get3A_7 = vector.load %arg2[%get3A_5, %get3A_6] : memref<144x128xf32, #tpu.memory_space<vmem>>, vector<144x128xf32>
    %dot_general3A = arith.constant dense<0.000000e+00> : vector<10240x128xf32>
    %dot_general3A_8 = tpu.matmul %add3A, %get3A_7, %dot_general3A {dimension_numbers = #tpu.dot_dimension_numbers<[1], [0], [0], [1], [0, 0, 1, 1], [], []>, transpose_lhs_hint = false} : vector<10240x144xf32>, vector<144x128xf32>, vector<10240x128xf32> -> vector<10240x128xf32>
    %get3A_9 = arith.constant 0 : index
    %get3A_10 = arith.constant 0 : index
    %get3A_11 = vector.load %arg3[%get3A_9, %get3A_10] : memref<1x128xf32, #tpu.memory_space<vmem>>, vector<1x128xf32>
    %add3A_12 = vector.broadcast %get3A_11 : vector<1x128xf32> to vector<10240x128xf32>
    %add3A_13 = arith.addf %dot_general3A_8, %add3A_12 : vector<10240x128xf32>
    %swap3A = arith.constant 0 : index
    %swap3A_14 = arith.constant 0 : index
    %swap3A_15 = vector.load %arg9[%swap3A, %swap3A_14] : memref<10240x128xf32, #tpu.memory_space<vmem>>, vector<10240x128xf32>
    tpu.vector_store %arg9[%swap3A, %swap3A_14], %add3A_13 {strides = array<i32>} : memref<10240x128xf32, #tpu.memory_space<vmem>>, vector<10240x128xf32>,
    %broadcast_in_dim3A = arith.constant 0.000000e+00 : f32
    %broadcast_in_dim3A_16 = vector.broadcast %broadcast_in_dim3A : f32 to vector<8x128xf32>
    %scan3A = arith.constant 0 : i32
    %scan3A_17 = arith.constant 625 : i32
    %scan3A_18 = arith.addi %scan3A, %scan3A_17 : i32
    %scan3A_19 = arith.constant 1 : i32
    %scan3A_20 = scf.for %scan3A_126 = %scan3A to %scan3A_18 step %scan3A_19 iter_args(%scan3A_127 = %broadcast_in_dim3A_16) -> (vector<8x128xf32>)  : i32 {
      %mul3A_128 = arith.constant 8 : i32
      %mul3A_129 = arith.muli %scan3A_126, %mul3A_128 : i32
      %add3A_130 = arith.constant 0 : i32
      %add3A_131 = arith.addi %add3A_130, %mul3A_129 : i32
      %get3A_132 = arith.index_cast %add3A_131 : i32 to index
      %get3A_133 = arith.constant 0 : index
      %get3A_134 = vector.load %arg9[%get3A_132, %get3A_133] : memref<10240x128xf32, #tpu.memory_space<vmem>>, vector<8x128xf32>
      %add3A_135 = arith.addf %scan3A_127, %get3A_134 : vector<8x128xf32>
      scf.yield %add3A_135 : vector<8x128xf32>
    }
    %scan3A_21 = arith.constant 625 : i32
    %slice3A = vector.extract_strided_slice %scan3A_20 {offsets = [0, 0], sizes = [4, 128], strides = [1, 1]} : vector<8x128xf32> to vector<4x128xf32>
    %slice3A_22 = vector.extract_strided_slice %scan3A_20 {offsets = [4, 0], sizes = [4, 128], strides = [1, 1]} : vector<8x128xf32> to vector<4x128xf32>
    %add3A_23 = arith.addf %slice3A, %slice3A_22 : vector<4x128xf32>
    %slice3A_24 = vector.extract_strided_slice %add3A_23 {offsets = [0, 0], sizes = [2, 128], strides = [1, 1]} : vector<4x128xf32> to vector<2x128xf32>
    %slice3A_25 = vector.extract_strided_slice %add3A_23 {offsets = [2, 0], sizes = [2, 128], strides = [1, 1]} : vector<4x128xf32> to vector<2x128xf32>
    %add3A_26 = arith.addf %slice3A_24, %slice3A_25 : vector<2x128xf32>
    %slice3A_27 = vector.extract_strided_slice %add3A_26 {offsets = [0, 0], sizes = [1, 128], strides = [1, 1]} : vector<2x128xf32> to vector<1x128xf32>
    %slice3A_28 = vector.extract_strided_slice %add3A_26 {offsets = [1, 0], sizes = [1, 128], strides = [1, 1]} : vector<2x128xf32> to vector<1x128xf32>
    %add3A_29 = arith.addf %slice3A_27, %slice3A_28 : vector<1x128xf32>
    %broadcast_in_dim3A_30 = arith.constant 0.000000e+00 : f32
    %broadcast_in_dim3A_31 = vector.broadcast %broadcast_in_dim3A_30 : f32 to vector<8x128xf32>
    %scan3A_32 = arith.constant 0 : i32
    %scan3A_33 = arith.constant 625 : i32
    %scan3A_34 = arith.addi %scan3A_32, %scan3A_33 : i32
    %scan3A_35 = arith.constant 1 : i32
    %scan3A_36 = scf.for %scan3A_126 = %scan3A_32 to %scan3A_34 step %scan3A_35 iter_args(%scan3A_127 = %broadcast_in_dim3A_31) -> (vector<8x128xf32>)  : i32 {
      %mul3A_128 = arith.constant 8 : i32
      %mul3A_129 = arith.muli %scan3A_126, %mul3A_128 : i32
      %add3A_130 = arith.constant 5000 : i32
      %add3A_131 = arith.addi %add3A_130, %mul3A_129 : i32
      %get3A_132 = arith.index_cast %add3A_131 : i32 to index
      %get3A_133 = arith.constant 0 : index
      %get3A_134 = vector.load %arg9[%get3A_132, %get3A_133] : memref<10240x128xf32, #tpu.memory_space<vmem>>, vector<8x128xf32>
      %add3A_135 = arith.addf %scan3A_127, %get3A_134 : vector<8x128xf32>
      scf.yield %add3A_135 : vector<8x128xf32>
    }
    %scan3A_37 = arith.constant 625 : i32
    %slice3A_38 = vector.extract_strided_slice %scan3A_36 {offsets = [0, 0], sizes = [4, 128], strides = [1, 1]} : vector<8x128xf32> to vector<4x128xf32>
    %slice3A_39 = vector.extract_strided_slice %scan3A_36 {offsets = [4, 0], sizes = [4, 128], strides = [1, 1]} : vector<8x128xf32> to vector<4x128xf32>
    %add3A_40 = arith.addf %slice3A_38, %slice3A_39 : vector<4x128xf32>
    %slice3A_41 = vector.extract_strided_slice %add3A_40 {offsets = [0, 0], sizes = [2, 128], strides = [1, 1]} : vector<4x128xf32> to vector<2x128xf32>
    %slice3A_42 = vector.extract_strided_slice %add3A_40 {offsets = [2, 0], sizes = [2, 128], strides = [1, 1]} : vector<4x128xf32> to vector<2x128xf32>
    %add3A_43 = arith.addf %slice3A_41, %slice3A_42 : vector<2x128xf32>
    %slice3A_44 = vector.extract_strided_slice %add3A_43 {offsets = [0, 0], sizes = [1, 128], strides = [1, 1]} : vector<2x128xf32> to vector<1x128xf32>
    %slice3A_45 = vector.extract_strided_slice %add3A_43 {offsets = [1, 0], sizes = [1, 128], strides = [1, 1]} : vector<2x128xf32> to vector<1x128xf32>
    %add3A_46 = arith.addf %slice3A_44, %slice3A_45 : vector<1x128xf32>
    %add3A_47 = arith.addf %add3A_29, %add3A_46 : vector<1x128xf32>
    %mul3A = arith.constant 9.99999974E-5 : f32
    %mul3A_48 = vector.broadcast %mul3A : f32 to vector<1x128xf32>
    %mul3A_49 = arith.mulf %add3A_47, %mul3A_48 : vector<1x128xf32>
    %broadcast_in_dim3A_50 = arith.constant 0.000000e+00 : f32
    %broadcast_in_dim3A_51 = vector.broadcast %broadcast_in_dim3A_50 : f32 to vector<8x128xf32>
    %scan3A_52 = arith.constant 0 : i32
    %scan3A_53 = arith.constant 625 : i32
    %scan3A_54 = arith.addi %scan3A_52, %scan3A_53 : i32
    %scan3A_55 = arith.constant 1 : i32
    %scan3A_56 = scf.for %scan3A_126 = %scan3A_52 to %scan3A_54 step %scan3A_55 iter_args(%scan3A_127 = %broadcast_in_dim3A_51) -> (vector<8x128xf32>)  : i32 {
      %mul3A_128 = arith.constant 8 : i32
      %mul3A_129 = arith.muli %scan3A_126, %mul3A_128 : i32
      %add3A_130 = arith.constant 0 : i32
      %add3A_131 = arith.addi %add3A_130, %mul3A_129 : i32
      %get3A_132 = arith.index_cast %add3A_131 : i32 to index
      %get3A_133 = arith.constant 0 : index
      %get3A_134 = vector.load %arg9[%get3A_132, %get3A_133] : memref<10240x128xf32, #tpu.memory_space<vmem>>, vector<8x128xf32>
      %sub3A_135 = vector.broadcast %mul3A_49 : vector<1x128xf32> to vector<8x128xf32>
      %sub3A_136 = arith.subf %get3A_134, %sub3A_135 : vector<8x128xf32>
      %mul3A_137 = arith.mulf %sub3A_136, %sub3A_136 : vector<8x128xf32>
      %add3A_138 = arith.addf %scan3A_127, %mul3A_137 : vector<8x128xf32>
      scf.yield %add3A_138 : vector<8x128xf32>
    }
    %scan3A_57 = arith.constant 625 : i32
    %slice3A_58 = vector.extract_strided_slice %scan3A_56 {offsets = [0, 0], sizes = [4, 128], strides = [1, 1]} : vector<8x128xf32> to vector<4x128xf32>
    %slice3A_59 = vector.extract_strided_slice %scan3A_56 {offsets = [4, 0], sizes = [4, 128], strides = [1, 1]} : vector<8x128xf32> to vector<4x128xf32>
    %add3A_60 = arith.addf %slice3A_58, %slice3A_59 : vector<4x128xf32>
    %slice3A_61 = vector.extract_strided_slice %add3A_60 {offsets = [0, 0], sizes = [2, 128], strides = [1, 1]} : vector<4x128xf32> to vector<2x128xf32>
    %slice3A_62 = vector.extract_strided_slice %add3A_60 {offsets = [2, 0], sizes = [2, 128], strides = [1, 1]} : vector<4x128xf32> to vector<2x128xf32>
    %add3A_63 = arith.addf %slice3A_61, %slice3A_62 : vector<2x128xf32>
    %slice3A_64 = vector.extract_strided_slice %add3A_63 {offsets = [0, 0], sizes = [1, 128], strides = [1, 1]} : vector<2x128xf32> to vector<1x128xf32>
    %slice3A_65 = vector.extract_strided_slice %add3A_63 {offsets = [1, 0], sizes = [1, 128], strides = [1, 1]} : vector<2x128xf32> to vector<1x128xf32>
    %add3A_66 = arith.addf %slice3A_64, %slice3A_65 : vector<1x128xf32>
    %broadcast_in_dim3A_67 = arith.constant 0.000000e+00 : f32
    %broadcast_in_dim3A_68 = vector.broadcast %broadcast_in_dim3A_67 : f32 to vector<8x128xf32>
    %scan3A_69 = arith.constant 0 : i32
    %scan3A_70 = arith.constant 625 : i32
    %scan3A_71 = arith.addi %scan3A_69, %scan3A_70 : i32
    %scan3A_72 = arith.constant 1 : i32
    %scan3A_73 = scf.for %scan3A_126 = %scan3A_69 to %scan3A_71 step %scan3A_72 iter_args(%scan3A_127 = %broadcast_in_dim3A_68) -> (vector<8x128xf32>)  : i32 {
      %mul3A_128 = arith.constant 8 : i32
      %mul3A_129 = arith.muli %scan3A_126, %mul3A_128 : i32
      %add3A_130 = arith.constant 5000 : i32
      %add3A_131 = arith.addi %add3A_130, %mul3A_129 : i32
      %get3A_132 = arith.index_cast %add3A_131 : i32 to index
      %get3A_133 = arith.constant 0 : index
      %get3A_134 = vector.load %arg9[%get3A_132, %get3A_133] : memref<10240x128xf32, #tpu.memory_space<vmem>>, vector<8x128xf32>
      %sub3A_135 = vector.broadcast %mul3A_49 : vector<1x128xf32> to vector<8x128xf32>
      %sub3A_136 = arith.subf %get3A_134, %sub3A_135 : vector<8x128xf32>
      %mul3A_137 = arith.mulf %sub3A_136, %sub3A_136 : vector<8x128xf32>
      %add3A_138 = arith.addf %scan3A_127, %mul3A_137 : vector<8x128xf32>
      scf.yield %add3A_138 : vector<8x128xf32>
    }
    %scan3A_74 = arith.constant 625 : i32
    %slice3A_75 = vector.extract_strided_slice %scan3A_73 {offsets = [0, 0], sizes = [4, 128], strides = [1, 1]} : vector<8x128xf32> to vector<4x128xf32>
    %slice3A_76 = vector.extract_strided_slice %scan3A_73 {offsets = [4, 0], sizes = [4, 128], strides = [1, 1]} : vector<8x128xf32> to vector<4x128xf32>
    %add3A_77 = arith.addf %slice3A_75, %slice3A_76 : vector<4x128xf32>
    %slice3A_78 = vector.extract_strided_slice %add3A_77 {offsets = [0, 0], sizes = [2, 128], strides = [1, 1]} : vector<4x128xf32> to vector<2x128xf32>
    %slice3A_79 = vector.extract_strided_slice %add3A_77 {offsets = [2, 0], sizes = [2, 128], strides = [1, 1]} : vector<4x128xf32> to vector<2x128xf32>
    %add3A_80 = arith.addf %slice3A_78, %slice3A_79 : vector<2x128xf32>
    %slice3A_81 = vector.extract_strided_slice %add3A_80 {offsets = [0, 0], sizes = [1, 128], strides = [1, 1]} : vector<2x128xf32> to vector<1x128xf32>
    %slice3A_82 = vector.extract_strided_slice %add3A_80 {offsets = [1, 0], sizes = [1, 128], strides = [1, 1]} : vector<2x128xf32> to vector<1x128xf32>
    %add3A_83 = arith.addf %slice3A_81, %slice3A_82 : vector<1x128xf32>
    %add3A_84 = arith.addf %add3A_66, %add3A_83 : vector<1x128xf32>
    %mul3A_85 = arith.constant 9.99999974E-5 : f32
    %mul3A_86 = vector.broadcast %mul3A_85 : f32 to vector<1x128xf32>
    %mul3A_87 = arith.mulf %add3A_84, %mul3A_86 : vector<1x128xf32>
    %get3A_88 = arith.constant 0 : index
    %get3A_89 = arith.constant 0 : index
    %get3A_90 = vector.load %arg9[%get3A_88, %get3A_89] : memref<10240x128xf32, #tpu.memory_space<vmem>>, vector<10240x128xf32>
    %sub3A = vector.broadcast %mul3A_49 : vector<1x128xf32> to vector<10240x128xf32>
    %sub3A_91 = arith.subf %get3A_90, %sub3A : vector<10240x128xf32>
    %add3A_92 = arith.constant 9.99999974E-6 : f32
    %add3A_93 = vector.broadcast %add3A_92 : f32 to vector<1x128xf32>
    %add3A_94 = arith.addf %mul3A_87, %add3A_93 : vector<1x128xf32>
    %sqrt3A = math.sqrt %add3A_94 : vector<1x128xf32>
    %div3A = vector.broadcast %sqrt3A : vector<1x128xf32> to vector<10240x128xf32>
    %div3A_95 = arith.divf %sub3A_91, %div3A : vector<10240x128xf32>
    %get3A_96 = arith.constant 0 : index
    %get3A_97 = arith.constant 0 : index
    %get3A_98 = vector.load %arg4[%get3A_96, %get3A_97] : memref<1x128xf32, #tpu.memory_space<vmem>>, vector<1x128xf32>
    %mul3A_99 = vector.broadcast %get3A_98 : vector<1x128xf32> to vector<10240x128xf32>
    %mul3A_100 = arith.mulf %div3A_95, %mul3A_99 : vector<10240x128xf32>
    %get3A_101 = arith.constant 0 : index
    %get3A_102 = arith.constant 0 : index
    %get3A_103 = vector.load %arg5[%get3A_101, %get3A_102] : memref<1x128xf32, #tpu.memory_space<vmem>>, vector<1x128xf32>
    %add3A_104 = vector.broadcast %get3A_103 : vector<1x128xf32> to vector<10240x128xf32>
    %add3A_105 = arith.addf %mul3A_100, %add3A_104 : vector<10240x128xf32>
    %max3A = arith.constant 0.000000e+00 : f32
    %max3A_106 = vector.broadcast %max3A : f32 to vector<10240x128xf32>
    %max3A_107 = arith.maximumf %add3A_105, %max3A_106 : vector<10240x128xf32>
    %get3A_108 = arith.constant 0 : index
    %get3A_109 = arith.constant 0 : index
    %get3A_110 = vector.load %arg6[%get3A_108, %get3A_109] : memref<128x128xf32, #tpu.memory_space<vmem>>, vector<128x128xf32>
    %dot_general3A_111 = arith.constant dense<0.000000e+00> : vector<10240x128xf32>
    %dot_general3A_112 = tpu.matmul %max3A_107, %get3A_110, %dot_general3A_111 {dimension_numbers = #tpu.dot_dimension_numbers<[1], [0], [0], [1], [0, 0, 1, 1], [], []>, transpose_lhs_hint = false} : vector<10240x128xf32>, vector<128x128xf32>, vector<10240x128xf32> -> vector<10240x128xf32>
    %get3A_113 = arith.constant 0 : index
    %get3A_114 = arith.constant 0 : index
    %get3A_115 = vector.load %arg7[%get3A_113, %get3A_114] : memref<1x128xf32, #tpu.memory_space<vmem>>, vector<1x128xf32>
    %add3A_116 = vector.broadcast %get3A_115 : vector<1x128xf32> to vector<10240x128xf32>
    %add3A_117 = arith.addf %dot_general3A_112, %add3A_116 : vector<10240x128xf32>
    %iota3A = tpu.iota {dimensions = array<i32: 0>} : vector<10240x1xi32>
    %lt3A = arith.constant 10000 : i32
    %lt3A_118 = vector.broadcast %lt3A : i32 to vector<10240x1xi32>
    %lt3A_119 = arith.cmpi slt, %iota3A, %lt3A_118 : vector<10240x1xi32>
    %jit3A = arith.constant 0.000000e+00 : f32
    %broadcast_in_dim3A_120 = vector.shape_cast %lt3A_119 : vector<10240x1xi1> to vector<10240x1xi1>
    %broadcast_in_dim3A_121 = vector.broadcast %broadcast_in_dim3A_120 : vector<10240x1xi1> to vector<10240x128xi1>
    %broadcast_in_dim3A_122 = vector.broadcast %jit3A : f32 to vector<10240x128xf32>
    %select_n3A = arith.select %broadcast_in_dim3A_121, %add3A_117, %broadcast_in_dim3A_122 : vector<10240x128xi1>, vector<10240x128xf32>
    %swap3A_123 = arith.constant 0 : index
    %swap3A_124 = arith.constant 0 : index
    %swap3A_125 = vector.load %arg8[%swap3A_123, %swap3A_124] : memref<10240x128xf32, #tpu.memory_space<vmem>>, vector<10240x128xf32>
    tpu.vector_store %arg8[%swap3A_123, %swap3A_124], %select_n3A {strides = array<i32>} : memref<10240x128xf32, #tpu.memory_space<vmem>>, vector<10240x128xf32>,
    return
  }
}

module attributes {stable_mosaic.version = 14 : i64} {
  func.func @body(%arg0: memref<10240x128xf32, #tpu.memory_space<vmem>>, %arg1: memref<10240x128xf32, #tpu.memory_space<vmem>>, %arg2: memref<128x128xf32, #tpu.memory_space<vmem>>, %arg3: memref<1x128xf32, #tpu.memory_space<vmem>>, %arg4: memref<1x128xf32, #tpu.memory_space<vmem>>, %arg5: memref<1x128xf32, #tpu.memory_space<vmem>>, %arg6: memref<128x128xf32, #tpu.memory_space<vmem>>, %arg7: memref<1x128xf32, #tpu.memory_space<vmem>>, %arg8: memref<10240x128xf32, #tpu.memory_space<vmem>>, %arg9: memref<10240x128xf32, #tpu.memory_space<vmem>>) attributes {dimension_semantics = [], scalar_prefetch = 0 : i64, scratch_operands = 1 : i64, tpu.core_type = #tpu.core_type<tc>} {
    %get3A = arith.constant 0 : index
    %get3A_0 = arith.constant 0 : index
    %get3A_1 = vector.load %arg0[%get3A, %get3A_0] : memref<10240x128xf32, #tpu.memory_space<vmem>>, vector<10240x128xf32>
    %get3A_2 = arith.constant 0 : index
    %get3A_3 = arith.constant 0 : index
    %get3A_4 = vector.load %arg1[%get3A_2, %get3A_3] : memref<10240x128xf32, #tpu.memory_space<vmem>>, vector<10240x128xf32>
    %add3A = arith.addf %get3A_1, %get3A_4 : vector<10240x128xf32>
    %get3A_5 = arith.constant 0 : index
    %get3A_6 = arith.constant 0 : index
    %get3A_7 = vector.load %arg2[%get3A_5, %get3A_6] : memref<128x128xf32, #tpu.memory_space<vmem>>, vector<128x128xf32>
    %dot_general3A = arith.constant dense<0.000000e+00> : vector<10240x128xf32>
    %dot_general3A_8 = tpu.matmul %add3A, %get3A_7, %dot_general3A {dimension_numbers = #tpu.dot_dimension_numbers<[1], [0], [0], [1], [0, 0, 1, 1], [], []>, transpose_lhs_hint = false} : vector<10240x128xf32>, vector<128x128xf32>, vector<10240x128xf32> -> vector<10240x128xf32>
    %get3A_9 = arith.constant 0 : index
    %get3A_10 = arith.constant 0 : index
    %get3A_11 = vector.load %arg3[%get3A_9, %get3A_10] : memref<1x128xf32, #tpu.memory_space<vmem>>, vector<1x128xf32>
    %add3A_12 = vector.broadcast %get3A_11 : vector<1x128xf32> to vector<10240x128xf32>
    %add3A_13 = arith.addf %dot_general3A_8, %add3A_12 : vector<10240x128xf32>
    %swap3A = arith.constant 0 : index
    %swap3A_14 = arith.constant 0 : index
    %swap3A_15 = vector.load %arg9[%swap3A, %swap3A_14] : memref<10240x128xf32, #tpu.memory_space<vmem>>, vector<10240x128xf32>
    tpu.vector_store %arg9[%swap3A, %swap3A_14], %add3A_13 {strides = array<i32>} : memref<10240x128xf32, #tpu.memory_space<vmem>>, vector<10240x128xf32>,
    %broadcast_in_dim3A = arith.constant 0.000000e+00 : f32
    %broadcast_in_dim3A_16 = vector.broadcast %broadcast_in_dim3A : f32 to vector<8x128xf32>
    %scan3A = arith.constant 0 : i32
    %scan3A_17 = arith.constant 625 : i32
    %scan3A_18 = arith.addi %scan3A, %scan3A_17 : i32
    %scan3A_19 = arith.constant 1 : i32
    %scan3A_20 = scf.for %scan3A_126 = %scan3A to %scan3A_18 step %scan3A_19 iter_args(%scan3A_127 = %broadcast_in_dim3A_16) -> (vector<8x128xf32>)  : i32 {
      %mul3A_128 = arith.constant 8 : i32
      %mul3A_129 = arith.muli %scan3A_126, %mul3A_128 : i32
      %add3A_130 = arith.constant 0 : i32
      %add3A_131 = arith.addi %add3A_130, %mul3A_129 : i32
      %get3A_132 = arith.index_cast %add3A_131 : i32 to index
      %get3A_133 = arith.constant 0 : index
      %get3A_134 = vector.load %arg9[%get3A_132, %get3A_133] : memref<10240x128xf32, #tpu.memory_space<vmem>>, vector<8x128xf32>
      %add3A_135 = arith.addf %scan3A_127, %get3A_134 : vector<8x128xf32>
      scf.yield %add3A_135 : vector<8x128xf32>
    }
    %scan3A_21 = arith.constant 625 : i32
    %slice3A = vector.extract_strided_slice %scan3A_20 {offsets = [0, 0], sizes = [4, 128], strides = [1, 1]} : vector<8x128xf32> to vector<4x128xf32>
    %slice3A_22 = vector.extract_strided_slice %scan3A_20 {offsets = [4, 0], sizes = [4, 128], strides = [1, 1]} : vector<8x128xf32> to vector<4x128xf32>
    %add3A_23 = arith.addf %slice3A, %slice3A_22 : vector<4x128xf32>
    %slice3A_24 = vector.extract_strided_slice %add3A_23 {offsets = [0, 0], sizes = [2, 128], strides = [1, 1]} : vector<4x128xf32> to vector<2x128xf32>
    %slice3A_25 = vector.extract_strided_slice %add3A_23 {offsets = [2, 0], sizes = [2, 128], strides = [1, 1]} : vector<4x128xf32> to vector<2x128xf32>
    %add3A_26 = arith.addf %slice3A_24, %slice3A_25 : vector<2x128xf32>
    %slice3A_27 = vector.extract_strided_slice %add3A_26 {offsets = [0, 0], sizes = [1, 128], strides = [1, 1]} : vector<2x128xf32> to vector<1x128xf32>
    %slice3A_28 = vector.extract_strided_slice %add3A_26 {offsets = [1, 0], sizes = [1, 128], strides = [1, 1]} : vector<2x128xf32> to vector<1x128xf32>
    %add3A_29 = arith.addf %slice3A_27, %slice3A_28 : vector<1x128xf32>
    %broadcast_in_dim3A_30 = arith.constant 0.000000e+00 : f32
    %broadcast_in_dim3A_31 = vector.broadcast %broadcast_in_dim3A_30 : f32 to vector<8x128xf32>
    %scan3A_32 = arith.constant 0 : i32
    %scan3A_33 = arith.constant 625 : i32
    %scan3A_34 = arith.addi %scan3A_32, %scan3A_33 : i32
    %scan3A_35 = arith.constant 1 : i32
    %scan3A_36 = scf.for %scan3A_126 = %scan3A_32 to %scan3A_34 step %scan3A_35 iter_args(%scan3A_127 = %broadcast_in_dim3A_31) -> (vector<8x128xf32>)  : i32 {
      %mul3A_128 = arith.constant 8 : i32
      %mul3A_129 = arith.muli %scan3A_126, %mul3A_128 : i32
      %add3A_130 = arith.constant 5000 : i32
      %add3A_131 = arith.addi %add3A_130, %mul3A_129 : i32
      %get3A_132 = arith.index_cast %add3A_131 : i32 to index
      %get3A_133 = arith.constant 0 : index
      %get3A_134 = vector.load %arg9[%get3A_132, %get3A_133] : memref<10240x128xf32, #tpu.memory_space<vmem>>, vector<8x128xf32>
      %add3A_135 = arith.addf %scan3A_127, %get3A_134 : vector<8x128xf32>
      scf.yield %add3A_135 : vector<8x128xf32>
    }
    %scan3A_37 = arith.constant 625 : i32
    %slice3A_38 = vector.extract_strided_slice %scan3A_36 {offsets = [0, 0], sizes = [4, 128], strides = [1, 1]} : vector<8x128xf32> to vector<4x128xf32>
    %slice3A_39 = vector.extract_strided_slice %scan3A_36 {offsets = [4, 0], sizes = [4, 128], strides = [1, 1]} : vector<8x128xf32> to vector<4x128xf32>
    %add3A_40 = arith.addf %slice3A_38, %slice3A_39 : vector<4x128xf32>
    %slice3A_41 = vector.extract_strided_slice %add3A_40 {offsets = [0, 0], sizes = [2, 128], strides = [1, 1]} : vector<4x128xf32> to vector<2x128xf32>
    %slice3A_42 = vector.extract_strided_slice %add3A_40 {offsets = [2, 0], sizes = [2, 128], strides = [1, 1]} : vector<4x128xf32> to vector<2x128xf32>
    %add3A_43 = arith.addf %slice3A_41, %slice3A_42 : vector<2x128xf32>
    %slice3A_44 = vector.extract_strided_slice %add3A_43 {offsets = [0, 0], sizes = [1, 128], strides = [1, 1]} : vector<2x128xf32> to vector<1x128xf32>
    %slice3A_45 = vector.extract_strided_slice %add3A_43 {offsets = [1, 0], sizes = [1, 128], strides = [1, 1]} : vector<2x128xf32> to vector<1x128xf32>
    %add3A_46 = arith.addf %slice3A_44, %slice3A_45 : vector<1x128xf32>
    %add3A_47 = arith.addf %add3A_29, %add3A_46 : vector<1x128xf32>
    %mul3A = arith.constant 9.99999974E-5 : f32
    %mul3A_48 = vector.broadcast %mul3A : f32 to vector<1x128xf32>
    %mul3A_49 = arith.mulf %add3A_47, %mul3A_48 : vector<1x128xf32>
    %broadcast_in_dim3A_50 = arith.constant 0.000000e+00 : f32
    %broadcast_in_dim3A_51 = vector.broadcast %broadcast_in_dim3A_50 : f32 to vector<8x128xf32>
    %scan3A_52 = arith.constant 0 : i32
    %scan3A_53 = arith.constant 625 : i32
    %scan3A_54 = arith.addi %scan3A_52, %scan3A_53 : i32
    %scan3A_55 = arith.constant 1 : i32
    %scan3A_56 = scf.for %scan3A_126 = %scan3A_52 to %scan3A_54 step %scan3A_55 iter_args(%scan3A_127 = %broadcast_in_dim3A_51) -> (vector<8x128xf32>)  : i32 {
      %mul3A_128 = arith.constant 8 : i32
      %mul3A_129 = arith.muli %scan3A_126, %mul3A_128 : i32
      %add3A_130 = arith.constant 0 : i32
      %add3A_131 = arith.addi %add3A_130, %mul3A_129 : i32
      %get3A_132 = arith.index_cast %add3A_131 : i32 to index
      %get3A_133 = arith.constant 0 : index
      %get3A_134 = vector.load %arg9[%get3A_132, %get3A_133] : memref<10240x128xf32, #tpu.memory_space<vmem>>, vector<8x128xf32>
      %sub3A_135 = vector.broadcast %mul3A_49 : vector<1x128xf32> to vector<8x128xf32>
      %sub3A_136 = arith.subf %get3A_134, %sub3A_135 : vector<8x128xf32>
      %mul3A_137 = arith.mulf %sub3A_136, %sub3A_136 : vector<8x128xf32>
      %add3A_138 = arith.addf %scan3A_127, %mul3A_137 : vector<8x128xf32>
      scf.yield %add3A_138 : vector<8x128xf32>
    }
    %scan3A_57 = arith.constant 625 : i32
    %slice3A_58 = vector.extract_strided_slice %scan3A_56 {offsets = [0, 0], sizes = [4, 128], strides = [1, 1]} : vector<8x128xf32> to vector<4x128xf32>
    %slice3A_59 = vector.extract_strided_slice %scan3A_56 {offsets = [4, 0], sizes = [4, 128], strides = [1, 1]} : vector<8x128xf32> to vector<4x128xf32>
    %add3A_60 = arith.addf %slice3A_58, %slice3A_59 : vector<4x128xf32>
    %slice3A_61 = vector.extract_strided_slice %add3A_60 {offsets = [0, 0], sizes = [2, 128], strides = [1, 1]} : vector<4x128xf32> to vector<2x128xf32>
    %slice3A_62 = vector.extract_strided_slice %add3A_60 {offsets = [2, 0], sizes = [2, 128], strides = [1, 1]} : vector<4x128xf32> to vector<2x128xf32>
    %add3A_63 = arith.addf %slice3A_61, %slice3A_62 : vector<2x128xf32>
    %slice3A_64 = vector.extract_strided_slice %add3A_63 {offsets = [0, 0], sizes = [1, 128], strides = [1, 1]} : vector<2x128xf32> to vector<1x128xf32>
    %slice3A_65 = vector.extract_strided_slice %add3A_63 {offsets = [1, 0], sizes = [1, 128], strides = [1, 1]} : vector<2x128xf32> to vector<1x128xf32>
    %add3A_66 = arith.addf %slice3A_64, %slice3A_65 : vector<1x128xf32>
    %broadcast_in_dim3A_67 = arith.constant 0.000000e+00 : f32
    %broadcast_in_dim3A_68 = vector.broadcast %broadcast_in_dim3A_67 : f32 to vector<8x128xf32>
    %scan3A_69 = arith.constant 0 : i32
    %scan3A_70 = arith.constant 625 : i32
    %scan3A_71 = arith.addi %scan3A_69, %scan3A_70 : i32
    %scan3A_72 = arith.constant 1 : i32
    %scan3A_73 = scf.for %scan3A_126 = %scan3A_69 to %scan3A_71 step %scan3A_72 iter_args(%scan3A_127 = %broadcast_in_dim3A_68) -> (vector<8x128xf32>)  : i32 {
      %mul3A_128 = arith.constant 8 : i32
      %mul3A_129 = arith.muli %scan3A_126, %mul3A_128 : i32
      %add3A_130 = arith.constant 5000 : i32
      %add3A_131 = arith.addi %add3A_130, %mul3A_129 : i32
      %get3A_132 = arith.index_cast %add3A_131 : i32 to index
      %get3A_133 = arith.constant 0 : index
      %get3A_134 = vector.load %arg9[%get3A_132, %get3A_133] : memref<10240x128xf32, #tpu.memory_space<vmem>>, vector<8x128xf32>
      %sub3A_135 = vector.broadcast %mul3A_49 : vector<1x128xf32> to vector<8x128xf32>
      %sub3A_136 = arith.subf %get3A_134, %sub3A_135 : vector<8x128xf32>
      %mul3A_137 = arith.mulf %sub3A_136, %sub3A_136 : vector<8x128xf32>
      %add3A_138 = arith.addf %scan3A_127, %mul3A_137 : vector<8x128xf32>
      scf.yield %add3A_138 : vector<8x128xf32>
    }
    %scan3A_74 = arith.constant 625 : i32
    %slice3A_75 = vector.extract_strided_slice %scan3A_73 {offsets = [0, 0], sizes = [4, 128], strides = [1, 1]} : vector<8x128xf32> to vector<4x128xf32>
    %slice3A_76 = vector.extract_strided_slice %scan3A_73 {offsets = [4, 0], sizes = [4, 128], strides = [1, 1]} : vector<8x128xf32> to vector<4x128xf32>
    %add3A_77 = arith.addf %slice3A_75, %slice3A_76 : vector<4x128xf32>
    %slice3A_78 = vector.extract_strided_slice %add3A_77 {offsets = [0, 0], sizes = [2, 128], strides = [1, 1]} : vector<4x128xf32> to vector<2x128xf32>
    %slice3A_79 = vector.extract_strided_slice %add3A_77 {offsets = [2, 0], sizes = [2, 128], strides = [1, 1]} : vector<4x128xf32> to vector<2x128xf32>
    %add3A_80 = arith.addf %slice3A_78, %slice3A_79 : vector<2x128xf32>
    %slice3A_81 = vector.extract_strided_slice %add3A_80 {offsets = [0, 0], sizes = [1, 128], strides = [1, 1]} : vector<2x128xf32> to vector<1x128xf32>
    %slice3A_82 = vector.extract_strided_slice %add3A_80 {offsets = [1, 0], sizes = [1, 128], strides = [1, 1]} : vector<2x128xf32> to vector<1x128xf32>
    %add3A_83 = arith.addf %slice3A_81, %slice3A_82 : vector<1x128xf32>
    %add3A_84 = arith.addf %add3A_66, %add3A_83 : vector<1x128xf32>
    %mul3A_85 = arith.constant 9.99999974E-5 : f32
    %mul3A_86 = vector.broadcast %mul3A_85 : f32 to vector<1x128xf32>
    %mul3A_87 = arith.mulf %add3A_84, %mul3A_86 : vector<1x128xf32>
    %get3A_88 = arith.constant 0 : index
    %get3A_89 = arith.constant 0 : index
    %get3A_90 = vector.load %arg9[%get3A_88, %get3A_89] : memref<10240x128xf32, #tpu.memory_space<vmem>>, vector<10240x128xf32>
    %sub3A = vector.broadcast %mul3A_49 : vector<1x128xf32> to vector<10240x128xf32>
    %sub3A_91 = arith.subf %get3A_90, %sub3A : vector<10240x128xf32>
    %add3A_92 = arith.constant 9.99999974E-6 : f32
    %add3A_93 = vector.broadcast %add3A_92 : f32 to vector<1x128xf32>
    %add3A_94 = arith.addf %mul3A_87, %add3A_93 : vector<1x128xf32>
    %sqrt3A = math.sqrt %add3A_94 : vector<1x128xf32>
    %div3A = vector.broadcast %sqrt3A : vector<1x128xf32> to vector<10240x128xf32>
    %div3A_95 = arith.divf %sub3A_91, %div3A : vector<10240x128xf32>
    %get3A_96 = arith.constant 0 : index
    %get3A_97 = arith.constant 0 : index
    %get3A_98 = vector.load %arg4[%get3A_96, %get3A_97] : memref<1x128xf32, #tpu.memory_space<vmem>>, vector<1x128xf32>
    %mul3A_99 = vector.broadcast %get3A_98 : vector<1x128xf32> to vector<10240x128xf32>
    %mul3A_100 = arith.mulf %div3A_95, %mul3A_99 : vector<10240x128xf32>
    %get3A_101 = arith.constant 0 : index
    %get3A_102 = arith.constant 0 : index
    %get3A_103 = vector.load %arg5[%get3A_101, %get3A_102] : memref<1x128xf32, #tpu.memory_space<vmem>>, vector<1x128xf32>
    %add3A_104 = vector.broadcast %get3A_103 : vector<1x128xf32> to vector<10240x128xf32>
    %add3A_105 = arith.addf %mul3A_100, %add3A_104 : vector<10240x128xf32>
    %max3A = arith.constant 0.000000e+00 : f32
    %max3A_106 = vector.broadcast %max3A : f32 to vector<10240x128xf32>
    %max3A_107 = arith.maximumf %add3A_105, %max3A_106 : vector<10240x128xf32>
    %get3A_108 = arith.constant 0 : index
    %get3A_109 = arith.constant 0 : index
    %get3A_110 = vector.load %arg6[%get3A_108, %get3A_109] : memref<128x128xf32, #tpu.memory_space<vmem>>, vector<128x128xf32>
    %dot_general3A_111 = arith.constant dense<0.000000e+00> : vector<10240x128xf32>
    %dot_general3A_112 = tpu.matmul %max3A_107, %get3A_110, %dot_general3A_111 {dimension_numbers = #tpu.dot_dimension_numbers<[1], [0], [0], [1], [0, 0, 1, 1], [], []>, transpose_lhs_hint = false} : vector<10240x128xf32>, vector<128x128xf32>, vector<10240x128xf32> -> vector<10240x128xf32>
    %get3A_113 = arith.constant 0 : index
    %get3A_114 = arith.constant 0 : index
    %get3A_115 = vector.load %arg7[%get3A_113, %get3A_114] : memref<1x128xf32, #tpu.memory_space<vmem>>, vector<1x128xf32>
    %add3A_116 = vector.broadcast %get3A_115 : vector<1x128xf32> to vector<10240x128xf32>
    %add3A_117 = arith.addf %dot_general3A_112, %add3A_116 : vector<10240x128xf32>
    %iota3A = tpu.iota {dimensions = array<i32: 0>} : vector<10240x1xi32>
    %lt3A = arith.constant 10000 : i32
    %lt3A_118 = vector.broadcast %lt3A : i32 to vector<10240x1xi32>
    %lt3A_119 = arith.cmpi slt, %iota3A, %lt3A_118 : vector<10240x1xi32>
    %jit3A = arith.constant 0.000000e+00 : f32
    %broadcast_in_dim3A_120 = vector.shape_cast %lt3A_119 : vector<10240x1xi1> to vector<10240x1xi1>
    %broadcast_in_dim3A_121 = vector.broadcast %broadcast_in_dim3A_120 : vector<10240x1xi1> to vector<10240x128xi1>
    %broadcast_in_dim3A_122 = vector.broadcast %jit3A : f32 to vector<10240x128xf32>
    %select_n3A = arith.select %broadcast_in_dim3A_121, %add3A_117, %broadcast_in_dim3A_122 : vector<10240x128xi1>, vector<10240x128xf32>
    %swap3A_123 = arith.constant 0 : index
    %swap3A_124 = arith.constant 0 : index
    %swap3A_125 = vector.load %arg8[%swap3A_123, %swap3A_124] : memref<10240x128xf32, #tpu.memory_space<vmem>>, vector<10240x128xf32>
    tpu.vector_store %arg8[%swap3A_123, %swap3A_124], %select_n3A {strides = array<i32>} : memref<10240x128xf32, #tpu.memory_space<vmem>>, vector<10240x128xf32>,
    return
  }
}

module attributes {stable_mosaic.version = 14 : i64} {
  func.func @body(%arg0: memref<10240x128xf32, #tpu.memory_space<vmem>>, %arg1: memref<10240x1xi32, #tpu.memory_space<vmem>>, %arg2: memref<16x16xf32, #tpu.memory_space<vmem>>, %arg3: memref<128x128xf32, #tpu.memory_space<vmem>>, %arg4: memref<128x128xf32, #tpu.memory_space<vmem>>, %arg5: memref<16x128xf32, #tpu.memory_space<vmem>>, %arg6: memref<1x128xf32, #tpu.memory_space<vmem>>, %arg7: memref<1x128xf32, #tpu.memory_space<vmem>>, %arg8: memref<1x128xf32, #tpu.memory_space<vmem>>, %arg9: memref<128x8xf32, #tpu.memory_space<vmem>>, %arg10: memref<1x8xf32, #tpu.memory_space<vmem>>, %arg11: memref<16x8xf32, #tpu.memory_space<vmem>>) attributes {dimension_semantics = [], scalar_prefetch = 0 : i64, scratch_operands = 0 : i64, tpu.core_type = #tpu.core_type<tc>} {
    %get3A = arith.constant 0 : index
    %get3A_0 = arith.constant 0 : index
    %get3A_1 = vector.load %arg0[%get3A, %get3A_0] : memref<10240x128xf32, #tpu.memory_space<vmem>>, vector<10240x128xf32>
    %get3A_2 = arith.constant 0 : index
    %get3A_3 = arith.constant 0 : index
    %get3A_4 = vector.load %arg1[%get3A_2, %get3A_3] : memref<10240x1xi32, #tpu.memory_space<vmem>>, vector<10240x1xi32>
    %iota3A = tpu.iota {dimensions = array<i32: 1>} : vector<10240x16xi32>
    %eq3A = vector.broadcast %get3A_4 : vector<10240x1xi32> to vector<10240x16xi32>
    %eq3A_5 = arith.cmpi eq, %eq3A, %iota3A : vector<10240x16xi32>
    %convert_element_type3A = arith.extui %eq3A_5 : vector<10240x16xi1> to vector<10240x16xi32>
    %convert_element_type3A_6 = arith.sitofp %convert_element_type3A : vector<10240x16xi32> to vector<10240x16xf32>
    %reduce_sum3A = arith.constant dense<0.000000e+00> : vector<16xf32>
    %reduce_sum3A_7 = vector.multi_reduction <add>, %convert_element_type3A_6, %reduce_sum3A [0] : vector<10240x16xf32> to vector<16xf32>
    %broadcast_in_dim3A = vector.shape_cast %reduce_sum3A_7 : vector<16xf32> to vector<1x16xf32>
    %dot_general3A = arith.constant dense<0.000000e+00> : vector<16x128xf32>
    %dot_general3A_8 = tpu.matmul %convert_element_type3A_6, %get3A_1, %dot_general3A {dimension_numbers = #tpu.dot_dimension_numbers<[0], [0], [1], [1], [0, 1, 1, 1], [], []>, precision = #tpu.contract_precision<fp32>, transpose_lhs_hint = false} : vector<10240x16xf32>, vector<10240x128xf32>, vector<16x128xf32> -> vector<16x128xf32>
    %max3A = arith.constant 1.000000e+00 : f32
    %max3A_9 = vector.broadcast %max3A : f32 to vector<1x16xf32>
    %max3A_10 = arith.maximumf %broadcast_in_dim3A, %max3A_9 : vector<1x16xf32>
    %reshape3A = vector.shape_cast %max3A_10 : vector<1x16xf32> to vector<16x1xf32>
    %div3A = vector.broadcast %reshape3A : vector<16x1xf32> to vector<16x128xf32>
    %div3A_11 = arith.divf %dot_general3A_8, %div3A : vector<16x128xf32>
    %eq3A_12 = arith.constant 0 : i32
    %eq3A_13 = vector.broadcast %eq3A_12 : i32 to vector<10240x1xi32>
    %eq3A_14 = arith.cmpi eq, %get3A_4, %eq3A_13 : vector<10240x1xi32>
    %jit3A = arith.constant 0xFF800000 : f32
    %broadcast_in_dim3A_15 = vector.shape_cast %eq3A_14 : vector<10240x1xi1> to vector<10240x1xi1>
    %broadcast_in_dim3A_16 = vector.broadcast %broadcast_in_dim3A_15 : vector<10240x1xi1> to vector<10240x128xi1>
    %broadcast_in_dim3A_17 = vector.broadcast %jit3A : f32 to vector<10240x128xf32>
    %select_n3A = arith.select %broadcast_in_dim3A_16, %get3A_1, %broadcast_in_dim3A_17 : vector<10240x128xi1>, vector<10240x128xf32>
    %reduce_max3A = arith.constant dense<0xFF800000> : vector<128xf32>
    %reduce_max3A_18 = vector.multi_reduction <maximumf>, %select_n3A, %reduce_max3A [0] : vector<10240x128xf32> to vector<128xf32>
    %broadcast_in_dim3A_19 = vector.shape_cast %reduce_max3A_18 : vector<128xf32> to vector<1x128xf32>
    %eq3A_20 = arith.constant 1 : i32
    %eq3A_21 = vector.broadcast %eq3A_20 : i32 to vector<10240x1xi32>
    %eq3A_22 = arith.cmpi eq, %get3A_4, %eq3A_21 : vector<10240x1xi32>
    %jit3A_23 = arith.constant 0xFF800000 : f32
    %broadcast_in_dim3A_24 = vector.shape_cast %eq3A_22 : vector<10240x1xi1> to vector<10240x1xi1>
    %broadcast_in_dim3A_25 = vector.broadcast %broadcast_in_dim3A_24 : vector<10240x1xi1> to vector<10240x128xi1>
    %broadcast_in_dim3A_26 = vector.broadcast %jit3A_23 : f32 to vector<10240x128xf32>
    %select_n3A_27 = arith.select %broadcast_in_dim3A_25, %get3A_1, %broadcast_in_dim3A_26 : vector<10240x128xi1>, vector<10240x128xf32>
    %reduce_max3A_28 = arith.constant dense<0xFF800000> : vector<128xf32>
    %reduce_max3A_29 = vector.multi_reduction <maximumf>, %select_n3A_27, %reduce_max3A_28 [0] : vector<10240x128xf32> to vector<128xf32>
    %broadcast_in_dim3A_30 = vector.shape_cast %reduce_max3A_29 : vector<128xf32> to vector<1x128xf32>
    %eq3A_31 = arith.constant 2 : i32
    %eq3A_32 = vector.broadcast %eq3A_31 : i32 to vector<10240x1xi32>
    %eq3A_33 = arith.cmpi eq, %get3A_4, %eq3A_32 : vector<10240x1xi32>
    %jit3A_34 = arith.constant 0xFF800000 : f32
    %broadcast_in_dim3A_35 = vector.shape_cast %eq3A_33 : vector<10240x1xi1> to vector<10240x1xi1>
    %broadcast_in_dim3A_36 = vector.broadcast %broadcast_in_dim3A_35 : vector<10240x1xi1> to vector<10240x128xi1>
    %broadcast_in_dim3A_37 = vector.broadcast %jit3A_34 : f32 to vector<10240x128xf32>
    %select_n3A_38 = arith.select %broadcast_in_dim3A_36, %get3A_1, %broadcast_in_dim3A_37 : vector<10240x128xi1>, vector<10240x128xf32>
    %reduce_max3A_39 = arith.constant dense<0xFF800000> : vector<128xf32>
    %reduce_max3A_40 = vector.multi_reduction <maximumf>, %select_n3A_38, %reduce_max3A_39 [0] : vector<10240x128xf32> to vector<128xf32>
    %broadcast_in_dim3A_41 = vector.shape_cast %reduce_max3A_40 : vector<128xf32> to vector<1x128xf32>
    %eq3A_42 = arith.constant 3 : i32
    %eq3A_43 = vector.broadcast %eq3A_42 : i32 to vector<10240x1xi32>
    %eq3A_44 = arith.cmpi eq, %get3A_4, %eq3A_43 : vector<10240x1xi32>
    %jit3A_45 = arith.constant 0xFF800000 : f32
    %broadcast_in_dim3A_46 = vector.shape_cast %eq3A_44 : vector<10240x1xi1> to vector<10240x1xi1>
    %broadcast_in_dim3A_47 = vector.broadcast %broadcast_in_dim3A_46 : vector<10240x1xi1> to vector<10240x128xi1>
    %broadcast_in_dim3A_48 = vector.broadcast %jit3A_45 : f32 to vector<10240x128xf32>
    %select_n3A_49 = arith.select %broadcast_in_dim3A_47, %get3A_1, %broadcast_in_dim3A_48 : vector<10240x128xi1>, vector<10240x128xf32>
    %reduce_max3A_50 = arith.constant dense<0xFF800000> : vector<128xf32>
    %reduce_max3A_51 = vector.multi_reduction <maximumf>, %select_n3A_49, %reduce_max3A_50 [0] : vector<10240x128xf32> to vector<128xf32>
    %broadcast_in_dim3A_52 = vector.shape_cast %reduce_max3A_51 : vector<128xf32> to vector<1x128xf32>
    %eq3A_53 = arith.constant 4 : i32
    %eq3A_54 = vector.broadcast %eq3A_53 : i32 to vector<10240x1xi32>
    %eq3A_55 = arith.cmpi eq, %get3A_4, %eq3A_54 : vector<10240x1xi32>
    %jit3A_56 = arith.constant 0xFF800000 : f32
    %broadcast_in_dim3A_57 = vector.shape_cast %eq3A_55 : vector<10240x1xi1> to vector<10240x1xi1>
    %broadcast_in_dim3A_58 = vector.broadcast %broadcast_in_dim3A_57 : vector<10240x1xi1> to vector<10240x128xi1>
    %broadcast_in_dim3A_59 = vector.broadcast %jit3A_56 : f32 to vector<10240x128xf32>
    %select_n3A_60 = arith.select %broadcast_in_dim3A_58, %get3A_1, %broadcast_in_dim3A_59 : vector<10240x128xi1>, vector<10240x128xf32>
    %reduce_max3A_61 = arith.constant dense<0xFF800000> : vector<128xf32>
    %reduce_max3A_62 = vector.multi_reduction <maximumf>, %select_n3A_60, %reduce_max3A_61 [0] : vector<10240x128xf32> to vector<128xf32>
    %broadcast_in_dim3A_63 = vector.shape_cast %reduce_max3A_62 : vector<128xf32> to vector<1x128xf32>
    %eq3A_64 = arith.constant 5 : i32
    %eq3A_65 = vector.broadcast %eq3A_64 : i32 to vector<10240x1xi32>
    %eq3A_66 = arith.cmpi eq, %get3A_4, %eq3A_65 : vector<10240x1xi32>
    %jit3A_67 = arith.constant 0xFF800000 : f32
    %broadcast_in_dim3A_68 = vector.shape_cast %eq3A_66 : vector<10240x1xi1> to vector<10240x1xi1>
    %broadcast_in_dim3A_69 = vector.broadcast %broadcast_in_dim3A_68 : vector<10240x1xi1> to vector<10240x128xi1>
    %broadcast_in_dim3A_70 = vector.broadcast %jit3A_67 : f32 to vector<10240x128xf32>
    %select_n3A_71 = arith.select %broadcast_in_dim3A_69, %get3A_1, %broadcast_in_dim3A_70 : vector<10240x128xi1>, vector<10240x128xf32>
    %reduce_max3A_72 = arith.constant dense<0xFF800000> : vector<128xf32>
    %reduce_max3A_73 = vector.multi_reduction <maximumf>, %select_n3A_71, %reduce_max3A_72 [0] : vector<10240x128xf32> to vector<128xf32>
    %broadcast_in_dim3A_74 = vector.shape_cast %reduce_max3A_73 : vector<128xf32> to vector<1x128xf32>
    %eq3A_75 = arith.constant 6 : i32
    %eq3A_76 = vector.broadcast %eq3A_75 : i32 to vector<10240x1xi32>
    %eq3A_77 = arith.cmpi eq, %get3A_4, %eq3A_76 : vector<10240x1xi32>
    %jit3A_78 = arith.constant 0xFF800000 : f32
    %broadcast_in_dim3A_79 = vector.shape_cast %eq3A_77 : vector<10240x1xi1> to vector<10240x1xi1>
    %broadcast_in_dim3A_80 = vector.broadcast %broadcast_in_dim3A_79 : vector<10240x1xi1> to vector<10240x128xi1>
    %broadcast_in_dim3A_81 = vector.broadcast %jit3A_78 : f32 to vector<10240x128xf32>
    %select_n3A_82 = arith.select %broadcast_in_dim3A_80, %get3A_1, %broadcast_in_dim3A_81 : vector<10240x128xi1>, vector<10240x128xf32>
    %reduce_max3A_83 = arith.constant dense<0xFF800000> : vector<128xf32>
    %reduce_max3A_84 = vector.multi_reduction <maximumf>, %select_n3A_82, %reduce_max3A_83 [0] : vector<10240x128xf32> to vector<128xf32>
    %broadcast_in_dim3A_85 = vector.shape_cast %reduce_max3A_84 : vector<128xf32> to vector<1x128xf32>
    %eq3A_86 = arith.constant 7 : i32
    %eq3A_87 = vector.broadcast %eq3A_86 : i32 to vector<10240x1xi32>
    %eq3A_88 = arith.cmpi eq, %get3A_4, %eq3A_87 : vector<10240x1xi32>
    %jit3A_89 = arith.constant 0xFF800000 : f32
    %broadcast_in_dim3A_90 = vector.shape_cast %eq3A_88 : vector<10240x1xi1> to vector<10240x1xi1>
    %broadcast_in_dim3A_91 = vector.broadcast %broadcast_in_dim3A_90 : vector<10240x1xi1> to vector<10240x128xi1>
    %broadcast_in_dim3A_92 = vector.broadcast %jit3A_89 : f32 to vector<10240x128xf32>
    %select_n3A_93 = arith.select %broadcast_in_dim3A_91, %get3A_1, %broadcast_in_dim3A_92 : vector<10240x128xi1>, vector<10240x128xf32>
    %reduce_max3A_94 = arith.constant dense<0xFF800000> : vector<128xf32>
    %reduce_max3A_95 = vector.multi_reduction <maximumf>, %select_n3A_93, %reduce_max3A_94 [0] : vector<10240x128xf32> to vector<128xf32>
    %broadcast_in_dim3A_96 = vector.shape_cast %reduce_max3A_95 : vector<128xf32> to vector<1x128xf32>
    %eq3A_97 = arith.constant 8 : i32
    %eq3A_98 = vector.broadcast %eq3A_97 : i32 to vector<10240x1xi32>
    %eq3A_99 = arith.cmpi eq, %get3A_4, %eq3A_98 : vector<10240x1xi32>
    %jit3A_100 = arith.constant 0xFF800000 : f32
    %broadcast_in_dim3A_101 = vector.shape_cast %eq3A_99 : vector<10240x1xi1> to vector<10240x1xi1>
    %broadcast_in_dim3A_102 = vector.broadcast %broadcast_in_dim3A_101 : vector<10240x1xi1> to vector<10240x128xi1>
    %broadcast_in_dim3A_103 = vector.broadcast %jit3A_100 : f32 to vector<10240x128xf32>
    %select_n3A_104 = arith.select %broadcast_in_dim3A_102, %get3A_1, %broadcast_in_dim3A_103 : vector<10240x128xi1>, vector<10240x128xf32>
    %reduce_max3A_105 = arith.constant dense<0xFF800000> : vector<128xf32>
    %reduce_max3A_106 = vector.multi_reduction <maximumf>, %select_n3A_104, %reduce_max3A_105 [0] : vector<10240x128xf32> to vector<128xf32>
    %broadcast_in_dim3A_107 = vector.shape_cast %reduce_max3A_106 : vector<128xf32> to vector<1x128xf32>
    %eq3A_108 = arith.constant 9 : i32
    %eq3A_109 = vector.broadcast %eq3A_108 : i32 to vector<10240x1xi32>
    %eq3A_110 = arith.cmpi eq, %get3A_4, %eq3A_109 : vector<10240x1xi32>
    %jit3A_111 = arith.constant 0xFF800000 : f32
    %broadcast_in_dim3A_112 = vector.shape_cast %eq3A_110 : vector<10240x1xi1> to vector<10240x1xi1>
    %broadcast_in_dim3A_113 = vector.broadcast %broadcast_in_dim3A_112 : vector<10240x1xi1> to vector<10240x128xi1>
    %broadcast_in_dim3A_114 = vector.broadcast %jit3A_111 : f32 to vector<10240x128xf32>
    %select_n3A_115 = arith.select %broadcast_in_dim3A_113, %get3A_1, %broadcast_in_dim3A_114 : vector<10240x128xi1>, vector<10240x128xf32>
    %reduce_max3A_116 = arith.constant dense<0xFF800000> : vector<128xf32>
    %reduce_max3A_117 = vector.multi_reduction <maximumf>, %select_n3A_115, %reduce_max3A_116 [0] : vector<10240x128xf32> to vector<128xf32>
    %broadcast_in_dim3A_118 = vector.shape_cast %reduce_max3A_117 : vector<128xf32> to vector<1x128xf32>
    %eq3A_119 = arith.constant 10 : i32
    %eq3A_120 = vector.broadcast %eq3A_119 : i32 to vector<10240x1xi32>
    %eq3A_121 = arith.cmpi eq, %get3A_4, %eq3A_120 : vector<10240x1xi32>
    %jit3A_122 = arith.constant 0xFF800000 : f32
    %broadcast_in_dim3A_123 = vector.shape_cast %eq3A_121 : vector<10240x1xi1> to vector<10240x1xi1>
    %broadcast_in_dim3A_124 = vector.broadcast %broadcast_in_dim3A_123 : vector<10240x1xi1> to vector<10240x128xi1>
    %broadcast_in_dim3A_125 = vector.broadcast %jit3A_122 : f32 to vector<10240x128xf32>
    %select_n3A_126 = arith.select %broadcast_in_dim3A_124, %get3A_1, %broadcast_in_dim3A_125 : vector<10240x128xi1>, vector<10240x128xf32>
    %reduce_max3A_127 = arith.constant dense<0xFF800000> : vector<128xf32>
    %reduce_max3A_128 = vector.multi_reduction <maximumf>, %select_n3A_126, %reduce_max3A_127 [0] : vector<10240x128xf32> to vector<128xf32>
    %broadcast_in_dim3A_129 = vector.shape_cast %reduce_max3A_128 : vector<128xf32> to vector<1x128xf32>
    %eq3A_130 = arith.constant 11 : i32
    %eq3A_131 = vector.broadcast %eq3A_130 : i32 to vector<10240x1xi32>
    %eq3A_132 = arith.cmpi eq, %get3A_4, %eq3A_131 : vector<10240x1xi32>
    %jit3A_133 = arith.constant 0xFF800000 : f32
    %broadcast_in_dim3A_134 = vector.shape_cast %eq3A_132 : vector<10240x1xi1> to vector<10240x1xi1>
    %broadcast_in_dim3A_135 = vector.broadcast %broadcast_in_dim3A_134 : vector<10240x1xi1> to vector<10240x128xi1>
    %broadcast_in_dim3A_136 = vector.broadcast %jit3A_133 : f32 to vector<10240x128xf32>
    %select_n3A_137 = arith.select %broadcast_in_dim3A_135, %get3A_1, %broadcast_in_dim3A_136 : vector<10240x128xi1>, vector<10240x128xf32>
    %reduce_max3A_138 = arith.constant dense<0xFF800000> : vector<128xf32>
    %reduce_max3A_139 = vector.multi_reduction <maximumf>, %select_n3A_137, %reduce_max3A_138 [0] : vector<10240x128xf32> to vector<128xf32>
    %broadcast_in_dim3A_140 = vector.shape_cast %reduce_max3A_139 : vector<128xf32> to vector<1x128xf32>
    %eq3A_141 = arith.constant 12 : i32
    %eq3A_142 = vector.broadcast %eq3A_141 : i32 to vector<10240x1xi32>
    %eq3A_143 = arith.cmpi eq, %get3A_4, %eq3A_142 : vector<10240x1xi32>
    %jit3A_144 = arith.constant 0xFF800000 : f32
    %broadcast_in_dim3A_145 = vector.shape_cast %eq3A_143 : vector<10240x1xi1> to vector<10240x1xi1>
    %broadcast_in_dim3A_146 = vector.broadcast %broadcast_in_dim3A_145 : vector<10240x1xi1> to vector<10240x128xi1>
    %broadcast_in_dim3A_147 = vector.broadcast %jit3A_144 : f32 to vector<10240x128xf32>
    %select_n3A_148 = arith.select %broadcast_in_dim3A_146, %get3A_1, %broadcast_in_dim3A_147 : vector<10240x128xi1>, vector<10240x128xf32>
    %reduce_max3A_149 = arith.constant dense<0xFF800000> : vector<128xf32>
    %reduce_max3A_150 = vector.multi_reduction <maximumf>, %select_n3A_148, %reduce_max3A_149 [0] : vector<10240x128xf32> to vector<128xf32>
    %broadcast_in_dim3A_151 = vector.shape_cast %reduce_max3A_150 : vector<128xf32> to vector<1x128xf32>
    %eq3A_152 = arith.constant 13 : i32
    %eq3A_153 = vector.broadcast %eq3A_152 : i32 to vector<10240x1xi32>
    %eq3A_154 = arith.cmpi eq, %get3A_4, %eq3A_153 : vector<10240x1xi32>
    %jit3A_155 = arith.constant 0xFF800000 : f32
    %broadcast_in_dim3A_156 = vector.shape_cast %eq3A_154 : vector<10240x1xi1> to vector<10240x1xi1>
    %broadcast_in_dim3A_157 = vector.broadcast %broadcast_in_dim3A_156 : vector<10240x1xi1> to vector<10240x128xi1>
    %broadcast_in_dim3A_158 = vector.broadcast %jit3A_155 : f32 to vector<10240x128xf32>
    %select_n3A_159 = arith.select %broadcast_in_dim3A_157, %get3A_1, %broadcast_in_dim3A_158 : vector<10240x128xi1>, vector<10240x128xf32>
    %reduce_max3A_160 = arith.constant dense<0xFF800000> : vector<128xf32>
    %reduce_max3A_161 = vector.multi_reduction <maximumf>, %select_n3A_159, %reduce_max3A_160 [0] : vector<10240x128xf32> to vector<128xf32>
    %broadcast_in_dim3A_162 = vector.shape_cast %reduce_max3A_161 : vector<128xf32> to vector<1x128xf32>
    %eq3A_163 = arith.constant 14 : i32
    %eq3A_164 = vector.broadcast %eq3A_163 : i32 to vector<10240x1xi32>
    %eq3A_165 = arith.cmpi eq, %get3A_4, %eq3A_164 : vector<10240x1xi32>
    %jit3A_166 = arith.constant 0xFF800000 : f32
    %broadcast_in_dim3A_167 = vector.shape_cast %eq3A_165 : vector<10240x1xi1> to vector<10240x1xi1>
    %broadcast_in_dim3A_168 = vector.broadcast %broadcast_in_dim3A_167 : vector<10240x1xi1> to vector<10240x128xi1>
    %broadcast_in_dim3A_169 = vector.broadcast %jit3A_166 : f32 to vector<10240x128xf32>
    %select_n3A_170 = arith.select %broadcast_in_dim3A_168, %get3A_1, %broadcast_in_dim3A_169 : vector<10240x128xi1>, vector<10240x128xf32>
    %reduce_max3A_171 = arith.constant dense<0xFF800000> : vector<128xf32>
    %reduce_max3A_172 = vector.multi_reduction <maximumf>, %select_n3A_170, %reduce_max3A_171 [0] : vector<10240x128xf32> to vector<128xf32>
    %broadcast_in_dim3A_173 = vector.shape_cast %reduce_max3A_172 : vector<128xf32> to vector<1x128xf32>
    %eq3A_174 = arith.constant 15 : i32
    %eq3A_175 = vector.broadcast %eq3A_174 : i32 to vector<10240x1xi32>
    %eq3A_176 = arith.cmpi eq, %get3A_4, %eq3A_175 : vector<10240x1xi32>
    %jit3A_177 = arith.constant 0xFF800000 : f32
    %broadcast_in_dim3A_178 = vector.shape_cast %eq3A_176 : vector<10240x1xi1> to vector<10240x1xi1>
    %broadcast_in_dim3A_179 = vector.broadcast %broadcast_in_dim3A_178 : vector<10240x1xi1> to vector<10240x128xi1>
    %broadcast_in_dim3A_180 = vector.broadcast %jit3A_177 : f32 to vector<10240x128xf32>
    %select_n3A_181 = arith.select %broadcast_in_dim3A_179, %get3A_1, %broadcast_in_dim3A_180 : vector<10240x128xi1>, vector<10240x128xf32>
    %reduce_max3A_182 = arith.constant dense<0xFF800000> : vector<128xf32>
    %reduce_max3A_183 = vector.multi_reduction <maximumf>, %select_n3A_181, %reduce_max3A_182 [0] : vector<10240x128xf32> to vector<128xf32>
    %broadcast_in_dim3A_184 = vector.shape_cast %reduce_max3A_183 : vector<128xf32> to vector<1x128xf32>
    %concatenate3A = tpu.concatenate %broadcast_in_dim3A_19, %broadcast_in_dim3A_30, %broadcast_in_dim3A_41, %broadcast_in_dim3A_52, %broadcast_in_dim3A_63, %broadcast_in_dim3A_74, %broadcast_in_dim3A_85, %broadcast_in_dim3A_96, %broadcast_in_dim3A_107, %broadcast_in_dim3A_118, %broadcast_in_dim3A_129, %broadcast_in_dim3A_140, %broadcast_in_dim3A_151, %broadcast_in_dim3A_162, %broadcast_in_dim3A_173, %broadcast_in_dim3A_184 in 0 : vector<1x128xf32>, vector<1x128xf32>, vector<1x128xf32>, vector<1x128xf32>, vector<1x128xf32>, vector<1x128xf32>, vector<1x128xf32>, vector<1x128xf32>, vector<1x128xf32>, vector<1x128xf32>, vector<1x128xf32>, vector<1x128xf32>, vector<1x128xf32>, vector<1x128xf32>, vector<1x128xf32>, vector<1x128xf32> -> vector<16x128xf32>
    %get3A_185 = arith.constant 0 : index
    %get3A_186 = arith.constant 0 : index
    %get3A_187 = vector.load %arg3[%get3A_185, %get3A_186] : memref<128x128xf32, #tpu.memory_space<vmem>>, vector<128x128xf32>
    %dot_general3A_188 = arith.constant dense<0.000000e+00> : vector<16x128xf32>
    %dot_general3A_189 = tpu.matmul %div3A_11, %get3A_187, %dot_general3A_188 {dimension_numbers = #tpu.dot_dimension_numbers<[1], [0], [0], [1], [0, 0, 1, 1], [], []>, transpose_lhs_hint = false} : vector<16x128xf32>, vector<128x128xf32>, vector<16x128xf32> -> vector<16x128xf32>
    %get3A_190 = arith.constant 0 : index
    %get3A_191 = arith.constant 0 : index
    %get3A_192 = vector.load %arg4[%get3A_190, %get3A_191] : memref<128x128xf32, #tpu.memory_space<vmem>>, vector<128x128xf32>
    %dot_general3A_193 = arith.constant dense<0.000000e+00> : vector<16x128xf32>
    %dot_general3A_194 = tpu.matmul %concatenate3A, %get3A_192, %dot_general3A_193 {dimension_numbers = #tpu.dot_dimension_numbers<[1], [0], [0], [1], [0, 0, 1, 1], [], []>, transpose_lhs_hint = false} : vector<16x128xf32>, vector<128x128xf32>, vector<16x128xf32> -> vector<16x128xf32>
    %add3A = arith.addf %dot_general3A_189, %dot_general3A_194 : vector<16x128xf32>
    %get3A_195 = arith.constant 0 : index
    %get3A_196 = arith.constant 0 : index
    %get3A_197 = vector.load %arg2[%get3A_195, %get3A_196] : memref<16x16xf32, #tpu.memory_space<vmem>>, vector<16x16xf32>
    %get3A_198 = arith.constant 0 : index
    %get3A_199 = arith.constant 0 : index
    %get3A_200 = vector.load %arg5[%get3A_198, %get3A_199] : memref<16x128xf32, #tpu.memory_space<vmem>>, vector<16x128xf32>
    %dot_general3A_201 = arith.constant dense<0.000000e+00> : vector<16x128xf32>
    %dot_general3A_202 = tpu.matmul %get3A_197, %get3A_200, %dot_general3A_201 {dimension_numbers = #tpu.dot_dimension_numbers<[1], [0], [0], [1], [0, 0, 1, 1], [], []>, transpose_lhs_hint = false} : vector<16x16xf32>, vector<16x128xf32>, vector<16x128xf32> -> vector<16x128xf32>
    %add3A_203 = arith.addf %add3A, %dot_general3A_202 : vector<16x128xf32>
    %get3A_204 = arith.constant 0 : index
    %get3A_205 = arith.constant 0 : index
    %get3A_206 = vector.load %arg6[%get3A_204, %get3A_205] : memref<1x128xf32, #tpu.memory_space<vmem>>, vector<1x128xf32>
    %add3A_207 = vector.broadcast %get3A_206 : vector<1x128xf32> to vector<16x128xf32>
    %add3A_208 = arith.addf %add3A_203, %add3A_207 : vector<16x128xf32>
    %gt3A = arith.constant 0.000000e+00 : f32
    %gt3A_209 = vector.broadcast %gt3A : f32 to vector<16x128xf32>
    %gt3A_210 = arith.cmpf ogt, %add3A_208, %gt3A_209 : vector<16x128xf32>
    %min3A = arith.constant 0.000000e+00 : f32
    %min3A_211 = vector.broadcast %min3A : f32 to vector<16x128xf32>
    %min3A_212 = arith.minimumf %add3A_208, %min3A_211 : vector<16x128xf32>
    %exp3A = math.exp %min3A_212 : vector<16x128xf32>
    %sub3A = arith.constant 1.000000e+00 : f32
    %sub3A_213 = vector.broadcast %sub3A : f32 to vector<16x128xf32>
    %sub3A_214 = arith.subf %exp3A, %sub3A_213 : vector<16x128xf32>
    %mul3A = arith.constant 1.000000e-01 : f32
    %mul3A_215 = vector.broadcast %mul3A : f32 to vector<16x128xf32>
    %mul3A_216 = arith.mulf %mul3A_215, %sub3A_214 : vector<16x128xf32>
    %select_n3A_217 = arith.select %gt3A_210, %add3A_208, %mul3A_216 : vector<16x128xi1>, vector<16x128xf32>
    %slice3A = vector.extract_strided_slice %select_n3A_217 {offsets = [0, 0], sizes = [8, 128], strides = [1, 1]} : vector<16x128xf32> to vector<8x128xf32>
    %slice3A_218 = vector.extract_strided_slice %select_n3A_217 {offsets = [8, 0], sizes = [8, 128], strides = [1, 1]} : vector<16x128xf32> to vector<8x128xf32>
    %add3A_219 = arith.addf %slice3A, %slice3A_218 : vector<8x128xf32>
    %slice3A_220 = vector.extract_strided_slice %add3A_219 {offsets = [0, 0], sizes = [4, 128], strides = [1, 1]} : vector<8x128xf32> to vector<4x128xf32>
    %slice3A_221 = vector.extract_strided_slice %add3A_219 {offsets = [4, 0], sizes = [4, 128], strides = [1, 1]} : vector<8x128xf32> to vector<4x128xf32>
    %add3A_222 = arith.addf %slice3A_220, %slice3A_221 : vector<4x128xf32>
    %slice3A_223 = vector.extract_strided_slice %add3A_222 {offsets = [0, 0], sizes = [2, 128], strides = [1, 1]} : vector<4x128xf32> to vector<2x128xf32>
    %slice3A_224 = vector.extract_strided_slice %add3A_222 {offsets = [2, 0], sizes = [2, 128], strides = [1, 1]} : vector<4x128xf32> to vector<2x128xf32>
    %add3A_225 = arith.addf %slice3A_223, %slice3A_224 : vector<2x128xf32>
    %slice3A_226 = vector.extract_strided_slice %add3A_225 {offsets = [0, 0], sizes = [1, 128], strides = [1, 1]} : vector<2x128xf32> to vector<1x128xf32>
    %slice3A_227 = vector.extract_strided_slice %add3A_225 {offsets = [1, 0], sizes = [1, 128], strides = [1, 1]} : vector<2x128xf32> to vector<1x128xf32>
    %add3A_228 = arith.addf %slice3A_226, %slice3A_227 : vector<1x128xf32>
    %mul3A_229 = arith.constant 6.250000e-02 : f32
    %mul3A_230 = vector.broadcast %mul3A_229 : f32 to vector<1x128xf32>
    %mul3A_231 = arith.mulf %add3A_228, %mul3A_230 : vector<1x128xf32>
    %sub3A_232 = vector.broadcast %mul3A_231 : vector<1x128xf32> to vector<16x128xf32>
    %sub3A_233 = arith.subf %select_n3A_217, %sub3A_232 : vector<16x128xf32>
    %mul3A_234 = arith.mulf %sub3A_233, %sub3A_233 : vector<16x128xf32>
    %slice3A_235 = vector.extract_strided_slice %mul3A_234 {offsets = [0, 0], sizes = [8, 128], strides = [1, 1]} : vector<16x128xf32> to vector<8x128xf32>
    %slice3A_236 = vector.extract_strided_slice %mul3A_234 {offsets = [8, 0], sizes = [8, 128], strides = [1, 1]} : vector<16x128xf32> to vector<8x128xf32>
    %add3A_237 = arith.addf %slice3A_235, %slice3A_236 : vector<8x128xf32>
    %slice3A_238 = vector.extract_strided_slice %add3A_237 {offsets = [0, 0], sizes = [4, 128], strides = [1, 1]} : vector<8x128xf32> to vector<4x128xf32>
    %slice3A_239 = vector.extract_strided_slice %add3A_237 {offsets = [4, 0], sizes = [4, 128], strides = [1, 1]} : vector<8x128xf32> to vector<4x128xf32>
    %add3A_240 = arith.addf %slice3A_238, %slice3A_239 : vector<4x128xf32>
    %slice3A_241 = vector.extract_strided_slice %add3A_240 {offsets = [0, 0], sizes = [2, 128], strides = [1, 1]} : vector<4x128xf32> to vector<2x128xf32>
    %slice3A_242 = vector.extract_strided_slice %add3A_240 {offsets = [2, 0], sizes = [2, 128], strides = [1, 1]} : vector<4x128xf32> to vector<2x128xf32>
    %add3A_243 = arith.addf %slice3A_241, %slice3A_242 : vector<2x128xf32>
    %slice3A_244 = vector.extract_strided_slice %add3A_243 {offsets = [0, 0], sizes = [1, 128], strides = [1, 1]} : vector<2x128xf32> to vector<1x128xf32>
    %slice3A_245 = vector.extract_strided_slice %add3A_243 {offsets = [1, 0], sizes = [1, 128], strides = [1, 1]} : vector<2x128xf32> to vector<1x128xf32>
    %add3A_246 = arith.addf %slice3A_244, %slice3A_245 : vector<1x128xf32>
    %mul3A_247 = arith.constant 6.250000e-02 : f32
    %mul3A_248 = vector.broadcast %mul3A_247 : f32 to vector<1x128xf32>
    %mul3A_249 = arith.mulf %add3A_246, %mul3A_248 : vector<1x128xf32>
    %add3A_250 = arith.constant 9.99999974E-6 : f32
    %add3A_251 = vector.broadcast %add3A_250 : f32 to vector<1x128xf32>
    %add3A_252 = arith.addf %mul3A_249, %add3A_251 : vector<1x128xf32>
    %sqrt3A = math.sqrt %add3A_252 : vector<1x128xf32>
    %div3A_253 = vector.broadcast %sqrt3A : vector<1x128xf32> to vector<16x128xf32>
    %div3A_254 = arith.divf %sub3A_233, %div3A_253 : vector<16x128xf32>
    %get3A_255 = arith.constant 0 : index
    %get3A_256 = arith.constant 0 : index
    %get3A_257 = vector.load %arg7[%get3A_255, %get3A_256] : memref<1x128xf32, #tpu.memory_space<vmem>>, vector<1x128xf32>
    %mul3A_258 = vector.broadcast %get3A_257 : vector<1x128xf32> to vector<16x128xf32>
    %mul3A_259 = arith.mulf %div3A_254, %mul3A_258 : vector<16x128xf32>
    %get3A_260 = arith.constant 0 : index
    %get3A_261 = arith.constant 0 : index
    %get3A_262 = vector.load %arg8[%get3A_260, %get3A_261] : memref<1x128xf32, #tpu.memory_space<vmem>>, vector<1x128xf32>
    %add3A_263 = vector.broadcast %get3A_262 : vector<1x128xf32> to vector<16x128xf32>
    %add3A_264 = arith.addf %mul3A_259, %add3A_263 : vector<16x128xf32>
    %get3A_265 = arith.constant 0 : index
    %get3A_266 = arith.constant 0 : index
    %get3A_267 = vector.load %arg9[%get3A_265, %get3A_266] : memref<128x8xf32, #tpu.memory_space<vmem>>, vector<128x8xf32>
    %dot_general3A_268 = arith.constant dense<0.000000e+00> : vector<16x8xf32>
    %dot_general3A_269 = tpu.matmul %add3A_264, %get3A_267, %dot_general3A_268 {dimension_numbers = #tpu.dot_dimension_numbers<[1], [0], [0], [1], [0, 0, 1, 1], [], []>, transpose_lhs_hint = false} : vector<16x128xf32>, vector<128x8xf32>, vector<16x8xf32> -> vector<16x8xf32>
    %get3A_270 = arith.constant 0 : index
    %get3A_271 = arith.constant 0 : index
    %get3A_272 = vector.load %arg10[%get3A_270, %get3A_271] : memref<1x8xf32, #tpu.memory_space<vmem>>, vector<1x8xf32>
    %add3A_273 = vector.broadcast %get3A_272 : vector<1x8xf32> to vector<16x8xf32>
    %add3A_274 = arith.addf %dot_general3A_269, %add3A_273 : vector<16x8xf32>
    %reduce_max3A_275 = arith.constant dense<0xFF800000> : vector<16xf32>
    %reduce_max3A_276 = vector.multi_reduction <maximumf>, %add3A_274, %reduce_max3A_275 [1] : vector<16x8xf32> to vector<16xf32>
    %broadcast_in_dim3A_277 = vector.shape_cast %reduce_max3A_276 : vector<16xf32> to vector<16x1xf32>
    %sub3A_278 = vector.broadcast %broadcast_in_dim3A_277 : vector<16x1xf32> to vector<16x8xf32>
    %sub3A_279 = arith.subf %add3A_274, %sub3A_278 : vector<16x8xf32>
    %exp3A_280 = math.exp %sub3A_279 : vector<16x8xf32>
    %reduce_sum3A_281 = arith.constant dense<0.000000e+00> : vector<16xf32>
    %reduce_sum3A_282 = vector.multi_reduction <add>, %exp3A_280, %reduce_sum3A_281 [1] : vector<16x8xf32> to vector<16xf32>
    %broadcast_in_dim3A_283 = vector.shape_cast %reduce_sum3A_282 : vector<16xf32> to vector<16x1xf32>
    %div3A_284 = vector.broadcast %broadcast_in_dim3A_283 : vector<16x1xf32> to vector<16x8xf32>
    %div3A_285 = arith.divf %exp3A_280, %div3A_284 : vector<16x8xf32>
    %swap3A = arith.constant 0 : index
    %swap3A_286 = arith.constant 0 : index
    %swap3A_287 = vector.load %arg11[%swap3A, %swap3A_286] : memref<16x8xf32, #tpu.memory_space<vmem>>, vector<16x8xf32>
    tpu.vector_store %arg11[%swap3A, %swap3A_286], %div3A_285 {strides = array<i32>} : memref<16x8xf32, #tpu.memory_space<vmem>>, vector<16x8xf32>,
    return
  }
}

</mosaic_0001>

<sc_bundles>
// kernel: gather_offload_async_start
scs
__scs_entry_jumppad:
0x0: {  	(pc) =	sbr.rel $0x88, $3  }
0x1: {  	(tag) =	ssettag $0x0;
	lr =	simm.s32 $0x1  }
0x2: {  	[smem:$0x3F84] =	sst lr;
	_ =	strace $0xD0000000  }
0x3: {  	_ = 	snop  }
0x4: {  	_ = 	snop  }
0x5: {  	_ = 	snop  }
0x6: {  	_ = 	snop  }
0x7: {  	_ = 	snop  }
__scs_overlays_trampoline_lowered:
0x8: {  	[smem:$0x3F93] =	sst s0  }
0x9: {  	[smem:$0x3F94] =	sst s1  }
0xa: {  	[smem:$0x3F95] =	sst s2  }
0xb: {  	[smem:$0x3F96] =	sst s3  }
0xc: {  	[smem:$0x3F97] =	sst s4  }
0xd: {  	[smem:$0x3F98] =	sst s5  }
0xe: {  	[smem:$0x3F99] =	sst s6  }
0xf: {  	[smem:$0x3F9A] =	sst s7  }
0x10: {  	[smem:$0x3F9B] =	sst s8  }
0x11: {  	[smem:$0x3F9C] =	sst s9;
	s0 =	simm.s32 @!p0 $0x0  }
0x12: {  	s1 =	sld [smem:$0x3F82];
	s0 =	simm.s32 @p0 $0x1  }
0x13: {  	[smem:$0x3F9D] =	sst s0;
	s0 =	simm.s32 @!p1 $0x0  }
0x14: {  	s2 =	sld [smem:$0x3F81];
	s0 =	simm.s32 @p1 $0x1  }
0x15: {  	[smem:$0x3F9E] =	sst s0;
	s0 =	simm.s32 @!p2 $0x0  }
0x16: {  	s3 =	sld [smem:$0x3FDB];
	s0 =	simm.s32 @p2 $0x1  }
0x17: {  	s4 =	simm.s32 $0x1BF5;
	[smem:$0x3FA0] =	sst s0  }
0x18: {  	s0 =	sld [smem:$0x3F83];
	_ =	swait.ge [sflag:s4], $0x0  }
0x19: {  	s7 =	sld [smem:$0x3F84]  }
0x1a: {  	s8 =	sadd.s32 $0xFFFFE003, lr  }
0x1b: {  	s9 =	sadd.s32 $0xFFFFFEF7, lr;
	s5 =	simm.s32 $0xFFFFFFFF;
	p2 =	slt.u32 s8, $0xFFFFF086  }
0x1c: {  	p1 =	slt.u32 s9, $0xF7A;
	s5 =	simm.s32 @!p2 $0x0  }
0x1d: {  	s5 =	simm.s32 @p1 $0x1;
	p0 =	seq.s32 s7, s2  }
0x1e: {  	s7 =	smul.u32 @!p0 $0xF7A, s2;
	p2 =	seq.s32 @!p0 s5, $0x0  }
0x1f: {  	s9 =	smul.u32 $0xF7A, s1;
	s8 =	simm.s32 @!p0 $0x1BF5;
	p2 =	por !p2, p0  }
0x20: {  	[sflag:s8] =	ssyncset.s32 @!p0 $0xFFFFF086;
	s6 =	sadd.s32 @!p0 s3, s7;
	s7 =	simm.s32 @!p0 $0x108  }
0x21: {  	s3 =	sadd.s32 s3, s9;
	s6 =	sadd.s32 @!p0 $0x88, s6;
	s7 =	simm.s32 @p2 $0x1082  }
0x22: {  	[simem:s7], [sflag:s8] =	dma.local @!p0 [hbm:s6], $0xF7A  }
0x23: {  	s9 =	sor.u32 $0xD0000000, s2;
	s6 =	simm.s32 $0x108;
	_ =	swait.ge @!p0 [sflag:s8], $0x0  }
0x24: {  	s3 =	sadd.s32 $0x88, s3;
	s6 =	simm.s32 @!p1 $0x1082;
	[sflag:s4] =	ssyncset.s32 $0xFFFFF086  }
0x25: {  	[simem:s6], [sflag:s4] =	dma.local [hbm:s3], $0xF7A  }
0x26: {  	[smem:$0x3F84] =	sst s1;
	(tag) =	ssettag s2;
	_ =	strace s9  }
0x27: {  	s1 =	sld [smem:$0x3F94]  }
0x28: {  	s2 =	sld [smem:$0x3F95]  }
0x29: {  	s4 =	sld [smem:$0x3F97]  }
0x2a: {  	p0 =	seq.s32 s5, $0x0;
	s5 =	sld [smem:$0x3F98]  }
0x2b: {  	s6 =	sld [smem:$0x3F99]  }
0x2c: {  	s7 =	sld [smem:$0x3F9A]  }
0x2d: {  	s3 =	simm.s32 $0x108;
	s8 =	sld [smem:$0x3F9B]  }
0x2e: {  	s3 =	simm.s32 @!p0 $0x1082;
	s9 =	sld [smem:$0x3F9C]  }
0x2f: {  	lr =	sadd.s32 s0, s3;
	s0 =	sld [smem:$0x3F93]  }
0x30: {  	s3 =	sld [smem:$0x3F96]  }
0x31: {  	[smem:$0x3F9F] =	sst s10  }
0x32: {  	s10 =	sld [smem:$0x3F9D];
	_ =	sdelay $0x3  }
0x33: {  	p0 =	seq.s32 s10, $0x1;
	s10 =	sld [smem:$0x3F9F];
	_ =	sdelay $0x3  }
0x34: {  	[smem:$0x3F9F] =	sst s10  }
0x35: {  	s10 =	sld [smem:$0x3F9E];
	_ =	sdelay $0x3  }
0x36: {  	p1 =	seq.s32 s10, $0x1;
	s10 =	sld [smem:$0x3F9F];
	_ =	sdelay $0x3  }
0x37: {  	[smem:$0x3F9F] =	sst s10  }
0x38: {  	s10 =	sld [smem:$0x3FA0]  }
0x39: {  	_ = 	snop;
	(pc) =	sbr.ind lr, $3  }
0x3a: {  	_ = 	snop  }
0x3b: {  	_ = 	snop  }
0x3c: {  	p2 =	seq.s32 s10, $0x1;
	s10 =	sld [smem:$0x3F9F]  }
0x3d: {  	_ =	shalt  }
0x3e: {  	_ =	shalt  }
0x3f: {  	_ =	shalt  }
0x40: {  	_ =	shalt  }
0x41: {  	_ =	shalt  }
0x42: {  	_ =	shalt  }
0x43: {  	_ =	shalt  }
0x44: {  	_ =	shalt  }
0x45: {  	_ =	shalt  }
0x46: {  	_ =	shalt  }
0x47: {  	_ =	shalt  }
0x48: {  	_ =	shalt  }
0x49: {  	_ =	shalt  }
0x4a: {  	_ =	shalt  }
0x4b: {  	_ =	shalt  }
0x4c: {  	_ =	shalt  }
0x4d: {  	_ =	shalt  }
0x4e: {  	_ =	shalt  }
0x4f: {  	_ =	shalt  }
0x50: {  	_ =	shalt  }
0x51: {  	_ =	shalt  }
0x52: {  	_ =	shalt  }
0x53: {  	_ =	shalt  }
0x54: {  	_ =	shalt  }
0x55: {  	_ =	shalt  }
0x56: {  	_ =	shalt  }
0x57: {  	_ =	shalt  }
0x58: {  	_ =	shalt  }
0x59: {  	_ =	shalt  }
0x5a: {  	_ =	shalt  }
0x5b: {  	_ =	shalt  }
0x5c: {  	_ =	shalt  }
0x5d: {  	_ =	shalt  }
0x5e: {  	_ =	shalt  }
0x5f: {  	_ =	shalt  }
0x60: {  	_ =	shalt  }
0x61: {  	_ =	shalt  }
0x62: {  	_ =	shalt  }
0x63: {  	_ =	shalt  }
0x64: {  	_ =	shalt  }
0x65: {  	_ =	shalt  }
0x66: {  	_ =	shalt  }
0x67: {  	_ =	shalt  }
0x68: {  	_ =	shalt  }
0x69: {  	_ =	shalt  }
0x6a: {  	_ =	shalt  }
0x6b: {  	_ =	shalt  }
0x6c: {  	_ =	shalt  }
0x6d: {  	_ =	shalt  }
0x6e: {  	_ =	shalt  }
0x6f: {  	_ =	shalt  }
0x70: {  	_ =	shalt  }
0x71: {  	_ =	shalt  }
0x72: {  	_ =	shalt  }
0x73: {  	_ =	shalt  }
0x74: {  	_ =	shalt  }
0x75: {  	_ =	shalt  }
0x76: {  	_ =	shalt  }
0x77: {  	_ =	shalt  }
0x78: {  	_ =	shalt  }
0x79: {  	_ =	shalt  }
0x7a: {  	_ =	shalt  }
0x7b: {  	_ =	shalt  }
0x7c: {  	_ =	shalt  }
0x7d: {  	_ =	shalt  }
0x7e: {  	_ =	shalt  }
0x7f: {  	_ =	shalt  }
0x80: {  	_ =	shalt  }
0x81: {  	_ =	shalt  }
0x82: {  	_ =	shalt  }
0x83: {  	_ =	shalt  }
0x84: {  	_ =	shalt  }
0x85: {  	_ =	shalt  }
0x86: {  	_ =	shalt  }
0x87: {  	_ =	shalt  }
.Lfunc_end0:
.L_simem_size_0:
called_computation.2_lowered:
.L_overlay_start_0:
0x88: {  	s2 =	sld [smem:$0x3FD9]  }
0x89: {  	s3 =	sld [smem:$0x3FFE];
	_ =	sdelay $0x1  }
0x8a: {  	s1 =	srdreg.scid  }
0x8b: {  	s0 =	sand.u32 $0x1, s1  }
0x8c: {  	s16 =	sshll.u32 s0, $0xA;
	s2 =	sadd.s32 s3, s2  }
0x8d: {  	s2 =	sadd.s32 s2, s16  }
0x8e: {  	[smem:$0x3FAB] =	sst s2  }
0x8f: {  	_ = 	snop  }
0x90: {  	(tm) =	ssettm $0x1  }
0x91: {  	s17 =	sld [smem:$0x3FFB];
	_ =	sdelay $0x3  }
0x92: {  	_ =	strace s17  }
0x93: {  	s2 =	sld [smem:$0x3FFC];
	_ =	sdelay $0x3  }
0x94: {  	_ =	strace s2  }
0x95: {  	s2 =	sld [smem:$0x3FFD];
	_ =	sdelay $0x3  }
0x96: {  	_ =	strace s2  }
0x97: {  	_ =	strace $0x8FFFFFFF  }
0x98: {  	s18 =	sld [smem:$0x3FDB];
	_ =	sdelay $0x1  }
0x99: {  	s19 =	simm.s32 $_scs_section_size  }
0x9a: {  	s4 =	simm.s32 $_size__tile_overlayer_lowered;
	s5 =	simm.s32 $_tile_overlayer_lowered  }
0x9b: {  	s22 =	simm.s32 $0x1BFF;
	s21 =	sshll.u32 s5, $0x1;
	s2 =	sadd.s32 s19, s18  }
0x9c: {  	s6 =	simm.s32 $0x0;
	s20 =	sshll.u32 s4, $0x1;
	s4 =	sadd.s32 s21, s2  }
0x9d: {  	[timem:s6], [sflag:s22] =	dma.local [hbm:s4], s20  }
0x9e: {  	_ =	swait.ge [sflag:s22], s20  }
0x9f: {  	s3 =	ssub.s32 $0x0, s20;
	[sflag:s22] =	ssyncset.done $0x0  }
0xa0: {  	[sflag:s22] =	ssyncadd.s32 s3;
	_ =	sdelay $0x1  }
0xa1: {  	s23 =	simm.s32 $0x1B8B  }
0xa2: {  	_ =	swait.ge [sflag:s23], $0x1  }
0xa3: {  	[sflag:s23] =	ssyncset.done $0x0  }
0xa4: {  	s25 =	simm.s32 $0x1B8E;
	s24 =	sld [smem:$0x3FFE];
	[sflag:s23] =	ssyncadd.s32 $0xFFFFFFFF  }
0xa5: {  	s26 =	simm.s32 $execute0_lowered;
	[smem:$0x3FD2] =	sst s25  }
0xa6: {  	s4 =	sshll.u32 s26, $0x1;
	_ =	strace $0x8000004C;
	[dreg:$0x1] =	wrdreg $0xFFFFFFFF  }
0xa7: {  	s28 =	simm.s32 $_size_execute0_lowered;
	s2 =	sadd.s32 s2, s4;
	[dreg:$0x0] =	wrdreg $0x0  }
0xa8: {  	s4 =	sshll.u32 s28, $0x1;
	[dreg:$0x2] =	wrdreg s2  }
0xa9: {  	[dreg:$0x3] =	wrdreg s4  }
0xaa: {  	[dreg:$0x4] =	wrdreg $0xC0  }
0xab: {  	_ =	task [dreg:s6], $0x5FFFF  }
0xac: {  	[dreg:$0x1] =	wrdreg $0xFFFFFFFF  }
0xad: {  	[dreg:$0x0] =	wrdreg $0x60  }
0xae: {  	[dreg:$0x2] =	wrdreg s24  }
0xaf: {  	[dreg:$0x3] =	wrdreg $0x9  }
0xb0: {  	_ =	task.clear_ibuf [dreg:s6], $0x4FFFF;
	_ =	strace $0x9000004C  }
0xb1: {  	s29 =	simm.s32 $0x9;
	_ =	strace $0x8000004E  }
0xb2: {  	_ =	swait.ge [sflag:s29], $0x1  }
0xb3: {  	[sflag:s29] =	ssyncadd.s32 $0xFFFFFFFF  }
0xb4: {  	_ =	strace $0x9000004E  }
0xb5: {  	_ =	sfence  }
0xb6: {  	s30 =	sld [smem:$0x0];
	_ =	sdelay $0x2  }
0xb7: {  	s31 =	sshll.u32 s1, $0xD;
	s1 =	sshrl.u32 s1, $0x2  }
0xb8: {  	s3 =	sand.u32 $0x4000, s31;
	s1 =	sadd.s32 s1, s30  }
0xb9: {  	s0 =	sor.u32 s3, s0;
	s1 =	sshll.u32 s1, $0x11  }
0xba: {  	s0 =	sor.u32 s1, s0  }
0xbb: {  	s0 =	sadd.s32 $0x8F2B, s0  }
0xbc: {  	[sflag:s0] =	ssyncadd.remote.s32 $0x1  }
0xbd: {  	_ =	sfence.sel $0xFFFF  }
0xbe: {  	[dreg:$0x0] =	wrdreg $0xFFFFFFFF;
	(pc) =	sbr.abs _section_cstart, $3  }
0xbf: {  	[dreg:$0x1] =	wrdreg $0xFFFFFFFF  }
0xc0: {  	_ =	task.clear_ibuf [dreg:s6], $0x2FFFF;
	_ =	strace $0x9FFFFFFF  }
0xc1: {  	(tm) =	ssettm $0x7FFFFFFF  }
tec
execute0_lowered:
.L_overlay_start_1:
0x0: {  	(tag) =	ssettag $0x1  }
0x1: {  	s8 =	rddreg [dreg:$0x0]  }
0x2: {  	s0 =	rddreg [dreg:$0x1];
	_ =	strace $0x8000004D;
	s1 =	stileid.u32  }
0x3: {  	s3 =	srdreg.scid;
	s4 =	simm.s32 $0x1;
	s7 =	simm.s32 $0x1  }
0x4: {  	s9 =	simm.s32 $0x1;
	s10 =	simm.s32 $0x3;
	s13 =	simm.s32 $0x0  }
0x5: {  	s12 =	simm.s32 $0x0;
	s5 =	sand.u32 $0x1, s3;
	s6 =	sshll.u32 s1, $0x1  }
0x6: {  	s2 =	sadd.s32 $0x19000, s8;
	s3 =	sadd.s32 $0x338C00, s8;
	s5 =	sor.u32 s6, s5  }
.Ltmp0:
0x7: {  	[sflag:s4] =	ssyncpa.u1 $0x0;
	p0 =	slt.u32 s5, $0x9;
	(pc) =	sbr.rel .LBB2_1-.Ltmp0, $4  }
0x8: {  	s6 =	simm.s32 $0x2;
	s7 =	simm.s32 @!p0 $0x0;
	p0 =	sne.s32 s5, $0x8  }
0x9: {  	[sflag:s6] =	ssyncpa.u1 $0x0;
	s5 =	smul.u32 $0x1F40, s5;
	s9 =	simm.s32 @!p0 $0x0  }
0xa: {  	s8 =	sadd.s32 $0x151800, s8;
	[sflag:s10] =	ssyncpa.u1 $0x0;
	s7 =	sadd.s32 s9, s7  }
0xb: {  	vm0 =	vmmov $0xffff;
	s10 =	simm.s32 $0x0;
	s11 =	smov.u32 s5;
	s9 =	sadd.s32 $0x1, s7  }
.LBB2_4:
0xc: {  	vm2 =	veq.s32 v2, $0x80000000;
	v4 =	vand.u32 $0x1F, v4;
	v5 =	vor.u32 v6, v5  }
0xd: {  	v1 =	vand.u32 $0x7FFFF, v1;
	v7 =	vshrl.u32 v2, $0x13;
	v56 =	vand.u32 $0x7FFFF, v2  }
0xe: {  	v4 =	vsel vm1, $0xFFFFFFFF, v4;
	v3 =	vor.u32 v3, v5;
	v1 =	vsel vm1, $0xFFFFFFFF, v1  }
0xf: {  	vm1 =	vmmov vm2;
	v7 =	vand.u32 $0x1F, v7;
	v54 =	vshrl.u32 v4, $0x3  }
0x10: {  	v4 =	vshll.u32 v4, $0x7;
	v55 =	vshll.u32 v1, $0x3;
	v57 =	vsel vm1, $0xFFFFFFFF, v7  }
0x11: {  	v2 =	vsel vm1, $0xFFFFFFFF, v56;
	v1 =	vand.u32 $0x7F, v1;
	v5 =	vmul.u32 $0x271000, v54  }
0x12: {  	v6 =	vand.u32 $0xFFFFFC00, v55;
	v4 =	vand.u32 $0x380, v4;
	v7 =	vshrl.u32 v57, $0x3  }
0x13: {  	v59 =	vshll.u32 v2, $0x3;
	v58 =	vmul.u32 $0x271000, v7;
	v5 =	vadd.s32 v6, v5  }
0x14: {  	v7 =	vand.u32 $0xFFFFFC00, v59;
	v6 =	vshll.u32 v57, $0x7;
	v4 =	vor.u32 v4, v5  }
0x15: {  	v60 =	vadd.s32 v7, v58;
	v61 =	vand.u32 $0x380, v6;
	v1 =	vor.u32 v1, v4  }
0x16: {  	[tilespmem:s16], [sflag:$0x1] =	stream.indirect_vreg.gather [hbm4b:s2+s10], $0x1, v0, vm0, $0x4038;
	v62 =	vand.u32 $0x7F, v2;
	v63 =	vor.u32 v61, v60;
	[tilespmem:$0x7D00] =	vst v63  }
0x17: {  	(ifvalue) =	ssetifvalue $0x7FFFFFFF;
	v0 =	vor.u32 v62, v63  }
0x18: {  	[tilespmem:s15], [sflag:$0x1] =	stream.indirect_vreg.gather [hbm4b:s2+s10], $0x1, v3, vm0, $0x4038;
	[tilespmem:$0x7D00] =	vst v63  }
0x19: {  	s29 =	sadd.s32 $0x10, s15;
	(ifvalue) =	ssetifvalue $0x7FFFFFFF  }
0x1a: {  	[tilespmem:s29], [sflag:$0x1] =	stream.indirect_vreg.gather [hbm4b:s2+s10], $0x1, v1, vm0, $0x4038;
	[tilespmem:$0x7D00] =	vst v63  }
0x1b: {  	s15 =	sadd.s32 $0x10, s29;
	(ifvalue) =	ssetifvalue $0x7FFFFFFF  }
0x1c: {  	[tilespmem:s15], [sflag:$0x1] =	stream.indirect_vreg.gather [hbm4b:s2+s10], $0x1, v0, vm0, $0x4038;
	[tilespmem:$0x7D00] =	vst v63  }
0x1d: {  	_ =	swait.ge [sflag:s4], $0x1F40  }
0x1e: {  	s30 =	sshrl.u32 s13, $0x3;
	[sflag:s4] =	ssyncset.done $0x0  }
0x1f: {  	s31 =	sand.u32 $0x7, s13;
	s15 =	sadd.s32 s8, s30;
	[sflag:s4] =	ssyncadd.s32 $0xFFFFE0C0  }
0x20: {  	[hbm4b:s15+s31] =	stream.linear.scatter [tilespmem:s14], [sflag:$0x3], $0x1F40, $0x38;
	[tilespmem:$0x7D00] =	vst v63  }
.LBB2_5:
0x21: {  	s15 =	sadd.s32 $0x3E800, s11  }
0x22: {  	p1 =	sgt.s32 s15, $0x4E1FF  }
0x23: {  	s15 =	smov.u32 @p1 s5;
	p1 =	sne.s32 s12, s9  }
.Ltmp1:
0x24: {  	p0 =	slt.u32 s12, $0x2;
	(pc) =	sbr.rel @!p1 .LBB2_6-.Ltmp1, $4  }
0x25: {  	s14 =	simm.s32 @!p0 $0x3  }
0x26: {  	_ =	swait.ge @!p0 [sflag:s14], $0x1F40  }
0x27: {  	s16 =	sadd.s32 $0x1, s12;
	s13 =	smov.u32 s11;
	[sflag:s14] =	ssyncset.done @!p0 $0x0  }
0x28: {  	s12 =	smov.u32 s16;
	s11 =	smov.u32 s15;
	[sflag:s14] =	ssyncadd.s32 @!p0 $0xFFFFE0C0  }
.LBB2_1:
0x29: {  	p0 =	sge.u32 s12, s7  }
0x2a: {  	s14 =	sxor.u32 @!p0 $0x1, s12  }
0x2b: {  	s14 =	smul.u32 @!p0 $0x7D00, s14  }
0x2c: {  	s31 =	sadd.s32 $0xFFFFFFFF, s12;
	s15 =	sshrl.u32 @!p0 s11, $0x3  }
0x2d: {  	s16 =	sand.u32 @!p0 $0x7, s11;
	s15 =	sadd.s32 @!p0 s3, s15;
	s14 =	sshra.s32 @!p0 s14, $0x2  }
0x2e: {  	[tilespmem:s14], [sflag:$0x2] =	stream.linear.gather @!p0 [hbm4b:s15+s16], $0x1F40, $0x38;
	[tilespmem:$0x7D00] =	vst v63  }
0x2f: {  	p0 =	sge.u32 s31, s7  }
.Ltmp2:
0x30: {  	_ = 	snop;
	(pc) =	sbr.rel @p0 .LBB2_5-.Ltmp2, $1  }
0x31: {  	_ =	sdelay $0x3  }
0x32: {  	s14 =	sand.u32 $0x1, s12  }
0x33: {  	_ =	swait.ge [sflag:s6], $0x1F40;
	p0 =	seq.s32 s14, $0x1;
	s14 =	simm.s32 $0x1F40  }
0x34: {  	[sflag:s6] =	ssyncset.done $0x0;
	s14 =	simm.s32 @!p0 $0x0  }
0x35: {  	[sflag:s6] =	ssyncadd.s32 $0xFFFFE0C0;
	(ifvalue) =	ssetifvalue $0x7FFFFFFF;
	v0 =	vld.msk [tilespmem:s14+$0x0 ss:$0x1], $0xffff;
	_ =	sdelay $0x2  }
0x36: {  	s15 =	sadd.s32 $0x10, s14  }
0x37: {  	v2 =	vld.msk [tilespmem:s15+$0x0 ss:$0x1], $0xffff  }
0x38: {  	vm1 =	veq.s32 v0, $0x80000000;
	v1 =	vshrl.u32 v0, $0x13  }
0x39: {  	vm1 =	vmmov vm1;
	v3 =	vand.u32 $0x1F, v1  }
0x3a: {  	v0 =	vand.u32 $0x7FFFF, v0;
	v3 =	vsel vm1, $0xFFFFFFFF, v3  }
0x3b: {  	s15 =	sadd.s32 $0x10, s15;
	v0 =	vsel vm1, $0xFFFFFFFF, v0;
	v4 =	vshrl.u32 v3, $0x3  }
0x3c: {  	v1 =	vld.msk [tilespmem:s15+$0x0 ss:$0x1], $0xffff;
	v6 =	vshrl.u32 v2, $0x13;
	v5 =	vshll.u32 v0, $0x3;
	v4 =	vmul.u32 $0x271000, v4  }
0x3d: {  	vm1 =	veq.s32 v2, $0x80000000;
	v3 =	vshll.u32 v3, $0x7;
	v5 =	vand.u32 $0xFFFFFC00, v5  }
0x3e: {  	v0 =	vand.u32 $0x7F, v0;
	v3 =	vand.u32 $0x380, v3;
	v4 =	vadd.s32 v5, v4  }
0x3f: {  	vm1 =	vmmov vm1;
	v5 =	vand.u32 $0x1F, v6;
	v3 =	vor.u32 v3, v4  }
0x40: {  	v2 =	vand.u32 $0x7FFFF, v2;
	v4 =	vsel vm1, $0xFFFFFFFF, v5;
	v0 =	vor.u32 v0, v3  }
0x41: {  	s15 =	sadd.s32 $0x10, s15;
	vm2 =	veq.s32 v1, $0x80000000;
	v3 =	vsel vm1, $0xFFFFFFFF, v2;
	v2 =	vshrl.u32 v4, $0x3  }
0x42: {  	s14 =	sadd.s32 $0x3E80, s14;
	v6 =	vshll.u32 v4, $0x7;
	v5 =	vmul.u32 $0x271000, v2;
	v4 =	vshll.u32 v3, $0x3;
	v2 =	vld.msk [tilespmem:s15+$0x0 ss:$0x1], $0xffff  }
0x43: {  	s17 =	simm.s32 $0x30;
	s16 =	smov.u32 s14;
	vm1 =	vmmov vm2;
	v3 =	vand.u32 $0x7F, v3;
	v7 =	vand.u32 $0xFFFFFC00, v4  }
0x44: {  	s18 =	sadd.s32 $0x10, s15;
	v6 =	vand.u32 $0x380, v6;
	(ifvalue) =	ssetifvalue $0x7FFFFFFF;
	s15 =	sadd.s32 $0x10, s14;
	v4 =	vshrl.u32 v1, $0x13;
	v5 =	vadd.s32 v7, v5  }
.LBB2_3:
0x45: {  	[tilespmem:s16], [sflag:$0x1] =	stream.indirect_vreg.gather [hbm4b:s2+s10], $0x1, v0, vm0, $0x4038;
	[tilespmem:$0x7D00] =	vst v63  }
0x46: {  	s17 =	sadd.s32 $0x10, s17  }
0x47: {  	vm2 =	veq.s32 v2, $0x80000000;
	v4 =	vand.u32 $0x1F, v4;
	v5 =	vor.u32 v6, v5;
	v6 =	vmovc v2;
	v2 =	vld.msk [tilespmem:s18+$0x0 ss:$0x1], $0xffff;
	p0 =	slt.u32 s17, $0x1F30  }
.Ltmp3:
0x48: {  	v7 =	vand.u32 $0x7FFFF, v1;
	s16 =	smov.u32 s15;
	v4 =	vsel vm1, $0xFFFFFFFF, v4;
	v0 =	vor.u32 v3, v5;
	v1 =	vmovc v6;
	(pc) =	sbr.rel @p0 .LBB2_3-.Ltmp3, $4  }
0x49: {  	v5 =	vsel vm1, $0xFFFFFFFF, v7;
	v6 =	vshrl.u32 v4, $0x3;
	v7 =	vshll.u32 v4, $0x7  }
0x4a: {  	v3 =	vand.u32 $0x7F, v5;
	v4 =	vshll.u32 v5, $0x3;
	v6 =	vmul.u32 $0x271000, v6  }
0x4b: {  	vm1 =	vmmov vm2;
	v5 =	vand.u32 $0xFFFFFC00, v4  }
0x4c: {  	s18 =	sadd.s32 $0x10, s18;
	s15 =	sadd.s32 $0x10, s15;
	v4 =	vshrl.u32 v1, $0x13;
	v5 =	vadd.s32 v5, v6;
	v6 =	vand.u32 $0x380, v7;
	(ifvalue) =	ssetifvalue $0x7FFFFFFF  }
.Ltmp4:
0x4d: {  	_ = 	snop;
	(pc) =	sbr.rel .LBB2_4-.Ltmp4, $1  }
0x4e: {  	_ =	sdelay $0x3  }
.LBB2_6:
0x4f: {  	_ =	sfence.sel $0x180000  }
0x50: {  	s2 =	simm.s32 $0x2;
	[bflag:$0x0] =	sbarrier.arrive $0xFFFF  }
0x51: {  	s30 =	simm.s32 $0x3;
	[sflag:s2] =	ssyncpa.u1 $0x1  }
0x52: {  	s31 =	simm.s32 $0x1;
	[sflag:s30] =	ssyncpa.u1 $0x1  }
0x53: {  	[sflag:s31] =	ssyncpa.u1 $0x1  }
0x54: {  	p0 =	sne.s32 s1, $0x0;
	_ =	strace $0x9000004D  }
0x55: {  	s0 =	sadd.s32 @!p0 $0x100000, s0;
	[bflag:$0x2] =	sbarrier.arrive $0xFFFF  }
0x56: {  	[sflag:s0] =	ssyncadd.tile.s32 @!p0 $0x1;
	_ =	shalt  }
.Lfunc_end2:
_tile_overlayer_lowered:
.L_overlay_start_2:
0x57: {  	(tag) =	ssettag $0x2  }
0x58: {  	s0 =	rddreg [dreg:$0x0];
	s2 =	stileid.u32  }
0x59: {  	s1 =	rddreg [dreg:$0x1];
	p0 =	sne.s32 s2, $0x0  }
0x5a: {  	s3 =	rddreg [dreg:$0x2];
	[bflag:$0x3] =	sbarrier.arrive $0xFFFF;
	s2 =	simm.s32 @!p0 $0x1C01  }
0x5b: {  	[timem:s3], [sflag:s2] =	dma.local @!p0 [hbm:s0], s1  }
0x5c: {  	s0 =	simm.s32 @!p0 $0x1  }
0x5d: {  	_ =	swait.ge @!p0 [sflag:s0], s1  }
0x5e: {  	s1 =	ssub.s32 @!p0 $0x0, s1;
	[sflag:s0] =	ssyncset.done @!p0 $0x0  }
0x5f: {  	[sflag:s0] =	ssyncadd.s32 @!p0 s1  }
0x60: {  	[bflag:$0x3] =	sbarrier.arrive $0xFFFF  }
0x61: {  	_ =	shalt  }

// kernel: kernel.12.cloned.1.call-start
scs
__scs_entry_jumppad:
0x0: {  	(pc) =	sbr.rel $0x88, $3  }
0x1: {  	(tag) =	ssettag $0x0;
	lr =	simm.s32 $0x1  }
0x2: {  	[smem:$0x3F84] =	sst lr;
	_ =	strace $0xD0000000  }
0x3: {  	_ = 	snop  }
0x4: {  	_ = 	snop  }
0x5: {  	_ = 	snop  }
0x6: {  	_ = 	snop  }
0x7: {  	_ = 	snop  }
__scs_overlays_trampoline_lowered:
0x8: {  	[smem:$0x3F93] =	sst s0  }
0x9: {  	[smem:$0x3F94] =	sst s1  }
0xa: {  	[smem:$0x3F95] =	sst s2  }
0xb: {  	[smem:$0x3F96] =	sst s3  }
0xc: {  	[smem:$0x3F97] =	sst s4  }
0xd: {  	[smem:$0x3F98] =	sst s5  }
0xe: {  	[smem:$0x3F99] =	sst s6  }
0xf: {  	[smem:$0x3F9A] =	sst s7  }
0x10: {  	[smem:$0x3F9B] =	sst s8  }
0x11: {  	[smem:$0x3F9C] =	sst s9;
	s0 =	simm.s32 @!p0 $0x0  }
0x12: {  	s1 =	sld [smem:$0x3F82];
	s0 =	simm.s32 @p0 $0x1  }
0x13: {  	[smem:$0x3F9D] =	sst s0;
	s0 =	simm.s32 @!p1 $0x0  }
0x14: {  	s2 =	sld [smem:$0x3F81];
	s0 =	simm.s32 @p1 $0x1  }
0x15: {  	[smem:$0x3F9E] =	sst s0;
	s0 =	simm.s32 @!p2 $0x0  }
0x16: {  	s3 =	sld [smem:$0x3FDB];
	s0 =	simm.s32 @p2 $0x1  }
0x17: {  	s4 =	simm.s32 $0x1BF5;
	[smem:$0x3FA0] =	sst s0  }
0x18: {  	s0 =	sld [smem:$0x3F83];
	_ =	swait.ge [sflag:s4], $0x0  }
0x19: {  	s7 =	sld [smem:$0x3F84]  }
0x1a: {  	s8 =	sadd.s32 $0xFFFFE003, lr  }
0x1b: {  	s9 =	sadd.s32 $0xFFFFFEF7, lr;
	s5 =	simm.s32 $0xFFFFFFFF;
	p2 =	slt.u32 s8, $0xFFFFF086  }
0x1c: {  	p1 =	slt.u32 s9, $0xF7A;
	s5 =	simm.s32 @!p2 $0x0  }
0x1d: {  	s5 =	simm.s32 @p1 $0x1;
	p0 =	seq.s32 s7, s2  }
0x1e: {  	s7 =	smul.u32 @!p0 $0xF7A, s2;
	p2 =	seq.s32 @!p0 s5, $0x0  }
0x1f: {  	s9 =	smul.u32 $0xF7A, s1;
	s8 =	simm.s32 @!p0 $0x1BF5;
	p2 =	por !p2, p0  }
0x20: {  	[sflag:s8] =	ssyncset.s32 @!p0 $0xFFFFF086;
	s6 =	sadd.s32 @!p0 s3, s7;
	s7 =	simm.s32 @!p0 $0x108  }
0x21: {  	s3 =	sadd.s32 s3, s9;
	s6 =	sadd.s32 @!p0 $0x88, s6;
	s7 =	simm.s32 @p2 $0x1082  }
0x22: {  	[simem:s7], [sflag:s8] =	dma.local @!p0 [hbm:s6], $0xF7A  }
0x23: {  	s9 =	sor.u32 $0xD0000000, s2;
	s6 =	simm.s32 $0x108;
	_ =	swait.ge @!p0 [sflag:s8], $0x0  }
0x24: {  	s3 =	sadd.s32 $0x88, s3;
	s6 =	simm.s32 @!p1 $0x1082;
	[sflag:s4] =	ssyncset.s32 $0xFFFFF086  }
0x25: {  	[simem:s6], [sflag:s4] =	dma.local [hbm:s3], $0xF7A  }
0x26: {  	[smem:$0x3F84] =	sst s1;
	(tag) =	ssettag s2;
	_ =	strace s9  }
0x27: {  	s1 =	sld [smem:$0x3F94]  }
0x28: {  	s2 =	sld [smem:$0x3F95]  }
0x29: {  	s4 =	sld [smem:$0x3F97]  }
0x2a: {  	p0 =	seq.s32 s5, $0x0;
	s5 =	sld [smem:$0x3F98]  }
0x2b: {  	s6 =	sld [smem:$0x3F99]  }
0x2c: {  	s7 =	sld [smem:$0x3F9A]  }
0x2d: {  	s3 =	simm.s32 $0x108;
	s8 =	sld [smem:$0x3F9B]  }
0x2e: {  	s3 =	simm.s32 @!p0 $0x1082;
	s9 =	sld [smem:$0x3F9C]  }
0x2f: {  	lr =	sadd.s32 s0, s3;
	s0 =	sld [smem:$0x3F93]  }
0x30: {  	s3 =	sld [smem:$0x3F96]  }
0x31: {  	[smem:$0x3F9F] =	sst s10  }
0x32: {  	s10 =	sld [smem:$0x3F9D];
	_ =	sdelay $0x3  }
0x33: {  	p0 =	seq.s32 s10, $0x1;
	s10 =	sld [smem:$0x3F9F];
	_ =	sdelay $0x3  }
0x34: {  	[smem:$0x3F9F] =	sst s10  }
0x35: {  	s10 =	sld [smem:$0x3F9E];
	_ =	sdelay $0x3  }
0x36: {  	p1 =	seq.s32 s10, $0x1;
	s10 =	sld [smem:$0x3F9F];
	_ =	sdelay $0x3  }
0x37: {  	[smem:$0x3F9F] =	sst s10  }
0x38: {  	s10 =	sld [smem:$0x3FA0]  }
0x39: {  	_ = 	snop;
	(pc) =	sbr.ind lr, $3  }
0x3a: {  	_ = 	snop  }
0x3b: {  	_ = 	snop  }
0x3c: {  	p2 =	seq.s32 s10, $0x1;
	s10 =	sld [smem:$0x3F9F]  }
0x3d: {  	_ =	shalt  }
0x3e: {  	_ =	shalt  }
0x3f: {  	_ =	shalt  }
0x40: {  	_ =	shalt  }
0x41: {  	_ =	shalt  }
0x42: {  	_ =	shalt  }
0x43: {  	_ =	shalt  }
0x44: {  	_ =	shalt  }
0x45: {  	_ =	shalt  }
0x46: {  	_ =	shalt  }
0x47: {  	_ =	shalt  }
0x48: {  	_ =	shalt  }
0x49: {  	_ =	shalt  }
0x4a: {  	_ =	shalt  }
0x4b: {  	_ =	shalt  }
0x4c: {  	_ =	shalt  }
0x4d: {  	_ =	shalt  }
0x4e: {  	_ =	shalt  }
0x4f: {  	_ =	shalt  }
0x50: {  	_ =	shalt  }
0x51: {  	_ =	shalt  }
0x52: {  	_ =	shalt  }
0x53: {  	_ =	shalt  }
0x54: {  	_ =	shalt  }
0x55: {  	_ =	shalt  }
0x56: {  	_ =	shalt  }
0x57: {  	_ =	shalt  }
0x58: {  	_ =	shalt  }
0x59: {  	_ =	shalt  }
0x5a: {  	_ =	shalt  }
0x5b: {  	_ =	shalt  }
0x5c: {  	_ =	shalt  }
0x5d: {  	_ =	shalt  }
0x5e: {  	_ =	shalt  }
0x5f: {  	_ =	shalt  }
0x60: {  	_ =	shalt  }
0x61: {  	_ =	shalt  }
0x62: {  	_ =	shalt  }
0x63: {  	_ =	shalt  }
0x64: {  	_ =	shalt  }
0x65: {  	_ =	shalt  }
0x66: {  	_ =	shalt  }
0x67: {  	_ =	shalt  }
0x68: {  	_ =	shalt  }
0x69: {  	_ =	shalt  }
0x6a: {  	_ =	shalt  }
0x6b: {  	_ =	shalt  }
0x6c: {  	_ =	shalt  }
0x6d: {  	_ =	shalt  }
0x6e: {  	_ =	shalt  }
0x6f: {  	_ =	shalt  }
0x70: {  	_ =	shalt  }
0x71: {  	_ =	shalt  }
0x72: {  	_ =	shalt  }
0x73: {  	_ =	shalt  }
0x74: {  	_ =	shalt  }
0x75: {  	_ =	shalt  }
0x76: {  	_ =	shalt  }
0x77: {  	_ =	shalt  }
0x78: {  	_ =	shalt  }
0x79: {  	_ =	shalt  }
0x7a: {  	_ =	shalt  }
0x7b: {  	_ =	shalt  }
0x7c: {  	_ =	shalt  }
0x7d: {  	_ =	shalt  }
0x7e: {  	_ =	shalt  }
0x7f: {  	_ =	shalt  }
0x80: {  	_ =	shalt  }
0x81: {  	_ =	shalt  }
0x82: {  	_ =	shalt  }
0x83: {  	_ =	shalt  }
0x84: {  	_ =	shalt  }
0x85: {  	_ =	shalt  }
0x86: {  	_ =	shalt  }
0x87: {  	_ =	shalt  }
.Lfunc_end0:
.L_simem_size_0:
called_computation.4_lowered:
.L_overlay_start_0:
0x88: {  	s2 =	sld [smem:$0x3FD9]  }
0x89: {  	s3 =	sld [smem:$0x3FFE];
	_ =	sdelay $0x1  }
0x8a: {  	s1 =	srdreg.scid  }
0x8b: {  	s0 =	sand.u32 $0x1, s1  }
0x8c: {  	s16 =	sshll.u32 s0, $0xA;
	s2 =	sadd.s32 s3, s2  }
0x8d: {  	s2 =	sadd.s32 s2, s16  }
0x8e: {  	[smem:$0x3FAB] =	sst s2  }
0x8f: {  	_ = 	snop  }
0x90: {  	(tm) =	ssettm $0x1  }
0x91: {  	s17 =	sld [smem:$0x3FFB];
	_ =	sdelay $0x3  }
0x92: {  	_ =	strace s17  }
0x93: {  	s2 =	sld [smem:$0x3FFC];
	_ =	sdelay $0x3  }
0x94: {  	_ =	strace s2  }
0x95: {  	s2 =	sld [smem:$0x3FFD];
	_ =	sdelay $0x3  }
0x96: {  	_ =	strace s2  }
0x97: {  	_ =	strace $0x8FFFFFFF  }
0x98: {  	s18 =	sld [smem:$0x3FDB];
	_ =	sdelay $0x1  }
0x99: {  	s19 =	simm.s32 $_scs_section_size  }
0x9a: {  	s4 =	simm.s32 $_size__tile_overlayer_lowered;
	s5 =	simm.s32 $_tile_overlayer_lowered  }
0x9b: {  	s22 =	simm.s32 $0x1BFF;
	s21 =	sshll.u32 s5, $0x1;
	s2 =	sadd.s32 s19, s18  }
0x9c: {  	s6 =	simm.s32 $0x0;
	s20 =	sshll.u32 s4, $0x1;
	s4 =	sadd.s32 s21, s2  }
0x9d: {  	[timem:s6], [sflag:s22] =	dma.local [hbm:s4], s20  }
0x9e: {  	_ =	swait.ge [sflag:s22], s20  }
0x9f: {  	s3 =	ssub.s32 $0x0, s20;
	[sflag:s22] =	ssyncset.done $0x0  }
0xa0: {  	[sflag:s22] =	ssyncadd.s32 s3;
	_ =	sdelay $0x1  }
0xa1: {  	s23 =	simm.s32 $0x1B8B  }
0xa2: {  	_ =	swait.ge [sflag:s23], $0x1  }
0xa3: {  	[sflag:s23] =	ssyncset.done $0x0  }
0xa4: {  	s25 =	simm.s32 $0x1B8E;
	s24 =	sld [smem:$0x3FFE];
	[sflag:s23] =	ssyncadd.s32 $0xFFFFFFFF  }
0xa5: {  	s26 =	simm.s32 $execute0_lowered;
	[smem:$0x3FD2] =	sst s25  }
0xa6: {  	s4 =	sshll.u32 s26, $0x1;
	_ =	strace $0x80000052;
	[dreg:$0x1] =	wrdreg $0xFFFFFFFF  }
0xa7: {  	s28 =	simm.s32 $_size_execute0_lowered;
	s2 =	sadd.s32 s2, s4;
	[dreg:$0x0] =	wrdreg $0x0  }
0xa8: {  	s4 =	sshll.u32 s28, $0x1;
	[dreg:$0x2] =	wrdreg s2  }
0xa9: {  	[dreg:$0x3] =	wrdreg s4  }
0xaa: {  	[dreg:$0x4] =	wrdreg $0xC0  }
0xab: {  	_ =	task [dreg:s6], $0x5FFFF  }
0xac: {  	[dreg:$0x1] =	wrdreg $0xFFFFFFFF  }
0xad: {  	[dreg:$0x0] =	wrdreg $0x60  }
0xae: {  	[dreg:$0x2] =	wrdreg s24  }
0xaf: {  	[dreg:$0x3] =	wrdreg $0x104000  }
0xb0: {  	[dreg:$0x4] =	wrdreg $0x9  }
0xb1: {  	_ =	task.clear_ibuf [dreg:s6], $0x5FFFF;
	_ =	strace $0x90000052  }
0xb2: {  	s29 =	simm.s32 $0x9;
	_ =	strace $0x80000054  }
0xb3: {  	_ =	swait.ge [sflag:s29], $0x1  }
0xb4: {  	[sflag:s29] =	ssyncadd.s32 $0xFFFFFFFF  }
0xb5: {  	_ =	strace $0x90000054  }
0xb6: {  	_ =	sfence  }
0xb7: {  	s30 =	sld [smem:$0x0];
	_ =	sdelay $0x2  }
0xb8: {  	s31 =	sshll.u32 s1, $0xD;
	s1 =	sshrl.u32 s1, $0x2  }
0xb9: {  	s3 =	sand.u32 $0x4000, s31;
	s1 =	sadd.s32 s1, s30  }
0xba: {  	s0 =	sor.u32 s3, s0;
	s1 =	sshll.u32 s1, $0x11  }
0xbb: {  	s0 =	sor.u32 s1, s0  }
0xbc: {  	s0 =	sadd.s32 $0x8F2B, s0  }
0xbd: {  	[sflag:s0] =	ssyncadd.remote.s32 $0x1  }
0xbe: {  	_ =	sfence.sel $0xFFFF  }
0xbf: {  	[dreg:$0x0] =	wrdreg $0xFFFFFFFF;
	(pc) =	sbr.abs _section_cstart, $3  }
0xc0: {  	[dreg:$0x1] =	wrdreg $0xFFFFFFFF  }
0xc1: {  	_ =	task.clear_ibuf [dreg:s6], $0x2FFFF;
	_ =	strace $0x9FFFFFFF  }
0xc2: {  	(tm) =	ssettm $0x7FFFFFFF  }
0xc3: {  	_ =	shalt  }
tec
execute0_lowered:
.L_overlay_start_1:
0x0: {  	(tag) =	ssettag $0x1  }
0x1: {  	s6 =	rddreg [dreg:$0x0];
	s1 =	srdreg.scid  }
0x2: {  	s0 =	stileid.u32;
	s2 =	rddreg [dreg:$0x1];
	s3 =	simm.s32 $0x0  }
0x3: {  	s16 =	simm.s32 $0x400;
	s17 =	simm.s32 $0x100;
	s18 =	simm.s32 $0x4400  }
0x4: {  	s19 =	simm.s32 $0x200;
	s20 =	simm.s32 $0x8400;
	s21 =	simm.s32 $0x1  }
0x5: {  	s22 =	simm.s32 $0x0;
	s7 =	sand.u32 $0x1, s1;
	s1 =	rddreg [dreg:$0x2]  }
0x6: {  	s4 =	sshll.u32 s0, $0x1;
	[smem:$0x7FF] =	sst s3;
	s10 =	smul.u32 $0x28000, s0  }
0x7: {  	s12 =	sadd.s32 $0x5400, s6;
	s5 =	sadd.s32 $0x43400, s6;
	s29 =	smul.u32 $0xB000, s0  }
0x8: {  	s8 =	sor.u32 s7, s4;
	s28 =	ssub.s32 $0x2, s7;
	s7 =	smul.u32 $0x5800, s7  }
0x9: {  	s31 =	sshll.u32 s0, $0x6;
	_ =	strace $0x80000053;
	s9 =	smul.u32 $0x1400, s8  }
0xa: {  	s8 =	smul.u32 $0x5800, s8;
	s13 =	sshrl.u32 s28, $0x1;
	s10 =	sshrl.u32 s10, $0x2  }
0xb: {  	s4 =	sadd.s32 $0x1B400, s6;
	s13 =	ssub.s32 s28, s13;
	s14 =	sadd.s32 s10, s2  }
0xc: {  	s11 =	sadd.s32 s9, s6;
	s30 =	sshrl.u32 s8, $0x3;
	s9 =	sadd.s32 s7, s29  }
0xd: {  	s7 =	sor.u32 $0x1C02, s31;
	s6 =	sadd.s32 s12, s30;
	s15 =	sor.u32 $0x300, s9  }
0xe: {  	s10 =	sadd.s32 $0x44800, s11;
	s11 =	smax.u32 s13, $0x1;
	s13 =	sshrl.u32 s14, $0x3  }
0xf: {  	s14 =	simm.s32 $0x2;
	s8 =	sadd.s32 $0x20, s6;
	s15 =	sshrl.u32 s15, $0x3  }
0x10: {  	s9 =	sadd.s32 $0x40, s6;
	s12 =	sadd.s32 s15, s12;
	s15 =	simm.s32 $0x80  }
.LBB2_1:
0x11: {  	[spmem:s13], [sflag:s7] =	dma.local [hbm:s5], $0x1400  }
0x12: {  	_ =	swait.ge [sflag:s14], $0x1400  }
0x13: {  	[sflag:s14] =	ssyncset.done $0x0  }
0x14: {  	[sflag:s14] =	ssyncadd.s32 $0xFFFFEC00  }
0x15: {  	[bflag:$0x0] =	sbarrier.arrive $0xFFFF  }
0x16: {  	[tilespmem:s3], [sflag:$0x2] =	stream.linear.gather [hbm4b:s6+s3], $0x100, $0x38;
	[tilespmem:$0x1A400] =	vst v63  }
0x17: {  	_ =	swait.ge [sflag:s14], $0x100  }
0x18: {  	[sflag:s14] =	ssyncset.done $0x0  }
0x19: {  	[sflag:s14] =	ssyncadd.s32 $0xFFFFFF00  }
0x1a: {  	[tilespmem:s16], [sflag:$0x1] =	stream.indirect.gather [hbm4b:s4+s15], $0x80, s3, s15, $0xb8;
	[tilespmem:$0x1A400] =	vst v63  }
0x1b: {  	_ = 	snop  }
0x1c: {  	[tilespmem:s17], [sflag:$0x2] =	stream.linear.gather [hbm4b:s8+s3], $0x100, $0x38;
	[tilespmem:$0x1A400] =	vst v63  }
0x1d: {  	_ =	swait.ge [sflag:s14], $0x100  }
0x1e: {  	[sflag:s14] =	ssyncset.done $0x0  }
0x1f: {  	[sflag:s14] =	ssyncadd.s32 $0xFFFFFF00  }
0x20: {  	[tilespmem:s18], [sflag:$0x1] =	stream.indirect.gather [hbm4b:s4+s15], $0x80, s17, s15, $0xb8;
	[tilespmem:$0x1A400] =	vst v63  }
0x21: {  	_ = 	snop  }
0x22: {  	[tilespmem:s19], [sflag:$0x2] =	stream.linear.gather [hbm4b:s9+s3], $0x100, $0x38;
	[tilespmem:$0x1A400] =	vst v63  }
0x23: {  	_ =	swait.ge [sflag:s14], $0x100  }
0x24: {  	s23 =	simm.s32 $0x3;
	p0 =	por $0x0, $0x0;
	[sflag:s14] =	ssyncset.done $0x0  }
0x25: {  	s24 =	simm.s32 $0x0;
	s23 =	sand.u32 @!p0 $0x3, s23;
	[sflag:s14] =	ssyncadd.s32 $0xFFFFFF00  }
0x26: {  	[tilespmem:s20], [sflag:$0x1] =	stream.indirect.gather [hbm4b:s4+s15], $0x80, s19, s15, $0xb8;
	[tilespmem:$0x1A400] =	vst v63  }
0x27: {  	s25 =	simm.s32 @!p0 $0x0;
	s28 =	simm.s32 @!p0 $0x2;
	s26 =	sshll.u32 @!p0 s23, $0x8  }
0x28: {  	[tilespmem:s26], [sflag:$0x2] =	stream.linear.gather @!p0 [hbm4b:s12+s25], $0x100, $0x38;
	[tilespmem:$0x1A400] =	vst v63  }
0x29: {  	s29 =	simm.s32 $0x4;
	s24 =	sand.u32 $0x3, s24;
	_ =	swait.ge @!p0 [sflag:s28], $0x100  }
0x2a: {  	s30 =	sshll.u32 s24, $0xE;
	s23 =	sshll.u32 @!p0 s23, $0xE;
	[sflag:s28] =	ssyncset.done @!p0 $0x0  }
0x2b: {  	s23 =	sor.u32 @!p0 $0x400, s23;
	[sflag:s28] =	ssyncadd.s32 @!p0 $0xFFFFFF00;
	s28 =	simm.s32 @!p0 $0x80  }
0x2c: {  	[tilespmem:s23], [sflag:$0x1] =	stream.indirect.gather @!p0 [hbm4b:s4+s28], $0x80, s26, s28, $0xb8;
	[tilespmem:$0x1A400] =	vst v63  }
0x2d: {  	s31 =	sshll.u32 s24, $0x8;
	s24 =	simm.s32 $0x5;
	_ =	swait.ge [sflag:s21], $0x4000  }
0x2e: {  	s25 =	sor.u32 $0x400, s30;
	s23 =	sadd.s32 $0x20, s12;
	[sflag:s21] =	ssyncset.done $0x0  }
0x2f: {  	s26 =	sor.u32 $0x80, s31;
	s28 =	simm.s32 $0x1;
	[sflag:s21] =	ssyncadd.s32 $0xFFFFC000  }
0x30: {  	[spmem:s2] =	stream.indirect.scatter.add.f32 [tilespmem:s25], [sflag:$0x2], $0x80, s26, s15, $0xb8;
	[tilespmem:$0x1A400] =	vst v63  }
0x31: {  	p0 =	por $0x0, $0x0;
	s25 =	sand.u32 $0x3, s28;
	_ =	swait.ge [sflag:s14], $0x4000  }
0x32: {  	s26 =	sand.u32 @!p0 $0x3, s29;
	s28 =	simm.s32 @!p0 $0x0;
	[sflag:s14] =	ssyncset.done $0x0  }
.LBB2_2:
0x33: {  	s29 =	sshll.u32 @!p0 s26, $0x8  }
0x34: {  	s30 =	simm.s32 @!p0 $0x2;
	[sflag:s14] =	ssyncadd.s32 $0xFFFFC000;
	s31 =	smov.u32 s24  }
0x35: {  	[tilespmem:s29], [sflag:$0x2] =	stream.linear.gather @!p0 [hbm4b:s23+s28], $0x100, $0x38;
	[tilespmem:$0x1A400] =	vst v63  }
0x36: {  	s28 =	sshll.u32 s25, $0xE;
	s25 =	sshll.u32 s25, $0x8;
	_ =	swait.ge @!p0 [sflag:s30], $0x100  }
0x37: {  	s24 =	sadd.s32 $0x1, s24;
	s26 =	sshll.u32 @!p0 s26, $0xE;
	[sflag:s30] =	ssyncset.done @!p0 $0x0  }
0x38: {  	s26 =	sor.u32 @!p0 $0x400, s26;
	[sflag:s30] =	ssyncadd.s32 @!p0 $0xFFFFFF00;
	s30 =	simm.s32 @!p0 $0x80  }
0x39: {  	[tilespmem:s26], [sflag:$0x1] =	stream.indirect.gather @!p0 [hbm4b:s4+s30], $0x80, s29, s30, $0xb8;
	[tilespmem:$0x1A400] =	vst v63  }
0x3a: {  	p1 =	sne.s32 s24, $0x5B;
	s23 =	sadd.s32 $0x20, s23;
	_ =	swait.ge [sflag:s21], $0x4000  }
.Ltmp0:
0x3b: {  	s25 =	sor.u32 $0x80, s25;
	[sflag:s21] =	ssyncset.done $0x0;
	(pc) =	sbr.rel @p1 .LBB2_2-.Ltmp0, $4  }
0x3c: {  	s28 =	sor.u32 $0x400, s28;
	s26 =	sadd.s32 $0xFFFFFFFD, s31;
	[sflag:s21] =	ssyncadd.s32 $0xFFFFC000  }
0x3d: {  	[spmem:s2] =	stream.indirect.scatter.add.f32 [tilespmem:s28], [sflag:$0x2], $0x80, s25, s15, $0xb8;
	[tilespmem:$0x1A400] =	vst v63  }
0x3e: {  	p0 =	sgt.u32 s26, $0x54;
	s25 =	sand.u32 $0x3, s26;
	_ =	swait.ge [sflag:s14], $0x4000  }
0x3f: {  	s26 =	sand.u32 @!p0 $0x3, s31;
	s28 =	simm.s32 @!p0 $0x0;
	[sflag:s14] =	ssyncset.done $0x0  }
0x40: {  	s24 =	sshll.u32 @!p0 s26, $0x8;
	s29 =	simm.s32 @!p0 $0x2;
	[sflag:s14] =	ssyncadd.s32 $0xFFFFC000  }
0x41: {  	[tilespmem:s24], [sflag:$0x2] =	stream.linear.gather @!p0 [hbm4b:s23+s28], $0x100, $0x38;
	[tilespmem:$0x1A400] =	vst v63  }
0x42: {  	_ =	swait.ge @!p0 [sflag:s29], $0x100  }
0x43: {  	s23 =	sshll.u32 @!p0 s26, $0xE;
	[sflag:s29] =	ssyncset.done @!p0 $0x0  }
0x44: {  	s26 =	simm.s32 @!p0 $0x80;
	s23 =	sor.u32 @!p0 $0x400, s23;
	[sflag:s29] =	ssyncadd.s32 @!p0 $0xFFFFFF00  }
0x45: {  	[tilespmem:s23], [sflag:$0x1] =	stream.indirect.gather @!p0 [hbm4b:s4+s26], $0x80, s24, s26, $0xb8;
	[tilespmem:$0x1A400] =	vst v63  }
0x46: {  	_ =	swait.ge [sflag:s21], $0x4000  }
0x47: {  	s30 =	sshll.u32 s25, $0xE;
	s31 =	sshll.u32 s25, $0x8;
	[sflag:s21] =	ssyncset.done $0x0  }
0x48: {  	s24 =	sor.u32 $0x80, s31;
	s23 =	sor.u32 $0x400, s30;
	[sflag:s21] =	ssyncadd.s32 $0xFFFFC000  }
0x49: {  	[spmem:s2] =	stream.indirect.scatter.add.f32 [tilespmem:s23], [sflag:$0x2], $0x80, s24, s15, $0xb8;
	[tilespmem:$0x1A400] =	vst v63  }
0x4a: {  	_ =	swait.ge [sflag:s14], $0x4000  }
0x4b: {  	s22 =	sadd.s32 $0x1, s22;
	[sflag:s14] =	ssyncset.done $0x0  }
0x4c: {  	p0 =	sne.s32 s22, s11;
	[sflag:s14] =	ssyncadd.s32 $0xFFFFC000  }
.Ltmp1:
0x4d: {  	[bflag:$0x0] =	sbarrier.arrive $0xFFFF;
	(pc) =	sbr.rel @p0 .LBB2_1-.Ltmp1, $4  }
0x4e: {  	[hbm:s10], [sflag:s7] =	dma.local [spmem:s13], $0x1400  }
0x4f: {  	_ =	swait.ge [sflag:s14], $0x1400  }
0x50: {  	[sflag:s14] =	ssyncset.done $0x0  }
0x51: {  	[sflag:s14] =	ssyncadd.s32 $0xFFFFEC00  }
0x52: {  	_ =	sfence.sel $0x180000  }
0x53: {  	[bflag:$0x0] =	sbarrier.arrive $0xFFFF  }
0x54: {  	p0 =	sne.s32 s0, $0x0;
	_ =	strace $0x90000053  }
0x55: {  	s0 =	sadd.s32 @!p0 $0x100000, s1;
	[bflag:$0x2] =	sbarrier.arrive $0xFFFF  }
0x56: {  	[sflag:s0] =	ssyncadd.tile.s32 @!p0 $0x1;
	_ =	shalt  }
.Lfunc_end2:
_tile_overlayer_lowered:
.L_overlay_start_2:
0x57: {  	(tag) =	ssettag $0x2  }
0x58: {  	s0 =	rddreg [dreg:$0x0];
	s2 =	stileid.u32  }
0x59: {  	s1 =	rddreg [dreg:$0x1];
	p0 =	sne.s32 s2, $0x0  }
0x5a: {  	s3 =	rddreg [dreg:$0x2];
	[bflag:$0x3] =	sbarrier.arrive $0xFFFF;
	s2 =	simm.s32 @!p0 $0x1C02  }
0x5b: {  	[timem:s3], [sflag:s2] =	dma.local @!p0 [hbm:s0], s1  }
0x5c: {  	s0 =	simm.s32 @!p0 $0x2  }
0x5d: {  	_ =	swait.ge @!p0 [sflag:s0], s1  }
0x5e: {  	s1 =	ssub.s32 @!p0 $0x0, s1;
	[sflag:s0] =	ssyncset.done @!p0 $0x0  }
0x5f: {  	[sflag:s0] =	ssyncadd.s32 @!p0 s1  }
0x60: {  	[bflag:$0x3] =	sbarrier.arrive $0xFFFF  }
0x61: {  	_ =	shalt  }

// kernel: kernel.15.cloned.1.call-start
scs
__scs_entry_jumppad:
0x0: {  	(pc) =	sbr.rel $0x88, $3  }
0x1: {  	(tag) =	ssettag $0x0;
	lr =	simm.s32 $0x1  }
0x2: {  	[smem:$0x3F84] =	sst lr;
	_ =	strace $0xD0000000  }
0x3: {  	_ = 	snop  }
0x4: {  	_ = 	snop  }
0x5: {  	_ = 	snop  }
0x6: {  	_ = 	snop  }
0x7: {  	_ = 	snop  }
__scs_overlays_trampoline_lowered:
0x8: {  	[smem:$0x3F93] =	sst s0  }
0x9: {  	[smem:$0x3F94] =	sst s1  }
0xa: {  	[smem:$0x3F95] =	sst s2  }
0xb: {  	[smem:$0x3F96] =	sst s3  }
0xc: {  	[smem:$0x3F97] =	sst s4  }
0xd: {  	[smem:$0x3F98] =	sst s5  }
0xe: {  	[smem:$0x3F99] =	sst s6  }
0xf: {  	[smem:$0x3F9A] =	sst s7  }
0x10: {  	[smem:$0x3F9B] =	sst s8  }
0x11: {  	[smem:$0x3F9C] =	sst s9;
	s0 =	simm.s32 @!p0 $0x0  }
0x12: {  	s1 =	sld [smem:$0x3F82];
	s0 =	simm.s32 @p0 $0x1  }
0x13: {  	[smem:$0x3F9D] =	sst s0;
	s0 =	simm.s32 @!p1 $0x0  }
0x14: {  	s2 =	sld [smem:$0x3F81];
	s0 =	simm.s32 @p1 $0x1  }
0x15: {  	[smem:$0x3F9E] =	sst s0;
	s0 =	simm.s32 @!p2 $0x0  }
0x16: {  	s3 =	sld [smem:$0x3FDB];
	s0 =	simm.s32 @p2 $0x1  }
0x17: {  	s4 =	simm.s32 $0x1BF5;
	[smem:$0x3FA0] =	sst s0  }
0x18: {  	s0 =	sld [smem:$0x3F83];
	_ =	swait.ge [sflag:s4], $0x0  }
0x19: {  	s7 =	sld [smem:$0x3F84]  }
0x1a: {  	s8 =	sadd.s32 $0xFFFFE003, lr  }
0x1b: {  	s9 =	sadd.s32 $0xFFFFFEF7, lr;
	s5 =	simm.s32 $0xFFFFFFFF;
	p2 =	slt.u32 s8, $0xFFFFF086  }
0x1c: {  	p1 =	slt.u32 s9, $0xF7A;
	s5 =	simm.s32 @!p2 $0x0  }
0x1d: {  	s5 =	simm.s32 @p1 $0x1;
	p0 =	seq.s32 s7, s2  }
0x1e: {  	s7 =	smul.u32 @!p0 $0xF7A, s2;
	p2 =	seq.s32 @!p0 s5, $0x0  }
0x1f: {  	s9 =	smul.u32 $0xF7A, s1;
	s8 =	simm.s32 @!p0 $0x1BF5;
	p2 =	por !p2, p0  }
0x20: {  	[sflag:s8] =	ssyncset.s32 @!p0 $0xFFFFF086;
	s6 =	sadd.s32 @!p0 s3, s7;
	s7 =	simm.s32 @!p0 $0x108  }
0x21: {  	s3 =	sadd.s32 s3, s9;
	s6 =	sadd.s32 @!p0 $0x88, s6;
	s7 =	simm.s32 @p2 $0x1082  }
0x22: {  	[simem:s7], [sflag:s8] =	dma.local @!p0 [hbm:s6], $0xF7A  }
0x23: {  	s9 =	sor.u32 $0xD0000000, s2;
	s6 =	simm.s32 $0x108;
	_ =	swait.ge @!p0 [sflag:s8], $0x0  }
0x24: {  	s3 =	sadd.s32 $0x88, s3;
	s6 =	simm.s32 @!p1 $0x1082;
	[sflag:s4] =	ssyncset.s32 $0xFFFFF086  }
0x25: {  	[simem:s6], [sflag:s4] =	dma.local [hbm:s3], $0xF7A  }
0x26: {  	[smem:$0x3F84] =	sst s1;
	(tag) =	ssettag s2;
	_ =	strace s9  }
0x27: {  	s1 =	sld [smem:$0x3F94]  }
0x28: {  	s2 =	sld [smem:$0x3F95]  }
0x29: {  	s4 =	sld [smem:$0x3F97]  }
0x2a: {  	p0 =	seq.s32 s5, $0x0;
	s5 =	sld [smem:$0x3F98]  }
0x2b: {  	s6 =	sld [smem:$0x3F99]  }
0x2c: {  	s7 =	sld [smem:$0x3F9A]  }
0x2d: {  	s3 =	simm.s32 $0x108;
	s8 =	sld [smem:$0x3F9B]  }
0x2e: {  	s3 =	simm.s32 @!p0 $0x1082;
	s9 =	sld [smem:$0x3F9C]  }
0x2f: {  	lr =	sadd.s32 s0, s3;
	s0 =	sld [smem:$0x3F93]  }
0x30: {  	s3 =	sld [smem:$0x3F96]  }
0x31: {  	[smem:$0x3F9F] =	sst s10  }
0x32: {  	s10 =	sld [smem:$0x3F9D];
	_ =	sdelay $0x3  }
0x33: {  	p0 =	seq.s32 s10, $0x1;
	s10 =	sld [smem:$0x3F9F];
	_ =	sdelay $0x3  }
0x34: {  	[smem:$0x3F9F] =	sst s10  }
0x35: {  	s10 =	sld [smem:$0x3F9E];
	_ =	sdelay $0x3  }
0x36: {  	p1 =	seq.s32 s10, $0x1;
	s10 =	sld [smem:$0x3F9F];
	_ =	sdelay $0x3  }
0x37: {  	[smem:$0x3F9F] =	sst s10  }
0x38: {  	s10 =	sld [smem:$0x3FA0]  }
0x39: {  	_ = 	snop;
	(pc) =	sbr.ind lr, $3  }
0x3a: {  	_ = 	snop  }
0x3b: {  	_ = 	snop  }
0x3c: {  	p2 =	seq.s32 s10, $0x1;
	s10 =	sld [smem:$0x3F9F]  }
0x3d: {  	_ =	shalt  }
0x3e: {  	_ =	shalt  }
0x3f: {  	_ =	shalt  }
0x40: {  	_ =	shalt  }
0x41: {  	_ =	shalt  }
0x42: {  	_ =	shalt  }
0x43: {  	_ =	shalt  }
0x44: {  	_ =	shalt  }
0x45: {  	_ =	shalt  }
0x46: {  	_ =	shalt  }
0x47: {  	_ =	shalt  }
0x48: {  	_ =	shalt  }
0x49: {  	_ =	shalt  }
0x4a: {  	_ =	shalt  }
0x4b: {  	_ =	shalt  }
0x4c: {  	_ =	shalt  }
0x4d: {  	_ =	shalt  }
0x4e: {  	_ =	shalt  }
0x4f: {  	_ =	shalt  }
0x50: {  	_ =	shalt  }
0x51: {  	_ =	shalt  }
0x52: {  	_ =	shalt  }
0x53: {  	_ =	shalt  }
0x54: {  	_ =	shalt  }
0x55: {  	_ =	shalt  }
0x56: {  	_ =	shalt  }
0x57: {  	_ =	shalt  }
0x58: {  	_ =	shalt  }
0x59: {  	_ =	shalt  }
0x5a: {  	_ =	shalt  }
0x5b: {  	_ =	shalt  }
0x5c: {  	_ =	shalt  }
0x5d: {  	_ =	shalt  }
0x5e: {  	_ =	shalt  }
0x5f: {  	_ =	shalt  }
0x60: {  	_ =	shalt  }
0x61: {  	_ =	shalt  }
0x62: {  	_ =	shalt  }
0x63: {  	_ =	shalt  }
0x64: {  	_ =	shalt  }
0x65: {  	_ =	shalt  }
0x66: {  	_ =	shalt  }
0x67: {  	_ =	shalt  }
0x68: {  	_ =	shalt  }
0x69: {  	_ =	shalt  }
0x6a: {  	_ =	shalt  }
0x6b: {  	_ =	shalt  }
0x6c: {  	_ =	shalt  }
0x6d: {  	_ =	shalt  }
0x6e: {  	_ =	shalt  }
0x6f: {  	_ =	shalt  }
0x70: {  	_ =	shalt  }
0x71: {  	_ =	shalt  }
0x72: {  	_ =	shalt  }
0x73: {  	_ =	shalt  }
0x74: {  	_ =	shalt  }
0x75: {  	_ =	shalt  }
0x76: {  	_ =	shalt  }
0x77: {  	_ =	shalt  }
0x78: {  	_ =	shalt  }
0x79: {  	_ =	shalt  }
0x7a: {  	_ =	shalt  }
0x7b: {  	_ =	shalt  }
0x7c: {  	_ =	shalt  }
0x7d: {  	_ =	shalt  }
0x7e: {  	_ =	shalt  }
0x7f: {  	_ =	shalt  }
0x80: {  	_ =	shalt  }
0x81: {  	_ =	shalt  }
0x82: {  	_ =	shalt  }
0x83: {  	_ =	shalt  }
0x84: {  	_ =	shalt  }
0x85: {  	_ =	shalt  }
0x86: {  	_ =	shalt  }
0x87: {  	_ =	shalt  }
.Lfunc_end0:
.L_simem_size_0:
called_computation.5_lowered:
.L_overlay_start_0:
0x88: {  	s2 =	sld [smem:$0x3FD9]  }
0x89: {  	s3 =	sld [smem:$0x3FFE];
	_ =	sdelay $0x1  }
0x8a: {  	s1 =	srdreg.scid  }
0x8b: {  	s0 =	sand.u32 $0x1, s1  }
0x8c: {  	s16 =	sshll.u32 s0, $0xA;
	s2 =	sadd.s32 s3, s2  }
0x8d: {  	s2 =	sadd.s32 s2, s16  }
0x8e: {  	[smem:$0x3FAB] =	sst s2  }
0x8f: {  	_ = 	snop  }
0x90: {  	(tm) =	ssettm $0x1  }
0x91: {  	s17 =	sld [smem:$0x3FFB];
	_ =	sdelay $0x3  }
0x92: {  	_ =	strace s17  }
0x93: {  	s2 =	sld [smem:$0x3FFC];
	_ =	sdelay $0x3  }
0x94: {  	_ =	strace s2  }
0x95: {  	s2 =	sld [smem:$0x3FFD];
	_ =	sdelay $0x3  }
0x96: {  	_ =	strace s2  }
0x97: {  	_ =	strace $0x8FFFFFFF  }
0x98: {  	s18 =	sld [smem:$0x3FDB];
	_ =	sdelay $0x1  }
0x99: {  	s19 =	simm.s32 $_scs_section_size  }
0x9a: {  	s4 =	simm.s32 $_size__tile_overlayer_lowered;
	s5 =	simm.s32 $_tile_overlayer_lowered  }
0x9b: {  	s22 =	simm.s32 $0x1BFF;
	s21 =	sshll.u32 s5, $0x1;
	s2 =	sadd.s32 s19, s18  }
0x9c: {  	s6 =	simm.s32 $0x0;
	s20 =	sshll.u32 s4, $0x1;
	s4 =	sadd.s32 s21, s2  }
0x9d: {  	[timem:s6], [sflag:s22] =	dma.local [hbm:s4], s20  }
0x9e: {  	_ =	swait.ge [sflag:s22], s20  }
0x9f: {  	s3 =	ssub.s32 $0x0, s20;
	[sflag:s22] =	ssyncset.done $0x0  }
0xa0: {  	[sflag:s22] =	ssyncadd.s32 s3;
	_ =	sdelay $0x1  }
0xa1: {  	s23 =	simm.s32 $0x1B8B  }
0xa2: {  	_ =	swait.ge [sflag:s23], $0x1  }
0xa3: {  	[sflag:s23] =	ssyncset.done $0x0  }
0xa4: {  	s25 =	simm.s32 $0x1B8E;
	s24 =	sld [smem:$0x3FFE];
	[sflag:s23] =	ssyncadd.s32 $0xFFFFFFFF  }
0xa5: {  	s26 =	simm.s32 $execute0_lowered;
	[smem:$0x3FD2] =	sst s25  }
0xa6: {  	s4 =	sshll.u32 s26, $0x1;
	_ =	strace $0x80000055;
	[dreg:$0x1] =	wrdreg $0xFFFFFFFF  }
0xa7: {  	s28 =	simm.s32 $_size_execute0_lowered;
	s2 =	sadd.s32 s2, s4;
	[dreg:$0x0] =	wrdreg $0x0  }
0xa8: {  	s4 =	sshll.u32 s28, $0x1;
	[dreg:$0x2] =	wrdreg s2  }
0xa9: {  	[dreg:$0x3] =	wrdreg s4  }
0xaa: {  	[dreg:$0x4] =	wrdreg $0xC0  }
0xab: {  	_ =	task [dreg:s6], $0x5FFFF  }
0xac: {  	[dreg:$0x1] =	wrdreg $0xFFFFFFFF  }
0xad: {  	[dreg:$0x0] =	wrdreg $0x60  }
0xae: {  	[dreg:$0x2] =	wrdreg s24  }
0xaf: {  	[dreg:$0x3] =	wrdreg $0x104000  }
0xb0: {  	[dreg:$0x4] =	wrdreg $0x9  }
0xb1: {  	_ =	task.clear_ibuf [dreg:s6], $0x5FFFF;
	_ =	strace $0x90000055  }
0xb2: {  	s29 =	simm.s32 $0x9;
	_ =	strace $0x80000057  }
0xb3: {  	_ =	swait.ge [sflag:s29], $0x1  }
0xb4: {  	[sflag:s29] =	ssyncadd.s32 $0xFFFFFFFF  }
0xb5: {  	_ =	strace $0x90000057  }
0xb6: {  	_ =	sfence  }
0xb7: {  	s30 =	sld [smem:$0x0];
	_ =	sdelay $0x2  }
0xb8: {  	s31 =	sshll.u32 s1, $0xD;
	s1 =	sshrl.u32 s1, $0x2  }
0xb9: {  	s3 =	sand.u32 $0x4000, s31;
	s1 =	sadd.s32 s1, s30  }
0xba: {  	s0 =	sor.u32 s3, s0;
	s1 =	sshll.u32 s1, $0x11  }
0xbb: {  	s0 =	sor.u32 s1, s0  }
0xbc: {  	s0 =	sadd.s32 $0x8F2B, s0  }
0xbd: {  	[sflag:s0] =	ssyncadd.remote.s32 $0x1  }
0xbe: {  	_ =	sfence.sel $0xFFFF  }
0xbf: {  	[dreg:$0x0] =	wrdreg $0xFFFFFFFF;
	(pc) =	sbr.abs _section_cstart, $3  }
0xc0: {  	[dreg:$0x1] =	wrdreg $0xFFFFFFFF  }
0xc1: {  	_ =	task.clear_ibuf [dreg:s6], $0x2FFFF;
	_ =	strace $0x9FFFFFFF  }
0xc2: {  	(tm) =	ssettm $0x7FFFFFFF  }
0xc3: {  	_ =	shalt  }
tec
execute0_lowered:
.L_overlay_start_1:
0x0: {  	(tag) =	ssettag $0x1  }
0x1: {  	s6 =	rddreg [dreg:$0x0];
	s1 =	srdreg.scid  }
0x2: {  	s0 =	stileid.u32;
	s2 =	rddreg [dreg:$0x1];
	s3 =	simm.s32 $0x0  }
0x3: {  	s16 =	simm.s32 $0x400;
	s17 =	simm.s32 $0x100;
	s18 =	simm.s32 $0x4400  }
0x4: {  	s19 =	simm.s32 $0x200;
	s20 =	simm.s32 $0x8400;
	s21 =	simm.s32 $0x1  }
0x5: {  	s22 =	simm.s32 $0x0;
	s7 =	sand.u32 $0x1, s1;
	s1 =	rddreg [dreg:$0x2]  }
0x6: {  	s4 =	sshll.u32 s0, $0x1;
	[smem:$0x7FF] =	sst s3;
	s10 =	smul.u32 $0x28000, s0  }
0x7: {  	s12 =	sadd.s32 $0x5400, s6;
	s5 =	sadd.s32 $0x43400, s6;
	s29 =	smul.u32 $0xB000, s0  }
0x8: {  	s8 =	sor.u32 s7, s4;
	s28 =	ssub.s32 $0x2, s7;
	s7 =	smul.u32 $0x5800, s7  }
0x9: {  	s31 =	sshll.u32 s0, $0x6;
	_ =	strace $0x80000056;
	s9 =	smul.u32 $0x1400, s8  }
0xa: {  	s8 =	smul.u32 $0x5800, s8;
	s13 =	sshrl.u32 s28, $0x1;
	s10 =	sshrl.u32 s10, $0x2  }
0xb: {  	s4 =	sadd.s32 $0x1B400, s6;
	s13 =	ssub.s32 s28, s13;
	s14 =	sadd.s32 s10, s2  }
0xc: {  	s11 =	sadd.s32 s9, s6;
	s30 =	sshrl.u32 s8, $0x3;
	s9 =	sadd.s32 s7, s29  }
0xd: {  	s7 =	sor.u32 $0x1C02, s31;
	s6 =	sadd.s32 s12, s30;
	s15 =	sor.u32 $0x300, s9  }
0xe: {  	s10 =	sadd.s32 $0x44800, s11;
	s11 =	smax.u32 s13, $0x1;
	s13 =	sshrl.u32 s14, $0x3  }
0xf: {  	s14 =	simm.s32 $0x2;
	s8 =	sadd.s32 $0x20, s6;
	s15 =	sshrl.u32 s15, $0x3  }
0x10: {  	s9 =	sadd.s32 $0x40, s6;
	s12 =	sadd.s32 s15, s12;
	s15 =	simm.s32 $0x80  }
.LBB2_1:
0x11: {  	[spmem:s13], [sflag:s7] =	dma.local [hbm:s5], $0x1400  }
0x12: {  	_ =	swait.ge [sflag:s14], $0x1400  }
0x13: {  	[sflag:s14] =	ssyncset.done $0x0  }
0x14: {  	[sflag:s14] =	ssyncadd.s32 $0xFFFFEC00  }
0x15: {  	[bflag:$0x0] =	sbarrier.arrive $0xFFFF  }
0x16: {  	[tilespmem:s3], [sflag:$0x2] =	stream.linear.gather [hbm4b:s6+s3], $0x100, $0x38;
	[tilespmem:$0x1A400] =	vst v63  }
0x17: {  	_ =	swait.ge [sflag:s14], $0x100  }
0x18: {  	[sflag:s14] =	ssyncset.done $0x0  }
0x19: {  	[sflag:s14] =	ssyncadd.s32 $0xFFFFFF00  }
0x1a: {  	[tilespmem:s16], [sflag:$0x1] =	stream.indirect.gather [hbm4b:s4+s15], $0x80, s3, s15, $0xb8;
	[tilespmem:$0x1A400] =	vst v63  }
0x1b: {  	_ = 	snop  }
0x1c: {  	[tilespmem:s17], [sflag:$0x2] =	stream.linear.gather [hbm4b:s8+s3], $0x100, $0x38;
	[tilespmem:$0x1A400] =	vst v63  }
0x1d: {  	_ =	swait.ge [sflag:s14], $0x100  }
0x1e: {  	[sflag:s14] =	ssyncset.done $0x0  }
0x1f: {  	[sflag:s14] =	ssyncadd.s32 $0xFFFFFF00  }
0x20: {  	[tilespmem:s18], [sflag:$0x1] =	stream.indirect.gather [hbm4b:s4+s15], $0x80, s17, s15, $0xb8;
	[tilespmem:$0x1A400] =	vst v63  }
0x21: {  	_ = 	snop  }
0x22: {  	[tilespmem:s19], [sflag:$0x2] =	stream.linear.gather [hbm4b:s9+s3], $0x100, $0x38;
	[tilespmem:$0x1A400] =	vst v63  }
0x23: {  	_ =	swait.ge [sflag:s14], $0x100  }
0x24: {  	s23 =	simm.s32 $0x3;
	p0 =	por $0x0, $0x0;
	[sflag:s14] =	ssyncset.done $0x0  }
0x25: {  	s24 =	simm.s32 $0x0;
	s23 =	sand.u32 @!p0 $0x3, s23;
	[sflag:s14] =	ssyncadd.s32 $0xFFFFFF00  }
0x26: {  	[tilespmem:s20], [sflag:$0x1] =	stream.indirect.gather [hbm4b:s4+s15], $0x80, s19, s15, $0xb8;
	[tilespmem:$0x1A400] =	vst v63  }
0x27: {  	s25 =	simm.s32 @!p0 $0x0;
	s28 =	simm.s32 @!p0 $0x2;
	s26 =	sshll.u32 @!p0 s23, $0x8  }
0x28: {  	[tilespmem:s26], [sflag:$0x2] =	stream.linear.gather @!p0 [hbm4b:s12+s25], $0x100, $0x38;
	[tilespmem:$0x1A400] =	vst v63  }
0x29: {  	s29 =	simm.s32 $0x4;
	s24 =	sand.u32 $0x3, s24;
	_ =	swait.ge @!p0 [sflag:s28], $0x100  }
0x2a: {  	s30 =	sshll.u32 s24, $0xE;
	s23 =	sshll.u32 @!p0 s23, $0xE;
	[sflag:s28] =	ssyncset.done @!p0 $0x0  }
0x2b: {  	s23 =	sor.u32 @!p0 $0x400, s23;
	[sflag:s28] =	ssyncadd.s32 @!p0 $0xFFFFFF00;
	s28 =	simm.s32 @!p0 $0x80  }
0x2c: {  	[tilespmem:s23], [sflag:$0x1] =	stream.indirect.gather @!p0 [hbm4b:s4+s28], $0x80, s26, s28, $0xb8;
	[tilespmem:$0x1A400] =	vst v63  }
0x2d: {  	s31 =	sshll.u32 s24, $0x8;
	s24 =	simm.s32 $0x5;
	_ =	swait.ge [sflag:s21], $0x4000  }
0x2e: {  	s25 =	sor.u32 $0x400, s30;
	s23 =	sadd.s32 $0x20, s12;
	[sflag:s21] =	ssyncset.done $0x0  }
0x2f: {  	s26 =	sor.u32 $0x80, s31;
	s28 =	simm.s32 $0x1;
	[sflag:s21] =	ssyncadd.s32 $0xFFFFC000  }
0x30: {  	[spmem:s2] =	stream.indirect.scatter.add.f32 [tilespmem:s25], [sflag:$0x2], $0x80, s26, s15, $0xb8;
	[tilespmem:$0x1A400] =	vst v63  }
0x31: {  	p0 =	por $0x0, $0x0;
	s25 =	sand.u32 $0x3, s28;
	_ =	swait.ge [sflag:s14], $0x4000  }
0x32: {  	s26 =	sand.u32 @!p0 $0x3, s29;
	s28 =	simm.s32 @!p0 $0x0;
	[sflag:s14] =	ssyncset.done $0x0  }
.LBB2_2:
0x33: {  	s29 =	sshll.u32 @!p0 s26, $0x8  }
0x34: {  	s30 =	simm.s32 @!p0 $0x2;
	[sflag:s14] =	ssyncadd.s32 $0xFFFFC000;
	s31 =	smov.u32 s24  }
0x35: {  	[tilespmem:s29], [sflag:$0x2] =	stream.linear.gather @!p0 [hbm4b:s23+s28], $0x100, $0x38;
	[tilespmem:$0x1A400] =	vst v63  }
0x36: {  	s28 =	sshll.u32 s25, $0xE;
	s25 =	sshll.u32 s25, $0x8;
	_ =	swait.ge @!p0 [sflag:s30], $0x100  }
0x37: {  	s24 =	sadd.s32 $0x1, s24;
	s26 =	sshll.u32 @!p0 s26, $0xE;
	[sflag:s30] =	ssyncset.done @!p0 $0x0  }
0x38: {  	s26 =	sor.u32 @!p0 $0x400, s26;
	[sflag:s30] =	ssyncadd.s32 @!p0 $0xFFFFFF00;
	s30 =	simm.s32 @!p0 $0x80  }
0x39: {  	[tilespmem:s26], [sflag:$0x1] =	stream.indirect.gather @!p0 [hbm4b:s4+s30], $0x80, s29, s30, $0xb8;
	[tilespmem:$0x1A400] =	vst v63  }
0x3a: {  	p1 =	sne.s32 s24, $0x5B;
	s23 =	sadd.s32 $0x20, s23;
	_ =	swait.ge [sflag:s21], $0x4000  }
.Ltmp0:
0x3b: {  	s25 =	sor.u32 $0x80, s25;
	[sflag:s21] =	ssyncset.done $0x0;
	(pc) =	sbr.rel @p1 .LBB2_2-.Ltmp0, $4  }
0x3c: {  	s28 =	sor.u32 $0x400, s28;
	s26 =	sadd.s32 $0xFFFFFFFD, s31;
	[sflag:s21] =	ssyncadd.s32 $0xFFFFC000  }
0x3d: {  	[spmem:s2] =	stream.indirect.scatter.add.f32 [tilespmem:s28], [sflag:$0x2], $0x80, s25, s15, $0xb8;
	[tilespmem:$0x1A400] =	vst v63  }
0x3e: {  	p0 =	sgt.u32 s26, $0x54;
	s25 =	sand.u32 $0x3, s26;
	_ =	swait.ge [sflag:s14], $0x4000  }
0x3f: {  	s26 =	sand.u32 @!p0 $0x3, s31;
	s28 =	simm.s32 @!p0 $0x0;
	[sflag:s14] =	ssyncset.done $0x0  }
0x40: {  	s24 =	sshll.u32 @!p0 s26, $0x8;
	s29 =	simm.s32 @!p0 $0x2;
	[sflag:s14] =	ssyncadd.s32 $0xFFFFC000  }
0x41: {  	[tilespmem:s24], [sflag:$0x2] =	stream.linear.gather @!p0 [hbm4b:s23+s28], $0x100, $0x38;
	[tilespmem:$0x1A400] =	vst v63  }
0x42: {  	_ =	swait.ge @!p0 [sflag:s29], $0x100  }
0x43: {  	s23 =	sshll.u32 @!p0 s26, $0xE;
	[sflag:s29] =	ssyncset.done @!p0 $0x0  }
0x44: {  	s26 =	simm.s32 @!p0 $0x80;
	s23 =	sor.u32 @!p0 $0x400, s23;
	[sflag:s29] =	ssyncadd.s32 @!p0 $0xFFFFFF00  }
0x45: {  	[tilespmem:s23], [sflag:$0x1] =	stream.indirect.gather @!p0 [hbm4b:s4+s26], $0x80, s24, s26, $0xb8;
	[tilespmem:$0x1A400] =	vst v63  }
0x46: {  	_ =	swait.ge [sflag:s21], $0x4000  }
0x47: {  	s30 =	sshll.u32 s25, $0xE;
	s31 =	sshll.u32 s25, $0x8;
	[sflag:s21] =	ssyncset.done $0x0  }
0x48: {  	s24 =	sor.u32 $0x80, s31;
	s23 =	sor.u32 $0x400, s30;
	[sflag:s21] =	ssyncadd.s32 $0xFFFFC000  }
0x49: {  	[spmem:s2] =	stream.indirect.scatter.add.f32 [tilespmem:s23], [sflag:$0x2], $0x80, s24, s15, $0xb8;
	[tilespmem:$0x1A400] =	vst v63  }
0x4a: {  	_ =	swait.ge [sflag:s14], $0x4000  }
0x4b: {  	s22 =	sadd.s32 $0x1, s22;
	[sflag:s14] =	ssyncset.done $0x0  }
0x4c: {  	p0 =	sne.s32 s22, s11;
	[sflag:s14] =	ssyncadd.s32 $0xFFFFC000  }
.Ltmp1:
0x4d: {  	[bflag:$0x0] =	sbarrier.arrive $0xFFFF;
	(pc) =	sbr.rel @p0 .LBB2_1-.Ltmp1, $4  }
0x4e: {  	[hbm:s10], [sflag:s7] =	dma.local [spmem:s13], $0x1400  }
0x4f: {  	_ =	swait.ge [sflag:s14], $0x1400  }
0x50: {  	[sflag:s14] =	ssyncset.done $0x0  }
0x51: {  	[sflag:s14] =	ssyncadd.s32 $0xFFFFEC00  }
0x52: {  	_ =	sfence.sel $0x180000  }
0x53: {  	[bflag:$0x0] =	sbarrier.arrive $0xFFFF  }
0x54: {  	p0 =	sne.s32 s0, $0x0;
	_ =	strace $0x90000056  }
0x55: {  	s0 =	sadd.s32 @!p0 $0x100000, s1;
	[bflag:$0x2] =	sbarrier.arrive $0xFFFF  }
0x56: {  	[sflag:s0] =	ssyncadd.tile.s32 @!p0 $0x1;
	_ =	shalt  }
.Lfunc_end2:
_tile_overlayer_lowered:
.L_overlay_start_2:
0x57: {  	(tag) =	ssettag $0x2  }
0x58: {  	s0 =	rddreg [dreg:$0x0];
	s2 =	stileid.u32  }
0x59: {  	s1 =	rddreg [dreg:$0x1];
	p0 =	sne.s32 s2, $0x0  }
0x5a: {  	s3 =	rddreg [dreg:$0x2];
	[bflag:$0x3] =	sbarrier.arrive $0xFFFF;
	s2 =	simm.s32 @!p0 $0x1C02  }
0x5b: {  	[timem:s3], [sflag:s2] =	dma.local @!p0 [hbm:s0], s1  }
0x5c: {  	s0 =	simm.s32 @!p0 $0x2  }
0x5d: {  	_ =	swait.ge @!p0 [sflag:s0], s1  }
0x5e: {  	s1 =	ssub.s32 @!p0 $0x0, s1;
	[sflag:s0] =	ssyncset.done @!p0 $0x0  }
0x5f: {  	[sflag:s0] =	ssyncadd.s32 @!p0 s1  }
0x60: {  	[bflag:$0x3] =	sbarrier.arrive $0xFFFF  }
0x61: {  	_ =	shalt  }

// kernel: kernel.9.cloned.1.call-start
scs
__scs_entry_jumppad:
0x0: {  	(pc) =	sbr.rel $0x88, $3  }
0x1: {  	(tag) =	ssettag $0x0;
	lr =	simm.s32 $0x1  }
0x2: {  	[smem:$0x3F84] =	sst lr;
	_ =	strace $0xD0000000  }
0x3: {  	_ = 	snop  }
0x4: {  	_ = 	snop  }
0x5: {  	_ = 	snop  }
0x6: {  	_ = 	snop  }
0x7: {  	_ = 	snop  }
__scs_overlays_trampoline_lowered:
0x8: {  	[smem:$0x3F93] =	sst s0  }
0x9: {  	[smem:$0x3F94] =	sst s1  }
0xa: {  	[smem:$0x3F95] =	sst s2  }
0xb: {  	[smem:$0x3F96] =	sst s3  }
0xc: {  	[smem:$0x3F97] =	sst s4  }
0xd: {  	[smem:$0x3F98] =	sst s5  }
0xe: {  	[smem:$0x3F99] =	sst s6  }
0xf: {  	[smem:$0x3F9A] =	sst s7  }
0x10: {  	[smem:$0x3F9B] =	sst s8  }
0x11: {  	[smem:$0x3F9C] =	sst s9;
	s0 =	simm.s32 @!p0 $0x0  }
0x12: {  	s1 =	sld [smem:$0x3F82];
	s0 =	simm.s32 @p0 $0x1  }
0x13: {  	[smem:$0x3F9D] =	sst s0;
	s0 =	simm.s32 @!p1 $0x0  }
0x14: {  	s2 =	sld [smem:$0x3F81];
	s0 =	simm.s32 @p1 $0x1  }
0x15: {  	[smem:$0x3F9E] =	sst s0;
	s0 =	simm.s32 @!p2 $0x0  }
0x16: {  	s3 =	sld [smem:$0x3FDB];
	s0 =	simm.s32 @p2 $0x1  }
0x17: {  	s4 =	simm.s32 $0x1BF5;
	[smem:$0x3FA0] =	sst s0  }
0x18: {  	s0 =	sld [smem:$0x3F83];
	_ =	swait.ge [sflag:s4], $0x0  }
0x19: {  	s7 =	sld [smem:$0x3F84]  }
0x1a: {  	s8 =	sadd.s32 $0xFFFFE003, lr  }
0x1b: {  	s9 =	sadd.s32 $0xFFFFFEF7, lr;
	s5 =	simm.s32 $0xFFFFFFFF;
	p2 =	slt.u32 s8, $0xFFFFF086  }
0x1c: {  	p1 =	slt.u32 s9, $0xF7A;
	s5 =	simm.s32 @!p2 $0x0  }
0x1d: {  	s5 =	simm.s32 @p1 $0x1;
	p0 =	seq.s32 s7, s2  }
0x1e: {  	s7 =	smul.u32 @!p0 $0xF7A, s2;
	p2 =	seq.s32 @!p0 s5, $0x0  }
0x1f: {  	s9 =	smul.u32 $0xF7A, s1;
	s8 =	simm.s32 @!p0 $0x1BF5;
	p2 =	por !p2, p0  }
0x20: {  	[sflag:s8] =	ssyncset.s32 @!p0 $0xFFFFF086;
	s6 =	sadd.s32 @!p0 s3, s7;
	s7 =	simm.s32 @!p0 $0x108  }
0x21: {  	s3 =	sadd.s32 s3, s9;
	s6 =	sadd.s32 @!p0 $0x88, s6;
	s7 =	simm.s32 @p2 $0x1082  }
0x22: {  	[simem:s7], [sflag:s8] =	dma.local @!p0 [hbm:s6], $0xF7A  }
0x23: {  	s9 =	sor.u32 $0xD0000000, s2;
	s6 =	simm.s32 $0x108;
	_ =	swait.ge @!p0 [sflag:s8], $0x0  }
0x24: {  	s3 =	sadd.s32 $0x88, s3;
	s6 =	simm.s32 @!p1 $0x1082;
	[sflag:s4] =	ssyncset.s32 $0xFFFFF086  }
0x25: {  	[simem:s6], [sflag:s4] =	dma.local [hbm:s3], $0xF7A  }
0x26: {  	[smem:$0x3F84] =	sst s1;
	(tag) =	ssettag s2;
	_ =	strace s9  }
0x27: {  	s1 =	sld [smem:$0x3F94]  }
0x28: {  	s2 =	sld [smem:$0x3F95]  }
0x29: {  	s4 =	sld [smem:$0x3F97]  }
0x2a: {  	p0 =	seq.s32 s5, $0x0;
	s5 =	sld [smem:$0x3F98]  }
0x2b: {  	s6 =	sld [smem:$0x3F99]  }
0x2c: {  	s7 =	sld [smem:$0x3F9A]  }
0x2d: {  	s3 =	simm.s32 $0x108;
	s8 =	sld [smem:$0x3F9B]  }
0x2e: {  	s3 =	simm.s32 @!p0 $0x1082;
	s9 =	sld [smem:$0x3F9C]  }
0x2f: {  	lr =	sadd.s32 s0, s3;
	s0 =	sld [smem:$0x3F93]  }
0x30: {  	s3 =	sld [smem:$0x3F96]  }
0x31: {  	[smem:$0x3F9F] =	sst s10  }
0x32: {  	s10 =	sld [smem:$0x3F9D];
	_ =	sdelay $0x3  }
0x33: {  	p0 =	seq.s32 s10, $0x1;
	s10 =	sld [smem:$0x3F9F];
	_ =	sdelay $0x3  }
0x34: {  	[smem:$0x3F9F] =	sst s10  }
0x35: {  	s10 =	sld [smem:$0x3F9E];
	_ =	sdelay $0x3  }
0x36: {  	p1 =	seq.s32 s10, $0x1;
	s10 =	sld [smem:$0x3F9F];
	_ =	sdelay $0x3  }
0x37: {  	[smem:$0x3F9F] =	sst s10  }
0x38: {  	s10 =	sld [smem:$0x3FA0]  }
0x39: {  	_ = 	snop;
	(pc) =	sbr.ind lr, $3  }
0x3a: {  	_ = 	snop  }
0x3b: {  	_ = 	snop  }
0x3c: {  	p2 =	seq.s32 s10, $0x1;
	s10 =	sld [smem:$0x3F9F]  }
0x3d: {  	_ =	shalt  }
0x3e: {  	_ =	shalt  }
0x3f: {  	_ =	shalt  }
0x40: {  	_ =	shalt  }
0x41: {  	_ =	shalt  }
0x42: {  	_ =	shalt  }
0x43: {  	_ =	shalt  }
0x44: {  	_ =	shalt  }
0x45: {  	_ =	shalt  }
0x46: {  	_ =	shalt  }
0x47: {  	_ =	shalt  }
0x48: {  	_ =	shalt  }
0x49: {  	_ =	shalt  }
0x4a: {  	_ =	shalt  }
0x4b: {  	_ =	shalt  }
0x4c: {  	_ =	shalt  }
0x4d: {  	_ =	shalt  }
0x4e: {  	_ =	shalt  }
0x4f: {  	_ =	shalt  }
0x50: {  	_ =	shalt  }
0x51: {  	_ =	shalt  }
0x52: {  	_ =	shalt  }
0x53: {  	_ =	shalt  }
0x54: {  	_ =	shalt  }
0x55: {  	_ =	shalt  }
0x56: {  	_ =	shalt  }
0x57: {  	_ =	shalt  }
0x58: {  	_ =	shalt  }
0x59: {  	_ =	shalt  }
0x5a: {  	_ =	shalt  }
0x5b: {  	_ =	shalt  }
0x5c: {  	_ =	shalt  }
0x5d: {  	_ =	shalt  }
0x5e: {  	_ =	shalt  }
0x5f: {  	_ =	shalt  }
0x60: {  	_ =	shalt  }
0x61: {  	_ =	shalt  }
0x62: {  	_ =	shalt  }
0x63: {  	_ =	shalt  }
0x64: {  	_ =	shalt  }
0x65: {  	_ =	shalt  }
0x66: {  	_ =	shalt  }
0x67: {  	_ =	shalt  }
0x68: {  	_ =	shalt  }
0x69: {  	_ =	shalt  }
0x6a: {  	_ =	shalt  }
0x6b: {  	_ =	shalt  }
0x6c: {  	_ =	shalt  }
0x6d: {  	_ =	shalt  }
0x6e: {  	_ =	shalt  }
0x6f: {  	_ =	shalt  }
0x70: {  	_ =	shalt  }
0x71: {  	_ =	shalt  }
0x72: {  	_ =	shalt  }
0x73: {  	_ =	shalt  }
0x74: {  	_ =	shalt  }
0x75: {  	_ =	shalt  }
0x76: {  	_ =	shalt  }
0x77: {  	_ =	shalt  }
0x78: {  	_ =	shalt  }
0x79: {  	_ =	shalt  }
0x7a: {  	_ =	shalt  }
0x7b: {  	_ =	shalt  }
0x7c: {  	_ =	shalt  }
0x7d: {  	_ =	shalt  }
0x7e: {  	_ =	shalt  }
0x7f: {  	_ =	shalt  }
0x80: {  	_ =	shalt  }
0x81: {  	_ =	shalt  }
0x82: {  	_ =	shalt  }
0x83: {  	_ =	shalt  }
0x84: {  	_ =	shalt  }
0x85: {  	_ =	shalt  }
0x86: {  	_ =	shalt  }
0x87: {  	_ =	shalt  }
.Lfunc_end0:
.L_simem_size_0:
called_computation.3_lowered:
.L_overlay_start_0:
0x88: {  	s2 =	sld [smem:$0x3FD9]  }
0x89: {  	s3 =	sld [smem:$0x3FFE];
	_ =	sdelay $0x1  }
0x8a: {  	s1 =	srdreg.scid  }
0x8b: {  	s0 =	sand.u32 $0x1, s1  }
0x8c: {  	s16 =	sshll.u32 s0, $0xA;
	s2 =	sadd.s32 s3, s2  }
0x8d: {  	s2 =	sadd.s32 s2, s16  }
0x8e: {  	[smem:$0x3FAB] =	sst s2  }
0x8f: {  	_ = 	snop  }
0x90: {  	(tm) =	ssettm $0x1  }
0x91: {  	s17 =	sld [smem:$0x3FFB];
	_ =	sdelay $0x3  }
0x92: {  	_ =	strace s17  }
0x93: {  	s2 =	sld [smem:$0x3FFC];
	_ =	sdelay $0x3  }
0x94: {  	_ =	strace s2  }
0x95: {  	s2 =	sld [smem:$0x3FFD];
	_ =	sdelay $0x3  }
0x96: {  	_ =	strace s2  }
0x97: {  	_ =	strace $0x8FFFFFFF  }
0x98: {  	s18 =	sld [smem:$0x3FDB];
	_ =	sdelay $0x1  }
0x99: {  	s19 =	simm.s32 $_scs_section_size  }
0x9a: {  	s4 =	simm.s32 $_size__tile_overlayer_lowered;
	s5 =	simm.s32 $_tile_overlayer_lowered  }
0x9b: {  	s22 =	simm.s32 $0x1BFF;
	s21 =	sshll.u32 s5, $0x1;
	s2 =	sadd.s32 s19, s18  }
0x9c: {  	s6 =	simm.s32 $0x0;
	s20 =	sshll.u32 s4, $0x1;
	s4 =	sadd.s32 s21, s2  }
0x9d: {  	[timem:s6], [sflag:s22] =	dma.local [hbm:s4], s20  }
0x9e: {  	_ =	swait.ge [sflag:s22], s20  }
0x9f: {  	s3 =	ssub.s32 $0x0, s20;
	[sflag:s22] =	ssyncset.done $0x0  }
0xa0: {  	[sflag:s22] =	ssyncadd.s32 s3;
	_ =	sdelay $0x1  }
0xa1: {  	s23 =	simm.s32 $0x1B8B  }
0xa2: {  	_ =	swait.ge [sflag:s23], $0x1  }
0xa3: {  	[sflag:s23] =	ssyncset.done $0x0  }
0xa4: {  	s25 =	simm.s32 $0x1B8E;
	s24 =	sld [smem:$0x3FFE];
	[sflag:s23] =	ssyncadd.s32 $0xFFFFFFFF  }
0xa5: {  	s26 =	simm.s32 $execute0_lowered;
	[smem:$0x3FD2] =	sst s25  }
0xa6: {  	s4 =	sshll.u32 s26, $0x1;
	_ =	strace $0x8000004F;
	[dreg:$0x1] =	wrdreg $0xFFFFFFFF  }
0xa7: {  	s28 =	simm.s32 $_size_execute0_lowered;
	s2 =	sadd.s32 s2, s4;
	[dreg:$0x0] =	wrdreg $0x0  }
0xa8: {  	s4 =	sshll.u32 s28, $0x1;
	[dreg:$0x2] =	wrdreg s2  }
0xa9: {  	[dreg:$0x3] =	wrdreg s4  }
0xaa: {  	[dreg:$0x4] =	wrdreg $0xC0  }
0xab: {  	_ =	task [dreg:s6], $0x5FFFF  }
0xac: {  	[dreg:$0x1] =	wrdreg $0xFFFFFFFF  }
0xad: {  	[dreg:$0x0] =	wrdreg $0x60  }
0xae: {  	[dreg:$0x2] =	wrdreg s24  }
0xaf: {  	[dreg:$0x3] =	wrdreg $0x124000  }
0xb0: {  	[dreg:$0x4] =	wrdreg $0x9  }
0xb1: {  	_ =	task.clear_ibuf [dreg:s6], $0x5FFFF;
	_ =	strace $0x9000004F  }
0xb2: {  	s29 =	simm.s32 $0x9;
	_ =	strace $0x80000051  }
0xb3: {  	_ =	swait.ge [sflag:s29], $0x1  }
0xb4: {  	[sflag:s29] =	ssyncadd.s32 $0xFFFFFFFF  }
0xb5: {  	_ =	strace $0x90000051  }
0xb6: {  	_ =	sfence  }
0xb7: {  	s30 =	sld [smem:$0x0];
	_ =	sdelay $0x2  }
0xb8: {  	s31 =	sshll.u32 s1, $0xD;
	s1 =	sshrl.u32 s1, $0x2  }
0xb9: {  	s3 =	sand.u32 $0x4000, s31;
	s1 =	sadd.s32 s1, s30  }
0xba: {  	s0 =	sor.u32 s3, s0;
	s1 =	sshll.u32 s1, $0x11  }
0xbb: {  	s0 =	sor.u32 s1, s0  }
0xbc: {  	s0 =	sadd.s32 $0x8F2B, s0  }
0xbd: {  	[sflag:s0] =	ssyncadd.remote.s32 $0x1  }
0xbe: {  	_ =	sfence.sel $0xFFFF  }
0xbf: {  	[dreg:$0x0] =	wrdreg $0xFFFFFFFF;
	(pc) =	sbr.abs _section_cstart, $3  }
0xc0: {  	[dreg:$0x1] =	wrdreg $0xFFFFFFFF  }
0xc1: {  	_ =	task.clear_ibuf [dreg:s6], $0x2FFFF;
	_ =	strace $0x9FFFFFFF  }
0xc2: {  	(tm) =	ssettm $0x7FFFFFFF  }
0xc3: {  	_ =	shalt  }
tec
execute0_lowered:
.L_overlay_start_1:
0x0: {  	(tag) =	ssettag $0x1  }
0x1: {  	s6 =	rddreg [dreg:$0x0]  }
0x2: {  	s2 =	rddreg [dreg:$0x1]  }
0x3: {  	s0 =	rddreg [dreg:$0x2]  }
0x4: {  	s4 =	srdreg.scid;
	s1 =	stileid.u32  }
0x5: {  	s3 =	simm.s32 $0x0;
	s16 =	simm.s32 $0x400;
	s17 =	simm.s32 $0x100  }
0x6: {  	s18 =	simm.s32 $0x4C00;
	s19 =	simm.s32 $0x200;
	s20 =	simm.s32 $0x9400  }
0x7: {  	s21 =	simm.s32 $0x1;
	s22 =	simm.s32 $0x0;
	s7 =	sand.u32 $0x1, s4  }
0x8: {  	s26 =	sshll.u32 s1, $0x1;
	[smem:$0x7FF] =	sst s3;
	s10 =	smul.u32 $0x2D000, s1  }
0x9: {  	s4 =	sadd.s32 $0x30BC00, s6;
	s12 =	sadd.s32 $0x5400, s6;
	s29 =	smul.u32 $0xB000, s1  }
0xa: {  	s8 =	sor.u32 s7, s26;
	s28 =	ssub.s32 $0x2, s7;
	s7 =	smul.u32 $0x5800, s7  }
0xb: {  	s5 =	sadd.s32 $0x1B400, s6;
	s31 =	sshll.u32 s1, $0x6;
	s9 =	smul.u32 $0x1680, s8  }
0xc: {  	s8 =	smul.u32 $0x5800, s8;
	s13 =	sshrl.u32 s28, $0x1;
	s10 =	sshrl.u32 s10, $0x2  }
0xd: {  	_ =	strace $0x80000050;
	s13 =	ssub.s32 s28, s13;
	s14 =	sadd.s32 s10, s2  }
0xe: {  	s11 =	sadd.s32 s9, s6;
	s30 =	sshrl.u32 s8, $0x3;
	s9 =	sadd.s32 s7, s29  }
0xf: {  	s7 =	sor.u32 $0x1C02, s31;
	s6 =	sadd.s32 s12, s30;
	s15 =	sor.u32 $0x300, s9  }
0x10: {  	s10 =	sadd.s32 $0x1CC00, s11;
	s11 =	smax.u32 s13, $0x1;
	s13 =	sshrl.u32 s14, $0x3  }
0x11: {  	s14 =	simm.s32 $0x2;
	s8 =	sadd.s32 $0x20, s6;
	s15 =	sshrl.u32 s15, $0x3  }
0x12: {  	s9 =	sadd.s32 $0x40, s6;
	s12 =	sadd.s32 s15, s12;
	s15 =	simm.s32 $0x80  }
.LBB2_1:
0x13: {  	[spmem:s13], [sflag:s7] =	dma.local [hbm:s5], $0x1680  }
0x14: {  	_ =	swait.ge [sflag:s14], $0x1680  }
0x15: {  	[sflag:s14] =	ssyncset.done $0x0  }
0x16: {  	[sflag:s14] =	ssyncadd.s32 $0xFFFFE980  }
0x17: {  	[bflag:$0x0] =	sbarrier.arrive $0xFFFF  }
0x18: {  	[tilespmem:s3], [sflag:$0x2] =	stream.linear.gather [hbm4b:s6+s3], $0x100, $0x38;
	[tilespmem:$0x1D800] =	vst v63  }
0x19: {  	_ =	swait.ge [sflag:s14], $0x100  }
0x1a: {  	[sflag:s14] =	ssyncset.done $0x0  }
0x1b: {  	[sflag:s14] =	ssyncadd.s32 $0xFFFFFF00  }
0x1c: {  	[tilespmem:s16], [sflag:$0x1] =	stream.indirect.gather [hbm4b:s4+s15], $0x90, s3, s15, $0xb8;
	[tilespmem:$0x1D800] =	vst v63  }
0x1d: {  	_ = 	snop  }
0x1e: {  	[tilespmem:s17], [sflag:$0x2] =	stream.linear.gather [hbm4b:s8+s3], $0x100, $0x38;
	[tilespmem:$0x1D800] =	vst v63  }
0x1f: {  	_ =	swait.ge [sflag:s14], $0x100  }
0x20: {  	[sflag:s14] =	ssyncset.done $0x0  }
0x21: {  	[sflag:s14] =	ssyncadd.s32 $0xFFFFFF00  }
0x22: {  	[tilespmem:s18], [sflag:$0x1] =	stream.indirect.gather [hbm4b:s4+s15], $0x90, s17, s15, $0xb8;
	[tilespmem:$0x1D800] =	vst v63  }
0x23: {  	_ = 	snop  }
0x24: {  	[tilespmem:s19], [sflag:$0x2] =	stream.linear.gather [hbm4b:s9+s3], $0x100, $0x38;
	[tilespmem:$0x1D800] =	vst v63  }
0x25: {  	_ =	swait.ge [sflag:s14], $0x100  }
0x26: {  	s23 =	simm.s32 $0x3;
	p0 =	por $0x0, $0x0;
	[sflag:s14] =	ssyncset.done $0x0  }
0x27: {  	s23 =	sand.u32 @!p0 $0x3, s23;
	s24 =	simm.s32 @!p0 $0x2;
	[sflag:s14] =	ssyncadd.s32 $0xFFFFFF00  }
0x28: {  	[tilespmem:s20], [sflag:$0x1] =	stream.indirect.gather [hbm4b:s4+s15], $0x90, s19, s15, $0xb8;
	[tilespmem:$0x1D800] =	vst v63  }
0x29: {  	s26 =	simm.s32 @!p0 $0x0;
	s25 =	sshll.u32 @!p0 s23, $0x8;
	s23 =	smul.u32 @!p0 $0x12000, s23  }
0x2a: {  	[tilespmem:s25], [sflag:$0x2] =	stream.linear.gather @!p0 [hbm4b:s12+s26], $0x100, $0x38;
	[tilespmem:$0x1D800] =	vst v63  }
0x2b: {  	s29 =	simm.s32 $0x0;
	s23 =	sshrl.u32 @!p0 s23, $0x2;
	_ =	swait.ge @!p0 [sflag:s24], $0x100  }
0x2c: {  	s23 =	sor.u32 @!p0 $0x400, s23;
	s26 =	sand.u32 $0x3, s29;
	[sflag:s24] =	ssyncset.done @!p0 $0x0  }
0x2d: {  	s28 =	smul.u32 $0x12000, s26;
	[sflag:s24] =	ssyncadd.s32 @!p0 $0xFFFFFF00;
	s24 =	simm.s32 @!p0 $0x80  }
0x2e: {  	[tilespmem:s23], [sflag:$0x1] =	stream.indirect.gather @!p0 [hbm4b:s4+s24], $0x90, s25, s24, $0xb8;
	[tilespmem:$0x1D800] =	vst v63  }
0x2f: {  	s31 =	simm.s32 $0x1;
	s26 =	sshll.u32 s26, $0x8;
	_ =	swait.ge [sflag:s21], $0x4800  }
0x30: {  	s26 =	sor.u32 $0x80, s26;
	s30 =	sshrl.u32 s28, $0x2;
	[sflag:s21] =	ssyncset.done $0x0  }
0x31: {  	s24 =	simm.s32 $0x4;
	s25 =	sor.u32 $0x400, s30;
	[sflag:s21] =	ssyncadd.s32 $0xFFFFB800  }
0x32: {  	[spmem:s2] =	stream.indirect.scatter.add.f32 [tilespmem:s25], [sflag:$0x2], $0x90, s26, s15, $0xb8;
	[tilespmem:$0x1D800] =	vst v63  }
0x33: {  	s23 =	simm.s32 $0x5;
	p0 =	por $0x0, $0x0;
	_ =	swait.ge [sflag:s14], $0x4800  }
0x34: {  	s25 =	sadd.s32 $0x20, s12;
	s26 =	sand.u32 $0x3, s31;
	[sflag:s14] =	ssyncset.done $0x0  }
.LBB2_2:
0x35: {  	s28 =	sand.u32 @!p0 $0x3, s24  }
0x36: {  	s29 =	simm.s32 @!p0 $0x2;
	[sflag:s14] =	ssyncadd.s32 $0xFFFFB800;
	s24 =	smov.u32 s23  }
0x37: {  	s31 =	simm.s32 @!p0 $0x0;
	s30 =	sshll.u32 @!p0 s28, $0x8;
	s28 =	smul.u32 @!p0 $0x12000, s28  }
0x38: {  	[tilespmem:s30], [sflag:$0x2] =	stream.linear.gather @!p0 [hbm4b:s25+s31], $0x100, $0x38;
	[tilespmem:$0x1D800] =	vst v63  }
0x39: {  	s23 =	sadd.s32 $0x1, s23;
	_ =	swait.ge @!p0 [sflag:s29], $0x100;
	s28 =	sshrl.u32 @!p0 s28, $0x2  }
0x3a: {  	p1 =	sne.s32 s23, $0x5B;
	[sflag:s29] =	ssyncset.done @!p0 $0x0;
	s28 =	sor.u32 @!p0 $0x400, s28  }
0x3b: {  	s31 =	smul.u32 $0x12000, s26;
	[sflag:s29] =	ssyncadd.s32 @!p0 $0xFFFFFF00;
	s29 =	simm.s32 @!p0 $0x80  }
0x3c: {  	[tilespmem:s28], [sflag:$0x1] =	stream.indirect.gather @!p0 [hbm4b:s4+s29], $0x90, s30, s29, $0xb8;
	[tilespmem:$0x1D800] =	vst v63  }
0x3d: {  	s28 =	sshrl.u32 s31, $0x2;
	_ =	swait.ge [sflag:s21], $0x4800  }
.Ltmp0:
0x3e: {  	s26 =	sshll.u32 s26, $0x8;
	[sflag:s21] =	ssyncset.done $0x0;
	(pc) =	sbr.rel @p1 .LBB2_2-.Ltmp0, $4  }
0x3f: {  	s26 =	sor.u32 $0x80, s26;
	s28 =	sor.u32 $0x400, s28;
	[sflag:s21] =	ssyncadd.s32 $0xFFFFB800  }
0x40: {  	[spmem:s2] =	stream.indirect.scatter.add.f32 [tilespmem:s28], [sflag:$0x2], $0x90, s26, s15, $0xb8;
	[tilespmem:$0x1D800] =	vst v63  }
0x41: {  	s25 =	sadd.s32 $0x20, s25;
	s28 =	sadd.s32 $0xFFFFFFFD, s24;
	_ =	swait.ge [sflag:s14], $0x4800  }
0x42: {  	s26 =	sand.u32 $0x3, s28;
	p0 =	sgt.u32 s28, $0x54;
	[sflag:s14] =	ssyncset.done $0x0  }
0x43: {  	s23 =	sand.u32 @!p0 $0x3, s24;
	s24 =	simm.s32 @!p0 $0x2;
	[sflag:s14] =	ssyncadd.s32 $0xFFFFB800  }
0x44: {  	s29 =	simm.s32 @!p0 $0x0;
	s28 =	sshll.u32 @!p0 s23, $0x8;
	s23 =	smul.u32 @!p0 $0x12000, s23  }
0x45: {  	[tilespmem:s28], [sflag:$0x2] =	stream.linear.gather @!p0 [hbm4b:s25+s29], $0x100, $0x38;
	[tilespmem:$0x1D800] =	vst v63  }
0x46: {  	_ =	swait.ge @!p0 [sflag:s24], $0x100  }
0x47: {  	s29 =	smul.u32 $0x12000, s26;
	s23 =	sshrl.u32 @!p0 s23, $0x2;
	[sflag:s24] =	ssyncset.done @!p0 $0x0  }
0x48: {  	s23 =	sor.u32 @!p0 $0x400, s23;
	[sflag:s24] =	ssyncadd.s32 @!p0 $0xFFFFFF00;
	s24 =	simm.s32 @!p0 $0x80  }
0x49: {  	[tilespmem:s23], [sflag:$0x1] =	stream.indirect.gather @!p0 [hbm4b:s4+s24], $0x90, s28, s24, $0xb8;
	[tilespmem:$0x1D800] =	vst v63  }
0x4a: {  	_ =	swait.ge [sflag:s21], $0x4800  }
0x4b: {  	s31 =	sshll.u32 s26, $0x8;
	s30 =	sshrl.u32 s29, $0x2;
	[sflag:s21] =	ssyncset.done $0x0  }
0x4c: {  	s23 =	sor.u32 $0x400, s30;
	s24 =	sor.u32 $0x80, s31;
	[sflag:s21] =	ssyncadd.s32 $0xFFFFB800  }
0x4d: {  	[spmem:s2] =	stream.indirect.scatter.add.f32 [tilespmem:s23], [sflag:$0x2], $0x90, s24, s15, $0xb8;
	[tilespmem:$0x1D800] =	vst v63  }
0x4e: {  	_ =	swait.ge [sflag:s14], $0x4800  }
0x4f: {  	s22 =	sadd.s32 $0x1, s22;
	[sflag:s14] =	ssyncset.done $0x0  }
0x50: {  	p0 =	sne.s32 s22, s11;
	[sflag:s14] =	ssyncadd.s32 $0xFFFFB800  }
.Ltmp1:
0x51: {  	[bflag:$0x0] =	sbarrier.arrive $0xFFFF;
	(pc) =	sbr.rel @p0 .LBB2_1-.Ltmp1, $4  }
0x52: {  	[hbm:s10], [sflag:s7] =	dma.local [spmem:s13], $0x1680  }
0x53: {  	_ =	swait.ge [sflag:s14], $0x1680  }
0x54: {  	[sflag:s14] =	ssyncset.done $0x0  }
0x55: {  	[sflag:s14] =	ssyncadd.s32 $0xFFFFE980  }
0x56: {  	_ =	sfence.sel $0x180000  }
0x57: {  	[bflag:$0x0] =	sbarrier.arrive $0xFFFF  }
0x58: {  	p0 =	sne.s32 s1, $0x0;
	_ =	strace $0x90000050  }
0x59: {  	s0 =	sadd.s32 @!p0 $0x100000, s0;
	[bflag:$0x2] =	sbarrier.arrive $0xFFFF  }
0x5a: {  	[sflag:s0] =	ssyncadd.tile.s32 @!p0 $0x1;
	_ =	shalt  }
.Lfunc_end2:
_tile_overlayer_lowered:
.L_overlay_start_2:
0x5b: {  	(tag) =	ssettag $0x2  }
0x5c: {  	s0 =	rddreg [dreg:$0x0];
	s2 =	stileid.u32  }
0x5d: {  	s1 =	rddreg [dreg:$0x1];
	p0 =	sne.s32 s2, $0x0  }
0x5e: {  	s3 =	rddreg [dreg:$0x2];
	[bflag:$0x3] =	sbarrier.arrive $0xFFFF;
	s2 =	simm.s32 @!p0 $0x1C02  }
0x5f: {  	[timem:s3], [sflag:s2] =	dma.local @!p0 [hbm:s0], s1  }
0x60: {  	s0 =	simm.s32 @!p0 $0x2  }
0x61: {  	_ =	swait.ge @!p0 [sflag:s0], s1  }
0x62: {  	s1 =	ssub.s32 @!p0 $0x0, s1;
	[sflag:s0] =	ssyncset.done @!p0 $0x0  }
0x63: {  	[sflag:s0] =	ssyncadd.s32 @!p0 s1  }
0x64: {  	[bflag:$0x3] =	sbarrier.arrive $0xFFFF  }
0x65: {  	_ =	shalt  }

// kernel: sparse-core-data-format-call.1.cloned.1.call-start
scs
called_computation.1_lowered:
.L_overlay_start_0:
0x0: {  	s1 =	sld [smem:$0x3FD9]  }
0x1: {  	s2 =	sld [smem:$0x3FFE];
	_ =	sdelay $0x1  }
0x2: {  	s3 =	srdreg.scid  }
0x3: {  	s0 =	sand.u32 $0x1, s3  }
0x4: {  	s17 =	sshll.u32 s0, $0xA;
	s1 =	sadd.s32 s2, s1  }
0x5: {  	s1 =	sadd.s32 s1, s17  }
0x6: {  	[smem:$0x3FAB] =	sst s1  }
0x7: {  	_ = 	snop  }
0x8: {  	(tm) =	ssettm $0x1  }
0x9: {  	s18 =	sld [smem:$0x3FFB];
	_ =	sdelay $0x3  }
0xa: {  	_ =	strace s18  }
0xb: {  	s1 =	sld [smem:$0x3FFC];
	_ =	sdelay $0x3  }
0xc: {  	_ =	strace s1  }
0xd: {  	s1 =	sld [smem:$0x3FFD];
	_ =	sdelay $0x3  }
0xe: {  	_ =	strace s1  }
0xf: {  	_ =	strace $0x8FFFFFFF  }
0x10: {  	s19 =	sld [smem:$0x3FDB];
	_ =	sdelay $0x1  }
0x11: {  	s20 =	simm.s32 $_scs_section_size  }
0x12: {  	s4 =	simm.s32 $_size__tile_overlayer_lowered;
	s5 =	simm.s32 $_tile_overlayer_lowered  }
0x13: {  	s23 =	simm.s32 $0x1BFF;
	s22 =	sshll.u32 s5, $0x1;
	s1 =	sadd.s32 s20, s19  }
0x14: {  	s6 =	simm.s32 $0x0;
	s21 =	sshll.u32 s4, $0x1;
	s4 =	sadd.s32 s22, s1  }
0x15: {  	[timem:s6], [sflag:s23] =	dma.local [hbm:s4], s21  }
0x16: {  	_ =	swait.ge [sflag:s23], s21  }
0x17: {  	s2 =	ssub.s32 $0x0, s21;
	[sflag:s23] =	ssyncset.done $0x0  }
0x18: {  	[sflag:s23] =	ssyncadd.s32 s2;
	_ =	sdelay $0x1  }
0x19: {  	s24 =	simm.s32 $0x1B8B  }
0x1a: {  	_ =	swait.ge [sflag:s24], $0x1  }
0x1b: {  	[sflag:s24] =	ssyncset.done $0x0  }
0x1c: {  	s26 =	simm.s32 $0x1B8E;
	s25 =	sld [smem:$0x3FFE];
	[sflag:s24] =	ssyncadd.s32 $0xFFFFFFFF  }
0x1d: {  	s27 =	simm.s32 $execute0_lowered;
	[smem:$0x3FD2] =	sst s26  }
0x1e: {  	s4 =	sshll.u32 s27, $0x1;
	_ =	strace $0x80000046;
	[dreg:$0x1] =	wrdreg $0xFFFFFFFF  }
0x1f: {  	s28 =	simm.s32 $_size_execute0_lowered;
	s1 =	sadd.s32 s1, s4;
	[dreg:$0x0] =	wrdreg $0x0  }
0x20: {  	s4 =	sshll.u32 s28, $0x1;
	[dreg:$0x2] =	wrdreg s1  }
0x21: {  	[dreg:$0x3] =	wrdreg s4  }
0x22: {  	[dreg:$0x4] =	wrdreg $0xC0  }
0x23: {  	_ =	task [dreg:s6], $0x5FFFF  }
0x24: {  	[dreg:$0x1] =	wrdreg $0xFFFFFFFF  }
0x25: {  	[dreg:$0x0] =	wrdreg $0x60  }
0x26: {  	[dreg:$0x2] =	wrdreg s25  }
0x27: {  	[dreg:$0x3] =	wrdreg $0x9  }
0x28: {  	_ =	task.clear_ibuf [dreg:s6], $0x4FFFF;
	_ =	strace $0x90000046  }
0x29: {  	s29 =	simm.s32 $0x9;
	_ =	strace $0x80000048  }
0x2a: {  	_ =	swait.ge [sflag:s29], $0x1  }
0x2b: {  	[sflag:s29] =	ssyncadd.s32 $0xFFFFFFFF  }
0x2c: {  	_ =	strace $0x90000048  }
0x2d: {  	_ =	sfence  }
0x2e: {  	s30 =	sld [smem:$0x0];
	_ =	sdelay $0x2  }
0x2f: {  	s31 =	sshll.u32 s3, $0xD;
	s3 =	sshrl.u32 s3, $0x2  }
0x30: {  	s2 =	sand.u32 $0x4000, s31;
	s1 =	sadd.s32 s3, s30  }
0x31: {  	s0 =	sor.u32 s2, s0;
	s1 =	sshll.u32 s1, $0x11  }
0x32: {  	s0 =	sor.u32 s1, s0  }
0x33: {  	s0 =	sadd.s32 $0x8F2B, s0  }
0x34: {  	[sflag:s0] =	ssyncadd.remote.s32 $0x1  }
0x35: {  	_ =	sfence.sel $0xFFFF  }
0x36: {  	[dreg:$0x0] =	wrdreg $0xFFFFFFFF;
	(pc) =	sbr.abs _section_cstart, $3  }
0x37: {  	[dreg:$0x1] =	wrdreg $0xFFFFFFFF  }
0x38: {  	_ =	task.clear_ibuf [dreg:s6], $0x2FFFF;
	_ =	strace $0x9FFFFFFF  }
0x39: {  	(tm) =	ssettm $0x7FFFFFFF  }
tec
execute0_lowered:
.L_overlay_start_1:
0x0: {  	(tag) =	ssettag $0x1  }
0x1: {  	s1 =	rddreg [dreg:$0x0]  }
0x2: {  	s0 =	rddreg [dreg:$0x1]  }
0x3: {  	_ =	strace $0x80000047;
	s4 =	srdreg.scid;
	s6 =	simm.s32 $0x2  }
0x4: {  	s13 =	simm.s32 $0x0;
	p0 =	por $0x0, $0x0;
	s15 =	simm.s32 $0x0  }
0x5: {  	s14 =	simm.s32 $0x0;
	s8 =	simm.s32 $0x0;
	s9 =	simm.s32 $0x0  }
.Ltmp0:
0x6: {  	s10 =	simm.s32 $0x0;
	s12 =	simm.s32 $0x0;
	(pc) =	sbr.rel .LBB1_1-.Ltmp0, $4  }
0x7: {  	s2 =	sadd.s32 $0x19000, s1;
	s3 =	sadd.s32 $0x159000, s1;
	s5 =	sshll.u32 s4, $0x4  }
0x8: {  	s1 =	stileid.u32;
	s4 =	simm.s32 $0x1;
	s5 =	sand.u32 $0x10, s5  }
0x9: {  	s7 =	simm.s32 $0x0;
	[sflag:s4] =	ssyncpa.u1 $0x0;
	s5 =	sor.u32 s1, s5  }
0xa: {  	[sflag:s6] =	ssyncpa.u1 $0x0;
	s6 =	simm.s32 $0x0;
	s11 =	smov.u32 s5  }
.LBB1_5:
0xb: {  	p1 =	slt.u32 s7, $0x2  }
0xc: {  	p2 =	sgt.s32 @!p1 s15, $0x1F  }
0xd: {  	s16 =	smov.u32 s15;
	s17 =	sshra.s32 @!p1 s15, $0x1F;
	p2 =	por !p2, p1  }
0xe: {  	s15 =	sand.u32 @!p1 s17, s15;
	s16 =	simm.s32 @p2 $0x1F  }
0xf: {  	p3 =	sgt.s32 @!p1 s13, $0x948;
	s15 =	ssub.s32 @!p1 s16, s15  }
0x10: {  	p3 =	por !p3, p1;
	s17 =	smov.u32 s13;
	s16 =	sadd.s32 @!p1 $0xFFFFFFE1, s15  }
0x11: {  	s15 =	ssub.s32 @!p1 $0x20, s15;
	p2 =	sgt.s32 @!p1 s16, $0x0;
	s16 =	sshra.s32 @!p1 s13, $0x1F  }
0x12: {  	s13 =	sand.u32 @!p1 s16, s13;
	s16 =	ssub.s32 @!p1 $0x0, s14;
	p2 =	por !p2, p1  }
0x13: {  	s17 =	simm.s32 @p3 $0x948;
	s14 =	smin.u32 @!p1 s14, s16;
	s15 =	simm.s32 @!p2 $0x0  }
0x14: {  	s13 =	ssub.s32 @!p1 s17, s13;
	s17 =	smov.u32 s11;
	p2 =	sgt.s32 @!p1 s14, $0x7F  }
0x15: {  	s16 =	sadd.s32 @!p1 $0xFFFFF6B8, s13;
	s14 =	ssub.s32 @!p1 $0x80, s14;
	p2 =	por !p2, p1  }
0x16: {  	s13 =	ssub.s32 @!p1 $0x9C8, s13;
	p3 =	sgt.s32 @!p1 s16, $0x7F;
	s14 =	simm.s32 @!p2 $0x0  }
0x17: {  	s16 =	sadd.s32 $0x80, s10;
	p2 =	por !p3, p1;
	s14 =	smul.u32 @!p1 s14, s15  }
0x18: {  	s13 =	simm.s32 @!p2 $0x0;
	p2 =	sgt.s32 s16, $0x9C3;
	s15 =	sadd.s32 $0x20, s11  }
0x19: {  	s18 =	smov.u32 s12;
	s17 =	smov.u32 @p2 s15  }
0x1a: {  	s13 =	smul.u32 @!p1 s13, s14;
	p3 =	sgt.s32 s17, $0x1F;
	s14 =	sadd.s32 $0x80, s12  }
0x1b: {  	s7 =	sadd.s32 $0x1, s7;
	p0 =	por !p0, !p0;
	s18 =	smov.u32 @p3 s14  }
0x1c: {  	s19 =	simm.s32 @!p1 $0x2;
	s16 =	simm.s32 @p2 $0x0;
	p2 =	sgt.s32 s18, $0x7F  }
0x1d: {  	s15 =	smov.u32 s8;
	s18 =	simm.s32 @p2 $0x0;
	p2 =	sne.s32 s7, $0x16  }
.Ltmp1:
0x1e: {  	s8 =	smov.u32 s11;
	s17 =	smov.u32 @p3 s5;
	(pc) =	sbr.rel @!p2 .LBB1_6-.Ltmp1, $4  }
0x1f: {  	s14 =	smov.u32 s9;
	s9 =	smov.u32 s12;
	s13 =	sand.u32 @!p1 $0x3FFFFFFF, s13  }
0x20: {  	s11 =	smov.u32 s17;
	_ =	swait.ge @!p1 [sflag:s19], s13;
	s20 =	ssub.s32 @!p1 $0x0, s13  }
0x21: {  	s13 =	smov.u32 s6;
	s6 =	smov.u32 s10;
	[sflag:s19] =	ssyncset.done @!p1 $0x0  }
0x22: {  	s10 =	smov.u32 s16;
	s12 =	smov.u32 s18;
	[sflag:s19] =	ssyncadd.s32 @!p1 s20  }
.LBB1_1:
0x23: {  	p1 =	sgt.u32 s7, $0x13  }
0x24: {  	s16 =	sshrl.u32 @!p1 s11, $0x3  }
0x25: {  	s17 =	sshll.u32 @!p1 s10, $0x3;
	s16 =	smul.u32 @!p1 $0x5000, s16  }
0x26: {  	s18 =	sshll.u32 @!p1 s11, $0x7;
	s17 =	sand.u32 @!p1 $0xFFFFFC00, s17  }
0x27: {  	s16 =	sadd.s32 @!p1 s16, s17;
	s17 =	sand.u32 @!p1 $0x380, s18  }
0x28: {  	s18 =	sand.u32 @!p1 $0x7F, s10;
	s16 =	sor.u32 @!p1 s17, s16  }
0x29: {  	s17 =	sor.u32 @!p1 s18, s16  }
0x2a: {  	s18 =	smulhi.u32 @!p1 $0xCCCCCCCD, s17  }
0x2b: {  	s16 =	smulhi.u32 @!p1 $0xCCCCCCCD, s16  }
0x2c: {  	s18 =	sshrl.u32 @!p1 s18, $0xB  }
0x2d: {  	s16 =	sshrl.u32 @!p1 s16, $0xB;
	s18 =	smul.u32 @!p1 $0xA00, s18  }
0x2e: {  	s19 =	sxor.u32 @!p1 $0xFFFFFFFF, s7;
	s20 =	smul.u32 @!p1 $0x2800, s12;
	s16 =	sand.u32 @!p1 $0x1F, s16  }
0x2f: {  	s19 =	sshll.u32 @!p1 s19, $0xE;
	s16 =	smul.u32 @!p1 $0x140, s16;
	s17 =	ssub.s32 @!p1 s17, s18  }
0x30: {  	s18 =	sand.u32 @!p1 $0x4000, s19;
	s19 =	sadd.s32 @!p1 s2, s20;
	s20 =	sand.u32 @!p1 $0x7, s17  }
0x31: {  	s17 =	sshrl.u32 @!p1 s17, $0x3;
	s16 =	sadd.s32 @!p1 s16, s19;
	s19 =	sshll.u32 @!p1 s20, $0x12  }
0x32: {  	s16 =	sadd.s32 @!p1 s17, s16;
	s17 =	sor.u32 @!p1 $0x80, s19;
	s19 =	simm.s32 @!p1 $0x14000  }
0x33: {  	[tilespmem:s18], [sflag:$0x1] =	stream.strided.gather @!p1 [hbm4b:s16+s17], $0x4000, s19, s17, $0x38;
	[tilespmem:$0x10100] =	vst v63  }
0x34: {  	p1 =	seq.s32 s7, $0x0  }
0x35: {  	p2 =	seq.s32 @!p1 s7, $0x15  }
0x36: {  	p1 =	por p1, p2  }
.Ltmp2:
0x37: {  	_ = 	snop;
	(pc) =	sbr.rel @p1 .LBB1_5-.Ltmp2, $1  }
0x38: {  	_ =	sdelay $0x3  }
0x39: {  	s16 =	simm.s32 $0x1  }
0x3a: {  	_ =	swait.ge [sflag:s4], $0x4000;
	s16 =	simm.s32 @!p0 $0x0  }
0x3b: {  	[sflag:s4] =	ssyncset.done $0x0;
	s17 =	sshll.u32 s16, $0xE  }
0x3c: {  	[sflag:s4] =	ssyncadd.s32 $0xFFFFC000;
	s17 =	sor.u32 $0x40, s17  }
0x3d: {  	s16 =	smul.u32 $0x10200, s16;
	v0 =	vld [tilespmem:s17+$0x30]  }
0x3e: {  	v1 =	vld [tilespmem:s17+$0xFFFFFFD0]  }
0x3f: {  	s16 =	sshrl.u32 s16, $0x2;
	v5 =	vld [tilespmem:s17+$0xFFFFFFE0]  }
0x40: {  	v6 =	vld [tilespmem:s17+$0xFFFFFFF0];
	s19 =	sor.u32 $0x8000, s16  }
0x41: {  	s31 =	sand.u32 $0x1, s7;
	v4 =	vld [tilespmem:s17+$0x0];
	s18 =	sadd.s32 $0x0, s19  }
0x42: {  	v3 =	vld [tilespmem:s17+$0x10];
	s16 =	smul.u32 $0x10200, s31;
	[tilespmem:s18+$0x3870 ss:$0x81] =	vst.msk $0xffff, v0  }
0x43: {  	v2 =	vld [tilespmem:s17+$0x20];
	[tilespmem:s18+$0x810 ss:$0x81] =	vst.msk $0xffff, v1  }
0x44: {  	s16 =	sshrl.u32 s16, $0x2;
	v0 =	vld [tilespmem:s17+$0xFFFFFFC0];
	[tilespmem:s18+$0x1020 ss:$0x81] =	vst.msk $0xffff, v5;
	s17 =	sadd.s32 $0x80, s17  }
0x45: {  	s20 =	simm.s32 $0x4;
	s21 =	simm.s32 $0x8;
	s16 =	sor.u32 $0x8000, s16;
	[tilespmem:s18+$0x1830 ss:$0x81] =	vst.msk $0xffff, v6;
	v1 =	vld [tilespmem:s17+$0x30]  }
.LBB1_3:
0x46: {  	p1 =	sne.s32 s21, $0x1FC;
	v5 =	vld [tilespmem:s17+$0xFFFFFFD0];
	[tilespmem:s18+$0x2040 ss:$0x81] =	vst.msk $0xffff, v4  }
0x47: {  	v6 =	vld [tilespmem:s17+$0xFFFFFFE0];
	[tilespmem:s18+$0x2850 ss:$0x81] =	vst.msk $0xffff, v3  }
0x48: {  	s22 =	sshra.s32 s20, $0x2;
	s20 =	smov.u32 s21;
	v7 =	vld [tilespmem:s17+$0xFFFFFFF0];
	[tilespmem:s18+$0x3060 ss:$0x81] =	vst.msk $0xffff, v2  }
.Ltmp3:
0x49: {  	v4 =	vld [tilespmem:s17+$0x0];
	[tilespmem:s18+$0x0 ss:$0x81] =	vst.msk $0xffff, v0;
	s18 =	sadd.s32 s22, s19;
	(pc) =	sbr.rel @p1 .LBB1_3-.Ltmp3, $4  }
0x4a: {  	v3 =	vld [tilespmem:s17+$0x10];
	[tilespmem:s18+$0x3870 ss:$0x81] =	vst.msk $0xffff, v1  }
0x4b: {  	[tilespmem:s18+$0x810 ss:$0x81] =	vst.msk $0xffff, v5;
	v2 =	vld [tilespmem:s17+$0x20]  }
0x4c: {  	v0 =	vld [tilespmem:s17+$0xFFFFFFC0];
	[tilespmem:s18+$0x1020 ss:$0x81] =	vst.msk $0xffff, v6;
	s17 =	sadd.s32 $0x80, s17  }
0x4d: {  	s21 =	sadd.s32 $0x4, s21;
	v1 =	vld [tilespmem:s17+$0x30];
	[tilespmem:s18+$0x1830 ss:$0x81] =	vst.msk $0xffff, v7  }
0x4e: {  	s21 =	sshll.u32 s6, $0x7  }
0x4f: {  	s22 =	sshll.u32 s9, $0x3;
	p1 =	sgt.s32 s8, $0x1F;
	s27 =	sshra.s32 s8, $0x1F  }
0x50: {  	s20 =	sshra.s32 s20, $0x2;
	s23 =	sand.u32 $0xFFFFFC00, s21;
	s22 =	sand.u32 $0xFFFFFC00, s22  }
0x51: {  	s30 =	ssub.s32 $0x0, s9;
	s21 =	sand.u32 $0x380, s21;
	s22 =	sadd.s32 s22, s23  }
0x52: {  	[tilespmem:s18+$0x2040 ss:$0x81] =	vst.msk $0xffff, v4;
	s31 =	sshra.s32 s6, $0x1F;
	s21 =	sor.u32 s21, s22;
	s22 =	smov.u32 s8  }
0x53: {  	s19 =	sadd.s32 s20, s19;
	[tilespmem:s18+$0x2850 ss:$0x81] =	vst.msk $0xffff, v3;
	s23 =	sand.u32 s27, s8;
	s22 =	simm.s32 @!p1 $0x1F  }
0x54: {  	v5 =	vld [tilespmem:s17+$0xFFFFFFD0];
	[tilespmem:s18+$0x3060 ss:$0x81] =	vst.msk $0xffff, v2;
	s27 =	smul.u32 $0x9C80, s8;
	s21 =	sshrl.u32 s21, $0x7;
	s22 =	ssub.s32 s22, s23  }
0x55: {  	v58 =	vld [tilespmem:s17+$0xFFFFFFE0];
	[tilespmem:s18+$0x0 ss:$0x81] =	vst.msk $0xffff, v0;
	s18 =	sand.u32 s31, s6;
	s24 =	smulhi.u32 $0x1A2C2A9, s21;
	s28 =	sadd.s32 $0xFFFFFFE1, s22  }
0x56: {  	v59 =	vld [tilespmem:s17+$0xFFFFFFF0];
	s20 =	ssub.s32 $0x20, s22;
	s22 =	smov.u32 s6;
	p1 =	sgt.s32 s28, $0x0  }
0x57: {  	v60 =	vld [tilespmem:s17+$0x0];
	s29 =	sshrl.u32 s24, $0x4;
	s20 =	simm.s32 @p1 $0x0;
	p1 =	sgt.s32 s6, $0x948  }
0x58: {  	v61 =	vld [tilespmem:s17+$0x10];
	[tilespmem:s19+$0x3870 ss:$0x81] =	vst.msk $0xffff, v1;
	s24 =	smin.u32 s9, s30;
	s28 =	sshrl.u32 s9, $0x3;
	s22 =	simm.s32 @!p1 $0x948  }
0x59: {  	v62 =	vld [tilespmem:s17+$0x20];
	[tilespmem:s19+$0x810 ss:$0x81] =	vst.msk $0xffff, v5;
	p1 =	sgt.s32 s24, $0x7F;
	s24 =	ssub.s32 $0x80, s24;
	s18 =	ssub.s32 s22, s18  }
0x5a: {  	v63 =	vld [tilespmem:s17+$0xFFFFFFC0];
	[tilespmem:s19+$0x1020 ss:$0x81] =	vst.msk $0xffff, v58;
	s23 =	smul.u32 $0x9C8, s29;
	s24 =	simm.s32 @p1 $0x0;
	s26 =	sadd.s32 $0xFFFFF6B8, s18  }
0x5b: {  	[tilespmem:s19+$0x1830 ss:$0x81] =	vst.msk $0xffff, v59;
	s25 =	smul.u32 s24, s20;
	s18 =	ssub.s32 $0x9C8, s18;
	p1 =	sgt.s32 s26, $0x7F  }
.Ltmp4:
0x5c: {  	[tilespmem:s19+$0x2040 ss:$0x81] =	vst.msk $0xffff, v60;
	s29 =	sand.u32 $0xF, s28;
	s18 =	simm.s32 @p1 $0x0;
	(pc) =	sbr.rel .LBB1_5-.Ltmp4, $4  }
0x5d: {  	[tilespmem:s19+$0x2850 ss:$0x81] =	vst.msk $0xffff, v61;
	s21 =	ssub.s32 s21, s23;
	s20 =	sadd.s32 s3, s27;
	s17 =	smul.u32 s18, s25  }
0x5e: {  	[tilespmem:s19+$0x3060 ss:$0x81] =	vst.msk $0xffff, v62;
	s30 =	sshll.u32 s21, $0x4;
	s18 =	sadd.s32 s29, s20  }
0x5f: {  	s31 =	sand.u32 $0x7, s9;
	[tilespmem:s19+$0x0 ss:$0x81] =	vst.msk $0xffff, v63;
	s18 =	sadd.s32 s30, s18;
	s17 =	sand.u32 $0x3FFFFFFF, s17  }
0x60: {  	[hbm4b:s18+s31] =	stream.linear.scatter [tilespmem:s16], [sflag:$0x2], s17, $0x20;
	[tilespmem:$0x10100] =	vst v63  }
.LBB1_6:
0x61: {  	_ =	sfence.sel $0x180000  }
0x62: {  	s2 =	simm.s32 $0x1;
	[bflag:$0x0] =	sbarrier.arrive $0xFFFF  }
0x63: {  	s31 =	simm.s32 $0x2;
	[sflag:s2] =	ssyncpa.u1 $0x1  }
0x64: {  	[sflag:s31] =	ssyncpa.u1 $0x1  }
0x65: {  	p0 =	sne.s32 s1, $0x0;
	_ =	strace $0x90000047  }
0x66: {  	s0 =	sadd.s32 @!p0 $0x100000, s0;
	[bflag:$0x2] =	sbarrier.arrive $0xFFFF  }
0x67: {  	[sflag:s0] =	ssyncadd.tile.s32 @!p0 $0x1;
	_ =	shalt  }
.Lfunc_end1:
_tile_overlayer_lowered:
.L_overlay_start_2:
0x68: {  	(tag) =	ssettag $0x2  }
0x69: {  	s0 =	rddreg [dreg:$0x0];
	s2 =	stileid.u32  }
0x6a: {  	s1 =	rddreg [dreg:$0x1];
	p0 =	sne.s32 s2, $0x0  }
0x6b: {  	s3 =	rddreg [dreg:$0x2];
	[bflag:$0x3] =	sbarrier.arrive $0xFFFF;
	s2 =	simm.s32 @!p0 $0x1C01  }
0x6c: {  	[timem:s3], [sflag:s2] =	dma.local @!p0 [hbm:s0], s1  }
0x6d: {  	s0 =	simm.s32 @!p0 $0x1  }
0x6e: {  	_ =	swait.ge @!p0 [sflag:s0], s1  }
0x6f: {  	s1 =	ssub.s32 @!p0 $0x0, s1;
	[sflag:s0] =	ssyncset.done @!p0 $0x0  }
0x70: {  	[sflag:s0] =	ssyncadd.s32 @!p0 s1  }
0x71: {  	[bflag:$0x3] =	sbarrier.arrive $0xFFFF  }
0x72: {  	_ =	shalt  }

// kernel: sparse-core-data-format-call.cloned.1.call-start
scs
called_computation_lowered:
.L_overlay_start_0:
0x0: {  	s1 =	sld [smem:$0x3FD9]  }
0x1: {  	s2 =	sld [smem:$0x3FFE];
	_ =	sdelay $0x1  }
0x2: {  	s3 =	srdreg.scid  }
0x3: {  	s0 =	sand.u32 $0x1, s3  }
0x4: {  	s17 =	sshll.u32 s0, $0xA;
	s1 =	sadd.s32 s2, s1  }
0x5: {  	s1 =	sadd.s32 s1, s17  }
0x6: {  	[smem:$0x3FAB] =	sst s1  }
0x7: {  	_ = 	snop  }
0x8: {  	(tm) =	ssettm $0x1  }
0x9: {  	s18 =	sld [smem:$0x3FFB];
	_ =	sdelay $0x3  }
0xa: {  	_ =	strace s18  }
0xb: {  	s1 =	sld [smem:$0x3FFC];
	_ =	sdelay $0x3  }
0xc: {  	_ =	strace s1  }
0xd: {  	s1 =	sld [smem:$0x3FFD];
	_ =	sdelay $0x3  }
0xe: {  	_ =	strace s1  }
0xf: {  	_ =	strace $0x8FFFFFFF  }
0x10: {  	s19 =	sld [smem:$0x3FDB];
	_ =	sdelay $0x1  }
0x11: {  	s20 =	simm.s32 $_scs_section_size  }
0x12: {  	s4 =	simm.s32 $_size__tile_overlayer_lowered;
	s5 =	simm.s32 $_tile_overlayer_lowered  }
0x13: {  	s23 =	simm.s32 $0x1BFF;
	s22 =	sshll.u32 s5, $0x1;
	s1 =	sadd.s32 s20, s19  }
0x14: {  	s6 =	simm.s32 $0x0;
	s21 =	sshll.u32 s4, $0x1;
	s4 =	sadd.s32 s22, s1  }
0x15: {  	[timem:s6], [sflag:s23] =	dma.local [hbm:s4], s21  }
0x16: {  	_ =	swait.ge [sflag:s23], s21  }
0x17: {  	s2 =	ssub.s32 $0x0, s21;
	[sflag:s23] =	ssyncset.done $0x0  }
0x18: {  	[sflag:s23] =	ssyncadd.s32 s2;
	_ =	sdelay $0x1  }
0x19: {  	s24 =	simm.s32 $0x1B8B  }
0x1a: {  	_ =	swait.ge [sflag:s24], $0x1  }
0x1b: {  	[sflag:s24] =	ssyncset.done $0x0  }
0x1c: {  	s26 =	simm.s32 $0x1B8E;
	s25 =	sld [smem:$0x3FFE];
	[sflag:s24] =	ssyncadd.s32 $0xFFFFFFFF  }
0x1d: {  	s27 =	simm.s32 $execute0_lowered;
	[smem:$0x3FD2] =	sst s26  }
0x1e: {  	s4 =	sshll.u32 s27, $0x1;
	_ =	strace $0x80000049;
	[dreg:$0x1] =	wrdreg $0xFFFFFFFF  }
0x1f: {  	s28 =	simm.s32 $_size_execute0_lowered;
	s1 =	sadd.s32 s1, s4;
	[dreg:$0x0] =	wrdreg $0x0  }
0x20: {  	s4 =	sshll.u32 s28, $0x1;
	[dreg:$0x2] =	wrdreg s1  }
0x21: {  	[dreg:$0x3] =	wrdreg s4  }
0x22: {  	[dreg:$0x4] =	wrdreg $0xC0  }
0x23: {  	_ =	task [dreg:s6], $0x5FFFF  }
0x24: {  	[dreg:$0x1] =	wrdreg $0xFFFFFFFF  }
0x25: {  	[dreg:$0x0] =	wrdreg $0x60  }
0x26: {  	[dreg:$0x2] =	wrdreg s25  }
0x27: {  	[dreg:$0x3] =	wrdreg $0x9  }
0x28: {  	_ =	task.clear_ibuf [dreg:s6], $0x4FFFF;
	_ =	strace $0x90000049  }
0x29: {  	s29 =	simm.s32 $0x9;
	_ =	strace $0x8000004B  }
0x2a: {  	_ =	swait.ge [sflag:s29], $0x1  }
0x2b: {  	[sflag:s29] =	ssyncadd.s32 $0xFFFFFFFF  }
0x2c: {  	_ =	strace $0x9000004B  }
0x2d: {  	_ =	sfence  }
0x2e: {  	s30 =	sld [smem:$0x0];
	_ =	sdelay $0x2  }
0x2f: {  	s31 =	sshll.u32 s3, $0xD;
	s3 =	sshrl.u32 s3, $0x2  }
0x30: {  	s2 =	sand.u32 $0x4000, s31;
	s1 =	sadd.s32 s3, s30  }
0x31: {  	s0 =	sor.u32 s2, s0;
	s1 =	sshll.u32 s1, $0x11  }
0x32: {  	s0 =	sor.u32 s1, s0  }
0x33: {  	s0 =	sadd.s32 $0x8F2B, s0  }
0x34: {  	[sflag:s0] =	ssyncadd.remote.s32 $0x1  }
0x35: {  	_ =	sfence.sel $0xFFFF  }
0x36: {  	[dreg:$0x0] =	wrdreg $0xFFFFFFFF;
	(pc) =	sbr.abs _section_cstart, $3  }
0x37: {  	[dreg:$0x1] =	wrdreg $0xFFFFFFFF  }
0x38: {  	_ =	task.clear_ibuf [dreg:s6], $0x2FFFF;
	_ =	strace $0x9FFFFFFF  }
0x39: {  	(tm) =	ssettm $0x7FFFFFFF  }
tec
execute0_lowered:
.L_overlay_start_1:
0x0: {  	(tag) =	ssettag $0x1  }
0x1: {  	s0 =	srdreg.scid  }
0x2: {  	s6 =	rddreg [dreg:$0x0];
	s7 =	simm.s32 $0x1;
	s8 =	simm.s32 $0x2  }
0x3: {  	s15 =	simm.s32 $0x0;
	s9 =	simm.s32 $0x271000;
	s1 =	sshll.u32 s0, $0x4  }
0x4: {  	s10 =	simm.s32 $0x0;
	s0 =	stileid.u32;
	s1 =	sand.u32 $0x10, s1  }
0x5: {  	s16 =	simm.s32 $0x0;
	s17 =	simm.s32 $0x0;
	s1 =	sor.u32 s0, s1  }
0x6: {  	s12 =	simm.s32 $0x0;
	s13 =	simm.s32 $0x0;
	s2 =	sshll.u32 s1, $0x2  }
0x7: {  	s14 =	simm.s32 $0x0;
	s3 =	sadd.s32 $0x159000, s6;
	s5 =	ssub.s32 $0x9C4, s2  }
.Ltmp0:
0x8: {  	s6 =	sadd.s32 $0x19000, s6;
	s4 =	sand.u32 $0x7C, s5;
	(pc) =	sbr.rel .LBB1_1-.Ltmp0, $4  }
0x9: {  	s1 =	rddreg [dreg:$0x1];
	_ =	strace $0x8000004A;
	p0 =	sne.s32 s4, $0x0  }
0xa: {  	s5 =	sshrl.u32 s5, $0x7;
	s4 =	simm.s32 $0x1;
	s7 =	simm.s32 @!p0 $0x0  }
0xb: {  	s11 =	smov.u32 s2;
	[sflag:s4] =	ssyncpa.u1 $0x0;
	s5 =	sadd.s32 s7, s5  }
0xc: {  	[sflag:s8] =	ssyncpa.u1 $0x0;
	s8 =	simm.s32 $0x1000;
	s7 =	sadd.s32 $0x1, s5  }
.LBB1_9:
0xd: {  	s18 =	sadd.s32 $0x80, s11  }
0xe: {  	s15 =	sadd.s32 $0x8, s12;
	s19 =	smov.u32 s12;
	p1 =	sgt.s32 s18, $0x9C3  }
0xf: {  	s19 =	smov.u32 @p1 s15  }
0x10: {  	s21 =	smov.u32 s13;
	s15 =	sadd.s32 $0x4, s13;
	p2 =	sgt.s32 s19, $0x7  }
0x11: {  	s21 =	smov.u32 @p2 s15  }
0x12: {  	s18 =	smov.u32 @p1 s2;
	p1 =	sgt.s32 s21, $0x3  }
0x13: {  	p0 =	slt.u32 s14, $0x2;
	s21 =	simm.s32 @p1 $0x0;
	p1 =	sne.s32 s14, s7  }
.Ltmp1:
0x14: {  	s20 =	simm.s32 @!p0 $0x2;
	(pc) =	sbr.rel @!p1 .LBB1_10-.Ltmp1, $4  }
0x15: {  	s16 =	smov.u32 s12;
	s17 =	smov.u32 s13;
	_ =	swait.ge @!p0 [sflag:s20], $0x4000  }
0x16: {  	s10 =	sadd.s32 $0x4000, s10;
	[sflag:s20] =	ssyncset.done @!p0 $0x0;
	s19 =	simm.s32 @p2 $0x0  }
0x17: {  	s15 =	smov.u32 s11;
	[sflag:s20] =	ssyncadd.s32 @!p0 $0xFFFFC000;
	s11 =	smov.u32 s18  }
0x18: {  	s12 =	smov.u32 s19;
	s14 =	sadd.s32 $0x1, s14;
	s13 =	smov.u32 s21  }
.LBB1_1:
0x19: {  	p0 =	sge.u32 s14, s5  }
0x1a: {  	s18 =	sand.u32 @!p0 $0x1FFFFFF, s11  }
0x1b: {  	s19 =	smulhi.u32 @!p0 $0x1A2C2A9, s18  }
0x1c: {  	s20 =	smul.u32 @!p0 $0x4E400, s13  }
0x1d: {  	s22 =	smul.u32 @!p0 $0x9C80, s12;
	s19 =	sshrl.u32 @!p0 s19, $0x4  }
0x1e: {  	s19 =	smul.u32 @!p0 $0x9C8, s19  }
0x1f: {  	s31 =	sadd.s32 $0xFFFFFFFF, s14;
	s20 =	sadd.s32 @!p0 s3, s20  }
0x20: {  	s21 =	sxor.u32 @!p0 $0xFFFFFFFF, s14;
	s20 =	sadd.s32 @!p0 s22, s20;
	s18 =	ssub.s32 @!p0 s18, s19  }
0x21: {  	s19 =	sshll.u32 @!p0 s21, $0xE;
	s21 =	simm.s32 @!p0 $0x4E400;
	s18 =	sshll.u32 @!p0 s18, $0x4  }
0x22: {  	s19 =	sand.u32 @!p0 $0x4000, s19;
	s18 =	sadd.s32 @!p0 s18, s20;
	s20 =	simm.s32 @!p0 $0x200  }
0x23: {  	[tilespmem:s19], [sflag:$0x1] =	stream.strided.gather @!p0 [hbm4b:s18+s20], $0x4000, s21, s20, $0x38;
	[tilespmem:$0x10000] =	vst v63  }
0x24: {  	p0 =	sge.u32 s31, s5  }
.Ltmp2:
0x25: {  	_ = 	snop;
	(pc) =	sbr.rel @p0 .LBB1_9-.Ltmp2, $1  }
0x26: {  	_ =	sdelay $0x3  }
0x27: {  	s18 =	sand.u32 $0x4000, s10  }
0x28: {  	_ =	swait.ge [sflag:s4], $0x4000;
	s21 =	sshll.u32 s14, $0xE;
	s19 =	sor.u32 $0x8040, s18  }
0x29: {  	s20 =	sor.u32 $0x40, s18;
	[sflag:s4] =	ssyncset.done $0x0;
	s31 =	sand.u32 $0x4000, s21  }
0x2a: {  	s21 =	simm.s32 $0x0;
	[sflag:s4] =	ssyncadd.s32 $0xFFFFC000;
	s18 =	sor.u32 $0x8000, s31  }
.LBB1_3:
0x2b: {  	s22 =	smov.u32 s20;
	s23 =	smov.u32 s19;
	s24 =	simm.s32 $0x0  }
.LBB1_4:
0x2c: {  	v0 =	vmov s22;
	_ =	sdelay $0x3  }
0x2d: {  	s26 =	simm.s32 $0x0  }
0x2e: {  	v6 =	vld.idx.msk [tilespmem:v0+s26+$0x30 ss:$0x1], $0xffff  }
0x2f: {  	v7 =	vld.idx.msk [tilespmem:v0+s26+$0xFFFFFFC0 ss:$0x1], $0xffff  }
0x30: {  	v5 =	vld.idx.msk [tilespmem:v0+s26+$0xFFFFFFD0 ss:$0x1], $0xffff  }
0x31: {  	v4 =	vld.idx.msk [tilespmem:v0+s26+$0xFFFFFFE0 ss:$0x1], $0xffff  }
0x32: {  	v3 =	vld.idx.msk [tilespmem:v0+s26+$0xFFFFFFF0 ss:$0x1], $0xffff  }
0x33: {  	v1 =	vld.idx.msk [tilespmem:v0+s26+$0x0 ss:$0x1], $0xffff  }
0x34: {  	v2 =	vld.idx.msk [tilespmem:v0+s26+$0x10 ss:$0x1], $0xffff;
	[tilespmem:s23+$0x30] =	vst v6  }
0x35: {  	s25 =	simm.s32 $0x80;
	s27 =	simm.s32 $0x400;
	[tilespmem:s23+$0xFFFFFFC0] =	vst v7;
	v6 =	vld.idx.msk [tilespmem:v0+s26+$0x20 ss:$0x1], $0xffff;
	s26 =	smov.u32 s23  }
.LBB1_5:
0x36: {  	p0 =	sne.s32 s27, $0x600;
	v7 =	vld.idx.msk [tilespmem:v0+s25+$0x30 ss:$0x1], $0xffff;
	[tilespmem:s26+$0xFFFFFFD0] =	vst v5  }
0x37: {  	v8 =	vld.idx.msk [tilespmem:v0+s25+$0xFFFFFFC0 ss:$0x1], $0xffff;
	[tilespmem:s26+$0xFFFFFFE0] =	vst v4  }
0x38: {  	v5 =	vld.idx.msk [tilespmem:v0+s25+$0xFFFFFFD0 ss:$0x1], $0xffff;
	[tilespmem:s26+$0xFFFFFFF0] =	vst v3  }
.Ltmp3:
0x39: {  	v4 =	vld.idx.msk [tilespmem:v0+s25+$0xFFFFFFE0 ss:$0x1], $0xffff;
	[tilespmem:s26+$0x0] =	vst v1;
	(pc) =	sbr.rel @p0 .LBB1_5-.Ltmp3, $4  }
0x3a: {  	v3 =	vld.idx.msk [tilespmem:v0+s25+$0xFFFFFFF0 ss:$0x1], $0xffff;
	[tilespmem:s26+$0x10] =	vst v2  }
0x3b: {  	v1 =	vld.idx.msk [tilespmem:v0+s25+$0x0 ss:$0x1], $0xffff;
	[tilespmem:s26+$0x20] =	vst v6;
	s26 =	sadd.s32 $0x400, s26  }
0x3c: {  	v2 =	vld.idx.msk [tilespmem:v0+s25+$0x10 ss:$0x1], $0xffff;
	[tilespmem:s26+$0x30] =	vst v7  }
0x3d: {  	[tilespmem:s26+$0xFFFFFFC0] =	vst v8;
	v6 =	vld.idx.msk [tilespmem:v0+s25+$0x20 ss:$0x1], $0xffff;
	s25 =	sshra.s32 s27, $0x2;
	s27 =	sadd.s32 $0x200, s27  }
0x3e: {  	_ =	sdelay $0x2  }
0x3f: {  	[tilespmem:s26+$0xFFFFFFD0] =	vst v5  }
0x40: {  	v56 =	vld.idx.msk [tilespmem:v0+s25+$0x30 ss:$0x1], $0xffff;
	[tilespmem:s26+$0xFFFFFFE0] =	vst v4  }
0x41: {  	v57 =	vld.idx.msk [tilespmem:v0+s25+$0xFFFFFFC0 ss:$0x1], $0xffff;
	[tilespmem:s26+$0xFFFFFFF0] =	vst v3  }
0x42: {  	v58 =	vld.idx.msk [tilespmem:v0+s25+$0xFFFFFFD0 ss:$0x1], $0xffff;
	[tilespmem:s26+$0x0] =	vst v1  }
0x43: {  	v59 =	vld.idx.msk [tilespmem:v0+s25+$0xFFFFFFE0 ss:$0x1], $0xffff;
	[tilespmem:s26+$0x10] =	vst v2  }
0x44: {  	v60 =	vld.idx.msk [tilespmem:v0+s25+$0xFFFFFFF0 ss:$0x1], $0xffff;
	s31 =	sadd.s32 $0x400, s26;
	[tilespmem:s26+$0x20] =	vst v6  }
0x45: {  	v61 =	vld.idx.msk [tilespmem:v0+s25+$0x0 ss:$0x1], $0xffff;
	[tilespmem:s31+$0x30] =	vst v56  }
0x46: {  	v62 =	vld.idx.msk [tilespmem:v0+s25+$0x10 ss:$0x1], $0xffff;
	s24 =	sadd.s32 $0x1, s24;
	[tilespmem:s31+$0xFFFFFFC0] =	vst v57  }
0x47: {  	v63 =	vld.idx.msk [tilespmem:v0+s25+$0x20 ss:$0x1], $0xffff;
	p0 =	sne.s32 s24, $0x8;
	[tilespmem:s31+$0xFFFFFFD0] =	vst v58  }
.Ltmp4:
0x48: {  	[tilespmem:s31+$0xFFFFFFE0] =	vst v59;
	(pc) =	sbr.rel @p0 .LBB1_4-.Ltmp4, $4  }
0x49: {  	[tilespmem:s31+$0xFFFFFFF0] =	vst v60  }
0x4a: {  	[tilespmem:s31+$0x0] =	vst v61  }
0x4b: {  	[tilespmem:s31+$0x10] =	vst v62  }
0x4c: {  	s23 =	sadd.s32 $0x80, s23;
	s22 =	sadd.s32 $0x200, s22;
	[tilespmem:s31+$0x20] =	vst v63  }
0x4d: {  	s21 =	sadd.s32 $0x1, s21  }
0x4e: {  	p0 =	sne.s32 s21, $0x4  }
.Ltmp5:
0x4f: {  	_ = 	snop;
	(pc) =	sbr.rel @p0 .LBB1_3-.Ltmp5, $2  }
0x50: {  	_ =	sdelay $0x2  }
0x51: {  	s19 =	sadd.s32 $0x1000, s19;
	s20 =	sadd.s32 $0x1000, s20  }
0x52: {  	s17 =	smul.u32 $0x4E200, s17  }
.Ltmp6:
0x53: {  	_ = 	snop;
	(pc) =	sbr.rel .LBB1_9-.Ltmp6, $4  }
0x54: {  	s15 =	sshll.u32 s15, $0x7;
	s16 =	sshll.u32 s16, $0x4;
	s17 =	sadd.s32 s6, s17  }
0x55: {  	s16 =	sand.u32 $0x70, s16;
	s15 =	sadd.s32 s15, s17  }
0x56: {  	s15 =	sadd.s32 s16, s15  }
0x57: {  	[hbm4b:s15+s8] =	stream.strided.scatter [tilespmem:s18], [sflag:$0x2], $0x4000, s9, s8, $0x38;
	[tilespmem:$0x10000] =	vst v63  }
.LBB1_10:
0x58: {  	_ =	sfence.sel $0x180000  }
0x59: {  	s2 =	simm.s32 $0x1;
	[bflag:$0x0] =	sbarrier.arrive $0xFFFF  }
0x5a: {  	s31 =	simm.s32 $0x2;
	[sflag:s2] =	ssyncpa.u1 $0x1  }
0x5b: {  	[sflag:s31] =	ssyncpa.u1 $0x1  }
0x5c: {  	p0 =	sne.s32 s0, $0x0;
	_ =	strace $0x9000004A  }
0x5d: {  	s0 =	sadd.s32 @!p0 $0x100000, s1;
	[bflag:$0x2] =	sbarrier.arrive $0xFFFF  }
0x5e: {  	[sflag:s0] =	ssyncadd.tile.s32 @!p0 $0x1;
	_ =	shalt  }
.Lfunc_end1:
_tile_overlayer_lowered:
.L_overlay_start_2:
0x5f: {  	(tag) =	ssettag $0x2  }
0x60: {  	s0 =	rddreg [dreg:$0x0];
	s2 =	stileid.u32  }
0x61: {  	s1 =	rddreg [dreg:$0x1];
	p0 =	sne.s32 s2, $0x0  }
0x62: {  	s3 =	rddreg [dreg:$0x2];
	[bflag:$0x3] =	sbarrier.arrive $0xFFFF;
	s2 =	simm.s32 @!p0 $0x1C01  }
0x63: {  	[timem:s3], [sflag:s2] =	dma.local @!p0 [hbm:s0], s1  }
0x64: {  	s0 =	simm.s32 @!p0 $0x1  }
0x65: {  	_ =	swait.ge @!p0 [sflag:s0], s1  }
0x66: {  	s1 =	ssub.s32 @!p0 $0x0, s1;
	[sflag:s0] =	ssyncset.done @!p0 $0x0  }
0x67: {  	[sflag:s0] =	ssyncadd.s32 @!p0 s1  }
0x68: {  	[bflag:$0x3] =	sbarrier.arrive $0xFFFF  }
0x69: {  	_ =	shalt  }

</sc_bundles>
